<compile_context>
chip_gen: v7x
topology: tpu7x:2x2x1
jax: 0.10.2.dev20260603
libtpu: 0.0.44.dev20260713+nightly
codegen_flags: <defaults>
</compile_context>

<pallas_src>
import functools

import jax
import jax.numpy as jnp
from jax import lax
from jax.experimental import pallas as pl
from jax.experimental.pallas import tpu as pltpu
from jax.experimental.pallas import tpu_sc as plsc

_NUM_BUCKETS = 1000000
_DIM = 64
_MODEL_DIM = 1024
_B, _S = 4, 8192
_FLAT = _B * _S
_NW = 32
_CHUNK = _FLAT // _NW
_CPR = _S // _CHUNK


def _sc_hash_gather_body(ids_hbm, table_hbm, emb_hbm, ids_v, hash_v, rows_v,
                         sem):
    c = lax.axis_index("c")
    s = lax.axis_index("s")
    w = s * 2 + c
    base = w * _CHUNK
    chunk_in_row = w % _CPR

    pltpu.sync_copy(ids_hbm.at[pl.ds(base, _CHUNK)], ids_v.at[pl.ds(16, _CHUNK)])

    @pl.when(chunk_in_row != 0)
    def _():
        pltpu.sync_copy(ids_hbm.at[pl.ds(base - 16, 16)], ids_v.at[pl.ds(0, 16)])

    @pl.when(chunk_in_row == 0)
    def _():
        ids_v[pl.ds(0, 16)] = jnp.zeros((16,), jnp.int32)

    @plsc.parallel_loop(jnp.int32(0), jnp.int32(_CHUNK), jnp.int32(16),
                        unroll=4)
    def _hash_step(off):
        cur = ids_v[pl.ds(16 + off, 16)]
        prev = ids_v[pl.ds(15 + off, 16)]
        h = (1000 * ((435 * cur) % 1000) + 761 * cur + 40503 * prev) % _NUM_BUCKETS
        hash_v[pl.ds(off, 16)] = h

    for half in range(2):
        hbase = half * (_CHUNK // 2)

        def _row_gather(i, carry):
            off = i * jnp.int32(16)
            hv = hash_v[pl.ds(hbase + off, 16)]
            for j in range(16):
                pltpu.async_copy(table_hbm.at[pl.ds(hv[j], 1)],
                                 rows_v.at[pl.ds(off + j, 1)], sem)
            return carry

        lax.fori_loop(jnp.int32(0), jnp.int32(_CHUNK // 32), _row_gather,
                      jnp.int32(0))
        pltpu.make_async_copy(table_hbm.at[pl.ds(0, _CHUNK // 2)], rows_v,
                              sem).wait()
        pltpu.sync_copy(rows_v,
                        emb_hbm.at[pl.ds(base + hbase, _CHUNK // 2)])


_sc_hash_gather = functools.partial(
    pl.kernel,
    mesh=plsc.VectorSubcoreMesh(core_axis_name="c", subcore_axis_name="s"),
    out_type=jax.ShapeDtypeStruct((_FLAT, _DIM), jnp.float32),
    scratch_types=[
        pltpu.VMEM((_CHUNK + 16,), jnp.int32),
        pltpu.VMEM((_CHUNK,), jnp.int32),
        pltpu.VMEM((_CHUNK // 2, _DIM), jnp.float32),
        pltpu.SemaphoreType.DMA,
    ],
)(_sc_hash_gather_body)


def _mm_body(emb_ref, proj_ref, out_ref):
    out_ref[...] = lax.dot_general(
        emb_ref[...], proj_ref[...],
        dimension_numbers=(((1,), (1,)), ((), ())),
        preferred_element_type=jnp.float32)


_BM = 2048


def _matmul(emb, proj):
    return pl.pallas_call(
        _mm_body,
        grid=(_FLAT // _BM,),
        in_specs=[
            pl.BlockSpec((_BM, _DIM), lambda i: (i, jnp.int32(0))),
            pl.BlockSpec((_MODEL_DIM, _DIM),
                         lambda i: (jnp.int32(0), jnp.int32(0))),
        ],
        out_specs=pl.BlockSpec((_BM, _MODEL_DIM), lambda i: (i, jnp.int32(0))),
        out_shape=jax.ShapeDtypeStruct((_FLAT, _MODEL_DIM), jnp.float32),
    )(emb, proj)


def kernel(input_ids, embed_weight, proj_weight):
    ids32 = input_ids.reshape(-1).astype(jnp.int32)
    emb = _sc_hash_gather(ids32, embed_weight)
    out = _matmul(emb, proj_weight)
    return out.reshape(_B, _S, _MODEL_DIM)

# --- scband reference (transcript-rebuilt; emitter-appended) ---
"""Pipeline reference for scband-bigram-hash-67233418052249 (READ-ONLY COPY).

The authoritative reference and input builder live on the scoring server;
editing this copy changes nothing except your own understanding.
"""

import jax
jax.config.update("jax_enable_x64", True)
import jax.numpy as jnp
import numpy as np

NUM_BUCKETS = 1000000
DIM = 64
MODEL_DIM = 1024
B, S = 4, 8192


def setup_inputs(seed: int = 0) -> dict:
    key = jax.random.key(seed)
    k1, k2, k3 = jax.random.split(key, 3)
    input_ids = jax.random.randint(k1, (B, S), 0, 50000, dtype=jnp.int64)
    # nn.Embedding default init: N(0, 1)
    embed_weight = jax.random.normal(k2, (NUM_BUCKETS, DIM), dtype=jnp.float32)
    # nn.Linear(dim, model_dim, bias=False): weight shape [model_dim, dim]
    bound = 1.0 / np.sqrt(DIM)
    proj_weight = jax.random.uniform(k3, (MODEL_DIM, DIM), dtype=jnp.float32, minval=-bound, maxval=bound)
    return {"input_ids": input_ids, "embed_weight": embed_weight, "proj_weight": proj_weight}


def reference(input_ids, embed_weight, proj_weight):
    # prev_ids = F.pad(input_ids[:, :-1], (1, 0))
    prev_ids = jnp.pad(input_ids[:, :-1], ((0, 0), (1, 0)))
    bigram_hash = (input_ids * 2654435761 + prev_ids * 40503) % NUM_BUCKETS
    # embedding gather
    emb = jnp.take(embed_weight, bigram_hash, axis=0)  # [B, S, DIM]
    # CastedLinear: weight cast to x dtype (both float32 here), no bias
    out = emb @ proj_weight.astype(emb.dtype).T  # [B, S, MODEL_DIM]
    return out

if __name__ == "__main__":
    import jax
    _d = setup_inputs()
    print(jax.jit(kernel)(*tuple(_d.values())))

</pallas_src>

<mosaic_0001>
#map = affine_map<(d0, d1) -> (0)>
#map1 = affine_map<(d0, d1) -> (0, 0)>
module attributes {stable_mosaic.version = 14 : i64} {
  func.func @_sc_hash_gather_body(%arg0: i32, %arg1: i32, %arg2: memref<32768xi32, #tpu.memory_space<hbm>>, %arg3: memref<1000000x64xf32, #tpu.memory_space<hbm>>, %arg4: memref<32768x64xf32, #tpu.memory_space<hbm>>, %arg5: memref<1040xi32, #tpu.memory_space<vmem>>, %arg6: memref<1024xi32, #tpu.memory_space<vmem>>, %arg7: memref<512x64xf32, #tpu.memory_space<vmem>>, %arg8: memref<!tpu.dma_semaphore, #tpu.memory_space<semaphore_mem>>) attributes {dimension_semantics = [#tpu.dimension_semantics<core_parallel>, #tpu.dimension_semantics<subcore_parallel>], iteration_bounds = array<i64: 2, 16>, scalar_prefetch = 0 : i64, scratch_operands = 4 : i64, tpu.core_type = #tpu.core_type<sc_vector_subcore>, window_params = [{transform_indices = #map}, {transform_indices = #map1}, {transform_indices = #map1}]} {
    %mul3A = arith.constant 2 : i32
    %mul3A_0 = arith.muli %arg1, %mul3A : i32
    %add3A = arith.addi %mul3A_0, %arg0 : i32
    %mul3A_1 = arith.constant 1024 : i32
    %mul3A_2 = arith.muli %add3A, %mul3A_1 : i32
    %jit3A = arith.constant 8 : i64
    %convert_element_type3A = arith.trunci %jit3A : i64 to i32
    %eq3A = arith.constant 0 : i32
    %eq3A_3 = arith.cmpi eq, %convert_element_type3A, %eq3A : i32
    %jit3A_4 = arith.constant 1 : i32
    %select_n3A = arith.select %eq3A_3, %jit3A_4, %convert_element_type3A : i32
    %rem3A = arith.remsi %add3A, %select_n3A : i32
    %ne3A = arith.constant 0 : i32
    %ne3A_5 = arith.cmpi ne, %rem3A, %ne3A : i32
    %lt3A = arith.constant 0 : i32
    %lt3A_6 = arith.cmpi slt, %rem3A, %lt3A : i32
    %lt3A_7 = arith.constant 0 : i32
    %lt3A_8 = arith.cmpi slt, %select_n3A, %lt3A_7 : i32
    %ne3A_9 = arith.xori %lt3A_6, %lt3A_8 : i1
    %and3A = arith.andi %ne3A_9, %ne3A_5 : i1
    %add3A_10 = arith.addi %rem3A, %select_n3A : i32
    %select_n3A_11 = arith.select %and3A, %add3A_10, %rem3A : i32
    "tpu.region"() ({
      %run_scoped3A = tpu.sem_alloc : memref<!tpu.dma_semaphore, #tpu.memory_space<semaphore_mem>>
      %dma_start3A = arith.constant 16 : i32
      %dma_start3A_59 = tpu.memref_slice %arg5[%dma_start3A] : memref<1040xi32, #tpu.memory_space<vmem>> -> memref<1024xi32, #tpu.memory_space<vmem>>
      %dma_start3A_60 = tpu.memref_slice %arg2[%mul3A_2] : memref<32768xi32, #tpu.memory_space<hbm>> -> memref<1024xi32, #tpu.memory_space<hbm>>
      %dma_start3A_61 = arith.constant 16 : i32
      %dma_start3A_62 = tpu.memref_slice %arg5[%dma_start3A_61] : memref<1040xi32, #tpu.memory_space<vmem>> -> memref<1024xi32, #tpu.memory_space<vmem>>
      %dma_start3A_63 = tpu.memref_slice %arg2[%mul3A_2] : memref<32768xi32, #tpu.memory_space<hbm>> -> memref<1024xi32, #tpu.memory_space<hbm>>
      tpu.enqueue_dma source(%dma_start3A_63 : memref<1024xi32, #tpu.memory_space<hbm>>) target(%dma_start3A_62 : memref<1024xi32, #tpu.memory_space<vmem>>) target_semaphore(%run_scoped3A : memref<!tpu.dma_semaphore, #tpu.memory_space<semaphore_mem>>)
      %dma_wait3A_64 = arith.constant 16 : i32
      %dma_wait3A_65 = tpu.memref_slice %arg5[%dma_wait3A_64] : memref<1040xi32, #tpu.memory_space<vmem>> -> memref<1024xi32, #tpu.memory_space<vmem>>
      %dma_wait3A_66 = tpu.memref_slice %arg2[%mul3A_2] : memref<32768xi32, #tpu.memory_space<hbm>> -> memref<1024xi32, #tpu.memory_space<hbm>>
      %dma_wait3A_67 = arith.constant 16 : i32
      %dma_wait3A_68 = tpu.memref_slice %arg5[%dma_wait3A_67] : memref<1040xi32, #tpu.memory_space<vmem>> -> memref<1024xi32, #tpu.memory_space<vmem>>
      %dma_wait3A_69 = tpu.memref_slice %arg2[%mul3A_2] : memref<32768xi32, #tpu.memory_space<hbm>> -> memref<1024xi32, #tpu.memory_space<hbm>>
      tpu.wait_dma2 semaphore(%run_scoped3A : memref<!tpu.dma_semaphore, #tpu.memory_space<semaphore_mem>>) src(%dma_wait3A_69 : memref<1024xi32, #tpu.memory_space<hbm>>) dst(%dma_wait3A_68 : memref<1024xi32, #tpu.memory_space<vmem>>)
      tpu.yield
    }) : () -> ()
    %ne3A_12 = arith.constant 0 : i32
    %ne3A_13 = arith.cmpi ne, %select_n3A_11, %ne3A_12 : i32
    %convert_element_type3A_14 = arith.extui %ne3A_13 : i1 to i32
    %cond3A = arith.constant 0 : i32
    %cond3A_15 = arith.cmpi ne, %convert_element_type3A_14, %cond3A : i32
    scf.if %cond3A_15 {
      %sub3A = arith.constant 16 : i32
      %sub3A_59 = arith.subi %mul3A_2, %sub3A : i32
      "tpu.region"() ({
        %run_scoped3A = tpu.sem_alloc : memref<!tpu.dma_semaphore, #tpu.memory_space<semaphore_mem>>
        %dma_start3A = arith.constant 0 : i32
        %dma_start3A_60 = tpu.memref_slice %arg5[%dma_start3A] : memref<1040xi32, #tpu.memory_space<vmem>> -> memref<16xi32, #tpu.memory_space<vmem>>
        %dma_start3A_61 = tpu.memref_slice %arg2[%sub3A_59] : memref<32768xi32, #tpu.memory_space<hbm>> -> memref<16xi32, #tpu.memory_space<hbm>>
        %dma_start3A_62 = arith.constant 0 : i32
        %dma_start3A_63 = tpu.memref_slice %arg5[%dma_start3A_62] : memref<1040xi32, #tpu.memory_space<vmem>> -> memref<16xi32, #tpu.memory_space<vmem>>
        %dma_start3A_64 = tpu.memref_slice %arg2[%sub3A_59] : memref<32768xi32, #tpu.memory_space<hbm>> -> memref<16xi32, #tpu.memory_space<hbm>>
        tpu.enqueue_dma source(%dma_start3A_64 : memref<16xi32, #tpu.memory_space<hbm>>) target(%dma_start3A_63 : memref<16xi32, #tpu.memory_space<vmem>>) target_semaphore(%run_scoped3A : memref<!tpu.dma_semaphore, #tpu.memory_space<semaphore_mem>>)
        %dma_wait3A_65 = arith.constant 0 : i32
        %dma_wait3A_66 = tpu.memref_slice %arg5[%dma_wait3A_65] : memref<1040xi32, #tpu.memory_space<vmem>> -> memref<16xi32, #tpu.memory_space<vmem>>
        %dma_wait3A_67 = tpu.memref_slice %arg2[%sub3A_59] : memref<32768xi32, #tpu.memory_space<hbm>> -> memref<16xi32, #tpu.memory_space<hbm>>
        %dma_wait3A_68 = arith.constant 0 : i32
        %dma_wait3A_69 = tpu.memref_slice %arg5[%dma_wait3A_68] : memref<1040xi32, #tpu.memory_space<vmem>> -> memref<16xi32, #tpu.memory_space<vmem>>
        %dma_wait3A_70 = tpu.memref_slice %arg2[%sub3A_59] : memref<32768xi32, #tpu.memory_space<hbm>> -> memref<16xi32, #tpu.memory_space<hbm>>
        tpu.wait_dma2 semaphore(%run_scoped3A : memref<!tpu.dma_semaphore, #tpu.memory_space<semaphore_mem>>) src(%dma_wait3A_70 : memref<16xi32, #tpu.memory_space<hbm>>) dst(%dma_wait3A_69 : memref<16xi32, #tpu.memory_space<vmem>>)
        tpu.yield
      }) : () -> ()
    } else {
    }
    %eq3A_16 = arith.constant 0 : i32
    %eq3A_17 = arith.cmpi eq, %select_n3A_11, %eq3A_16 : i32
    %convert_element_type3A_18 = arith.extui %eq3A_17 : i1 to i32
    %cond3A_19 = arith.constant 0 : i32
    %cond3A_20 = arith.cmpi ne, %convert_element_type3A_18, %cond3A_19 : i32
    scf.if %cond3A_20 {
      %broadcast_in_dim3A = arith.constant 0 : i32
      %broadcast_in_dim3A_59 = vector.broadcast %broadcast_in_dim3A : i32 to vector<16xi32>
      %swap3A = arith.constant 0 : index
      %swap3A_60 = tpu.vector_load %arg5[%swap3A] {strides = array<i32>} : memref<1040xi32, #tpu.memory_space<vmem>>, vector<16xi32>,
      %swap3A_61 = vector.shape_cast %swap3A_60 : vector<16xi32> to vector<16xi32>
      %swap3A_62 = vector.shape_cast %broadcast_in_dim3A_59 : vector<16xi32> to vector<16xi32>
      tpu.vector_store %arg5[%swap3A], %swap3A_62 {strides = array<i32>} : memref<1040xi32, #tpu.memory_space<vmem>>, vector<16xi32>,
    } else {
    }
    %parallel_loop3A = arith.constant 0 : i32
    %parallel_loop3A_21 = arith.constant 1024 : i32
    %parallel_loop3A_22 = arith.constant 16 : i32
    scf.for %parallel_loop3A_59 = %parallel_loop3A to %parallel_loop3A_21 step %parallel_loop3A_22  : i32 {
      %parallel_loop3A_60 = arith.constant 16 : i32
      %parallel_loop3A_61 = arith.addi %parallel_loop3A_60, %parallel_loop3A_59 : i32
      %parallel_loop3A_62 = arith.index_cast %parallel_loop3A_61 : i32 to index
      %parallel_loop3A_63 = tpu.vector_load %arg5[%parallel_loop3A_62] {strides = array<i32>} : memref<1040xi32, #tpu.memory_space<vmem>>, vector<16xi32>,
      %parallel_loop3A_64 = vector.shape_cast %parallel_loop3A_63 : vector<16xi32> to vector<16xi32>
      %parallel_loop3A_65 = arith.constant 15 : i32
      %parallel_loop3A_66 = arith.addi %parallel_loop3A_65, %parallel_loop3A_59 : i32
      %parallel_loop3A_67 = arith.index_cast %parallel_loop3A_66 : i32 to index
      %parallel_loop3A_68 = tpu.vector_load %arg5[%parallel_loop3A_67] {strides = array<i32>} : memref<1040xi32, #tpu.memory_space<vmem>>, vector<16xi32>,
      %parallel_loop3A_69 = vector.shape_cast %parallel_loop3A_68 : vector<16xi32> to vector<16xi32>
      %parallel_loop3A_70 = arith.constant 435 : i32
      %parallel_loop3A_71 = vector.broadcast %parallel_loop3A_70 : i32 to vector<16xi32>
      %parallel_loop3A_72 = arith.muli %parallel_loop3A_71, %parallel_loop3A_64 : vector<16xi32>
      %parallel_loop3A_73 = arith.constant 1000 : i64
      %parallel_loop3A_74 = arith.trunci %parallel_loop3A_73 : i64 to i32
      %parallel_loop3A_75 = arith.constant 0 : i32
      %parallel_loop3A_76 = arith.cmpi eq, %parallel_loop3A_74, %parallel_loop3A_75 : i32
      %parallel_loop3A_77 = arith.constant 1 : i32
      %parallel_loop3A_78 = arith.select %parallel_loop3A_76, %parallel_loop3A_77, %parallel_loop3A_74 : i32
      %parallel_loop3A_79 = vector.broadcast %parallel_loop3A_78 : i32 to vector<16xi32>
      %parallel_loop3A_80 = arith.remsi %parallel_loop3A_72, %parallel_loop3A_79 : vector<16xi32>
      %parallel_loop3A_81 = arith.constant 0 : i32
      %parallel_loop3A_82 = vector.broadcast %parallel_loop3A_81 : i32 to vector<16xi32>
      %parallel_loop3A_83 = arith.cmpi ne, %parallel_loop3A_80, %parallel_loop3A_82 : vector<16xi32>
      %parallel_loop3A_84 = arith.constant 0 : i32
      %parallel_loop3A_85 = vector.broadcast %parallel_loop3A_84 : i32 to vector<16xi32>
      %parallel_loop3A_86 = arith.cmpi slt, %parallel_loop3A_80, %parallel_loop3A_85 : vector<16xi32>
      %parallel_loop3A_87 = arith.constant 0 : i32
      %parallel_loop3A_88 = arith.cmpi slt, %parallel_loop3A_78, %parallel_loop3A_87 : i32
      %parallel_loop3A_89 = vector.broadcast %parallel_loop3A_88 : i1 to vector<16xi1>
      %parallel_loop3A_90 = vector.broadcast %parallel_loop3A_89 : vector<16xi1> to vector<16xi1>
      %parallel_loop3A_91 = arith.xori %parallel_loop3A_86, %parallel_loop3A_90 : vector<16xi1>
      %parallel_loop3A_92 = arith.andi %parallel_loop3A_91, %parallel_loop3A_83 : vector<16xi1>
      %parallel_loop3A_93 = vector.broadcast %parallel_loop3A_78 : i32 to vector<16xi32>
      %parallel_loop3A_94 = arith.addi %parallel_loop3A_80, %parallel_loop3A_93 : vector<16xi32>
      %parallel_loop3A_95 = arith.select %parallel_loop3A_92, %parallel_loop3A_94, %parallel_loop3A_80 : vector<16xi1>, vector<16xi32>
      %parallel_loop3A_96 = arith.constant 1000 : i32
      %parallel_loop3A_97 = vector.broadcast %parallel_loop3A_96 : i32 to vector<16xi32>
      %parallel_loop3A_98 = arith.muli %parallel_loop3A_97, %parallel_loop3A_95 : vector<16xi32>
      %parallel_loop3A_99 = arith.constant 761 : i32
      %parallel_loop3A_100 = vector.broadcast %parallel_loop3A_99 : i32 to vector<16xi32>
      %parallel_loop3A_101 = arith.muli %parallel_loop3A_100, %parallel_loop3A_64 : vector<16xi32>
      %parallel_loop3A_102 = arith.addi %parallel_loop3A_98, %parallel_loop3A_101 : vector<16xi32>
      %parallel_loop3A_103 = arith.constant 40503 : i32
      %parallel_loop3A_104 = vector.broadcast %parallel_loop3A_103 : i32 to vector<16xi32>
      %parallel_loop3A_105 = arith.muli %parallel_loop3A_104, %parallel_loop3A_69 : vector<16xi32>
      %parallel_loop3A_106 = arith.addi %parallel_loop3A_102, %parallel_loop3A_105 : vector<16xi32>
      %parallel_loop3A_107 = arith.constant 1000000 : i64
      %parallel_loop3A_108 = arith.trunci %parallel_loop3A_107 : i64 to i32
      %parallel_loop3A_109 = arith.constant 0 : i32
      %parallel_loop3A_110 = arith.cmpi eq, %parallel_loop3A_108, %parallel_loop3A_109 : i32
      %parallel_loop3A_111 = arith.constant 1 : i32
      %parallel_loop3A_112 = arith.select %parallel_loop3A_110, %parallel_loop3A_111, %parallel_loop3A_108 : i32
      %parallel_loop3A_113 = vector.broadcast %parallel_loop3A_112 : i32 to vector<16xi32>
      %parallel_loop3A_114 = arith.remsi %parallel_loop3A_106, %parallel_loop3A_113 : vector<16xi32>
      %parallel_loop3A_115 = arith.constant 0 : i32
      %parallel_loop3A_116 = vector.broadcast %parallel_loop3A_115 : i32 to vector<16xi32>
      %parallel_loop3A_117 = arith.cmpi ne, %parallel_loop3A_114, %parallel_loop3A_116 : vector<16xi32>
      %parallel_loop3A_118 = arith.constant 0 : i32
      %parallel_loop3A_119 = vector.broadcast %parallel_loop3A_118 : i32 to vector<16xi32>
      %parallel_loop3A_120 = arith.cmpi slt, %parallel_loop3A_114, %parallel_loop3A_119 : vector<16xi32>
      %parallel_loop3A_121 = arith.constant 0 : i32
      %parallel_loop3A_122 = arith.cmpi slt, %parallel_loop3A_112, %parallel_loop3A_121 : i32
      %parallel_loop3A_123 = vector.broadcast %parallel_loop3A_122 : i1 to vector<16xi1>
      %parallel_loop3A_124 = vector.broadcast %parallel_loop3A_123 : vector<16xi1> to vector<16xi1>
      %parallel_loop3A_125 = arith.xori %parallel_loop3A_120, %parallel_loop3A_124 : vector<16xi1>
      %parallel_loop3A_126 = arith.andi %parallel_loop3A_125, %parallel_loop3A_117 : vector<16xi1>
      %parallel_loop3A_127 = vector.broadcast %parallel_loop3A_112 : i32 to vector<16xi32>
      %parallel_loop3A_128 = arith.addi %parallel_loop3A_114, %parallel_loop3A_127 : vector<16xi32>
      %parallel_loop3A_129 = arith.select %parallel_loop3A_126, %parallel_loop3A_128, %parallel_loop3A_114 : vector<16xi1>, vector<16xi32>
      %parallel_loop3A_130 = arith.index_cast %parallel_loop3A_59 : i32 to index
      %parallel_loop3A_131 = tpu.vector_load %arg6[%parallel_loop3A_130] {strides = array<i32>} : memref<1024xi32, #tpu.memory_space<vmem>>, vector<16xi32>,
      %parallel_loop3A_132 = vector.shape_cast %parallel_loop3A_131 : vector<16xi32> to vector<16xi32>
      %parallel_loop3A_133 = vector.shape_cast %parallel_loop3A_129 : vector<16xi32> to vector<16xi32>
      tpu.vector_store %arg6[%parallel_loop3A_130], %parallel_loop3A_133 {strides = array<i32>} : memref<1024xi32, #tpu.memory_space<vmem>>, vector<16xi32>,
    } {sc.loop_unroll_factor = 4 : i64, sc.parallel_access}
    %while3A = arith.constant 0 : i32
    %while3A_23 = arith.constant 0 : i32
    %while3A_24 = arith.constant 32 : i32
    %while3A_25 = arith.subi %while3A_24, %while3A_23 : i32
    %while3A_26 = arith.addi %while3A_23, %while3A_25 : i32
    %while3A_27 = arith.constant 1 : i32
    %while3A_28 = arith.divsi %while3A_25, %while3A_27 : i32
    %while3A_29 = arith.muli %while3A_28, %while3A_27 : i32
    %while3A_30 = arith.addi %while3A_23, %while3A_29 : i32
    %while3A_31 = arith.constant 1 : i32
    scf.for %while3A_59 = %while3A_23 to %while3A_30 step %while3A_31  : i32 {
      %mul3A_60 = arith.constant 16 : i32
      %mul3A_61 = arith.muli %while3A_59, %mul3A_60 : i32
      %add3A_62 = arith.constant 0 : i32
      %add3A_63 = arith.addi %add3A_62, %mul3A_61 : i32
      %get3A = arith.index_cast %add3A_63 : i32 to index
      %get3A_64 = tpu.vector_load %arg6[%get3A] {strides = array<i32>} : memref<1024xi32, #tpu.memory_space<vmem>>, vector<16xi32>,
      %get3A_65 = vector.shape_cast %get3A_64 : vector<16xi32> to vector<16xi32>
      %slice3A = vector.extract_strided_slice %get3A_65 {offsets = [0], sizes = [1], strides = [1]} : vector<16xi32> to vector<1xi32>
      %squeeze3A = vector.extract %slice3A[0] : i32 from vector<1xi32>
      %add3A_66 = arith.constant 0 : i32
      %add3A_67 = arith.addi %mul3A_61, %add3A_66 : i32
      %dma_start3A = arith.constant 0 : i32
      %dma_start3A_68 = tpu.memref_slice %arg7[%add3A_67, %dma_start3A] : memref<512x64xf32, #tpu.memory_space<vmem>> -> memref<1x64xf32, #tpu.memory_space<vmem>>
      %dma_start3A_69 = arith.constant 0 : i32
      %dma_start3A_70 = tpu.memref_slice %arg3[%squeeze3A, %dma_start3A_69] : memref<1000000x64xf32, #tpu.memory_space<hbm>> -> memref<1x64xf32, #tpu.memory_space<hbm>>
      %dma_start3A_71 = arith.constant 0 : i32
      %dma_start3A_72 = tpu.memref_slice %arg7[%add3A_67, %dma_start3A_71] : memref<512x64xf32, #tpu.memory_space<vmem>> -> memref<1x64xf32, #tpu.memory_space<vmem>>
      %dma_start3A_73 = arith.constant 0 : i32
      %dma_start3A_74 = tpu.memref_slice %arg3[%squeeze3A, %dma_start3A_73] : memref<1000000x64xf32, #tpu.memory_space<hbm>> -> memref<1x64xf32, #tpu.memory_space<hbm>>
      tpu.enqueue_dma source(%dma_start3A_74 : memref<1x64xf32, #tpu.memory_space<hbm>>) target(%dma_start3A_72 : memref<1x64xf32, #tpu.memory_space<vmem>>) target_semaphore(%arg8 : memref<!tpu.dma_semaphore, #tpu.memory_space<semaphore_mem>>)
      %slice3A_75 = vector.extract_strided_slice %get3A_65 {offsets = [1], sizes = [1], strides = [1]} : vector<16xi32> to vector<1xi32>
      %squeeze3A_76 = vector.extract %slice3A_75[0] : i32 from vector<1xi32>
      %add3A_77 = arith.constant 1 : i32
      %add3A_78 = arith.addi %mul3A_61, %add3A_77 : i32
      %dma_start3A_79 = arith.constant 0 : i32
      %dma_start3A_80 = tpu.memref_slice %arg7[%add3A_78, %dma_start3A_79] : memref<512x64xf32, #tpu.memory_space<vmem>> -> memref<1x64xf32, #tpu.memory_space<vmem>>
      %dma_start3A_81 = arith.constant 0 : i32
      %dma_start3A_82 = tpu.memref_slice %arg3[%squeeze3A_76, %dma_start3A_81] : memref<1000000x64xf32, #tpu.memory_space<hbm>> -> memref<1x64xf32, #tpu.memory_space<hbm>>
      %dma_start3A_83 = arith.constant 0 : i32
      %dma_start3A_84 = tpu.memref_slice %arg7[%add3A_78, %dma_start3A_83] : memref<512x64xf32, #tpu.memory_space<vmem>> -> memref<1x64xf32, #tpu.memory_space<vmem>>
      %dma_start3A_85 = arith.constant 0 : i32
      %dma_start3A_86 = tpu.memref_slice %arg3[%squeeze3A_76, %dma_start3A_85] : memref<1000000x64xf32, #tpu.memory_space<hbm>> -> memref<1x64xf32, #tpu.memory_space<hbm>>
      tpu.enqueue_dma source(%dma_start3A_86 : memref<1x64xf32, #tpu.memory_space<hbm>>) target(%dma_start3A_84 : memref<1x64xf32, #tpu.memory_space<vmem>>) target_semaphore(%arg8 : memref<!tpu.dma_semaphore, #tpu.memory_space<semaphore_mem>>)
      %slice3A_87 = vector.extract_strided_slice %get3A_65 {offsets = [2], sizes = [1], strides = [1]} : vector<16xi32> to vector<1xi32>
      %squeeze3A_88 = vector.extract %slice3A_87[0] : i32 from vector<1xi32>
      %add3A_89 = arith.constant 2 : i32
      %add3A_90 = arith.addi %mul3A_61, %add3A_89 : i32
      %dma_start3A_91 = arith.constant 0 : i32
      %dma_start3A_92 = tpu.memref_slice %arg7[%add3A_90, %dma_start3A_91] : memref<512x64xf32, #tpu.memory_space<vmem>> -> memref<1x64xf32, #tpu.memory_space<vmem>>
      %dma_start3A_93 = arith.constant 0 : i32
      %dma_start3A_94 = tpu.memref_slice %arg3[%squeeze3A_88, %dma_start3A_93] : memref<1000000x64xf32, #tpu.memory_space<hbm>> -> memref<1x64xf32, #tpu.memory_space<hbm>>
      %dma_start3A_95 = arith.constant 0 : i32
      %dma_start3A_96 = tpu.memref_slice %arg7[%add3A_90, %dma_start3A_95] : memref<512x64xf32, #tpu.memory_space<vmem>> -> memref<1x64xf32, #tpu.memory_space<vmem>>
      %dma_start3A_97 = arith.constant 0 : i32
      %dma_start3A_98 = tpu.memref_slice %arg3[%squeeze3A_88, %dma_start3A_97] : memref<1000000x64xf32, #tpu.memory_space<hbm>> -> memref<1x64xf32, #tpu.memory_space<hbm>>
      tpu.enqueue_dma source(%dma_start3A_98 : memref<1x64xf32, #tpu.memory_space<hbm>>) target(%dma_start3A_96 : memref<1x64xf32, #tpu.memory_space<vmem>>) target_semaphore(%arg8 : memref<!tpu.dma_semaphore, #tpu.memory_space<semaphore_mem>>)
      %slice3A_99 = vector.extract_strided_slice %get3A_65 {offsets = [3], sizes = [1], strides = [1]} : vector<16xi32> to vector<1xi32>
      %squeeze3A_100 = vector.extract %slice3A_99[0] : i32 from vector<1xi32>
      %add3A_101 = arith.constant 3 : i32
      %add3A_102 = arith.addi %mul3A_61, %add3A_101 : i32
      %dma_start3A_103 = arith.constant 0 : i32
      %dma_start3A_104 = tpu.memref_slice %arg7[%add3A_102, %dma_start3A_103] : memref<512x64xf32, #tpu.memory_space<vmem>> -> memref<1x64xf32, #tpu.memory_space<vmem>>
      %dma_start3A_105 = arith.constant 0 : i32
      %dma_start3A_106 = tpu.memref_slice %arg3[%squeeze3A_100, %dma_start3A_105] : memref<1000000x64xf32, #tpu.memory_space<hbm>> -> memref<1x64xf32, #tpu.memory_space<hbm>>
      %dma_start3A_107 = arith.constant 0 : i32
      %dma_start3A_108 = tpu.memref_slice %arg7[%add3A_102, %dma_start3A_107] : memref<512x64xf32, #tpu.memory_space<vmem>> -> memref<1x64xf32, #tpu.memory_space<vmem>>
      %dma_start3A_109 = arith.constant 0 : i32
      %dma_start3A_110 = tpu.memref_slice %arg3[%squeeze3A_100, %dma_start3A_109] : memref<1000000x64xf32, #tpu.memory_space<hbm>> -> memref<1x64xf32, #tpu.memory_space<hbm>>
      tpu.enqueue_dma source(%dma_start3A_110 : memref<1x64xf32, #tpu.memory_space<hbm>>) target(%dma_start3A_108 : memref<1x64xf32, #tpu.memory_space<vmem>>) target_semaphore(%arg8 : memref<!tpu.dma_semaphore, #tpu.memory_space<semaphore_mem>>)
      %slice3A_111 = vector.extract_strided_slice %get3A_65 {offsets = [4], sizes = [1], strides = [1]} : vector<16xi32> to vector<1xi32>
      %squeeze3A_112 = vector.extract %slice3A_111[0] : i32 from vector<1xi32>
      %add3A_113 = arith.constant 4 : i32
      %add3A_114 = arith.addi %mul3A_61, %add3A_113 : i32
      %dma_start3A_115 = arith.constant 0 : i32
      %dma_start3A_116 = tpu.memref_slice %arg7[%add3A_114, %dma_start3A_115] : memref<512x64xf32, #tpu.memory_space<vmem>> -> memref<1x64xf32, #tpu.memory_space<vmem>>
      %dma_start3A_117 = arith.constant 0 : i32
      %dma_start3A_118 = tpu.memref_slice %arg3[%squeeze3A_112, %dma_start3A_117] : memref<1000000x64xf32, #tpu.memory_space<hbm>> -> memref<1x64xf32, #tpu.memory_space<hbm>>
      %dma_start3A_119 = arith.constant 0 : i32
      %dma_start3A_120 = tpu.memref_slice %arg7[%add3A_114, %dma_start3A_119] : memref<512x64xf32, #tpu.memory_space<vmem>> -> memref<1x64xf32, #tpu.memory_space<vmem>>
      %dma_start3A_121 = arith.constant 0 : i32
      %dma_start3A_122 = tpu.memref_slice %arg3[%squeeze3A_112, %dma_start3A_121] : memref<1000000x64xf32, #tpu.memory_space<hbm>> -> memref<1x64xf32, #tpu.memory_space<hbm>>
      tpu.enqueue_dma source(%dma_start3A_122 : memref<1x64xf32, #tpu.memory_space<hbm>>) target(%dma_start3A_120 : memref<1x64xf32, #tpu.memory_space<vmem>>) target_semaphore(%arg8 : memref<!tpu.dma_semaphore, #tpu.memory_space<semaphore_mem>>)
      %slice3A_123 = vector.extract_strided_slice %get3A_65 {offsets = [5], sizes = [1], strides = [1]} : vector<16xi32> to vector<1xi32>
      %squeeze3A_124 = vector.extract %slice3A_123[0] : i32 from vector<1xi32>
      %add3A_125 = arith.constant 5 : i32
      %add3A_126 = arith.addi %mul3A_61, %add3A_125 : i32
      %dma_start3A_127 = arith.constant 0 : i32
      %dma_start3A_128 = tpu.memref_slice %arg7[%add3A_126, %dma_start3A_127] : memref<512x64xf32, #tpu.memory_space<vmem>> -> memref<1x64xf32, #tpu.memory_space<vmem>>
      %dma_start3A_129 = arith.constant 0 : i32
      %dma_start3A_130 = tpu.memref_slice %arg3[%squeeze3A_124, %dma_start3A_129] : memref<1000000x64xf32, #tpu.memory_space<hbm>> -> memref<1x64xf32, #tpu.memory_space<hbm>>
      %dma_start3A_131 = arith.constant 0 : i32
      %dma_start3A_132 = tpu.memref_slice %arg7[%add3A_126, %dma_start3A_131] : memref<512x64xf32, #tpu.memory_space<vmem>> -> memref<1x64xf32, #tpu.memory_space<vmem>>
      %dma_start3A_133 = arith.constant 0 : i32
      %dma_start3A_134 = tpu.memref_slice %arg3[%squeeze3A_124, %dma_start3A_133] : memref<1000000x64xf32, #tpu.memory_space<hbm>> -> memref<1x64xf32, #tpu.memory_space<hbm>>
      tpu.enqueue_dma source(%dma_start3A_134 : memref<1x64xf32, #tpu.memory_space<hbm>>) target(%dma_start3A_132 : memref<1x64xf32, #tpu.memory_space<vmem>>) target_semaphore(%arg8 : memref<!tpu.dma_semaphore, #tpu.memory_space<semaphore_mem>>)
      %slice3A_135 = vector.extract_strided_slice %get3A_65 {offsets = [6], sizes = [1], strides = [1]} : vector<16xi32> to vector<1xi32>
      %squeeze3A_136 = vector.extract %slice3A_135[0] : i32 from vector<1xi32>
      %add3A_137 = arith.constant 6 : i32
      %add3A_138 = arith.addi %mul3A_61, %add3A_137 : i32
      %dma_start3A_139 = arith.constant 0 : i32
      %dma_start3A_140 = tpu.memref_slice %arg7[%add3A_138, %dma_start3A_139] : memref<512x64xf32, #tpu.memory_space<vmem>> -> memref<1x64xf32, #tpu.memory_space<vmem>>
      %dma_start3A_141 = arith.constant 0 : i32
      %dma_start3A_142 = tpu.memref_slice %arg3[%squeeze3A_136, %dma_start3A_141] : memref<1000000x64xf32, #tpu.memory_space<hbm>> -> memref<1x64xf32, #tpu.memory_space<hbm>>
      %dma_start3A_143 = arith.constant 0 : i32
      %dma_start3A_144 = tpu.memref_slice %arg7[%add3A_138, %dma_start3A_143] : memref<512x64xf32, #tpu.memory_space<vmem>> -> memref<1x64xf32, #tpu.memory_space<vmem>>
      %dma_start3A_145 = arith.constant 0 : i32
      %dma_start3A_146 = tpu.memref_slice %arg3[%squeeze3A_136, %dma_start3A_145] : memref<1000000x64xf32, #tpu.memory_space<hbm>> -> memref<1x64xf32, #tpu.memory_space<hbm>>
      tpu.enqueue_dma source(%dma_start3A_146 : memref<1x64xf32, #tpu.memory_space<hbm>>) target(%dma_start3A_144 : memref<1x64xf32, #tpu.memory_space<vmem>>) target_semaphore(%arg8 : memref<!tpu.dma_semaphore, #tpu.memory_space<semaphore_mem>>)
      %slice3A_147 = vector.extract_strided_slice %get3A_65 {offsets = [7], sizes = [1], strides = [1]} : vector<16xi32> to vector<1xi32>
      %squeeze3A_148 = vector.extract %slice3A_147[0] : i32 from vector<1xi32>
      %add3A_149 = arith.constant 7 : i32
      %add3A_150 = arith.addi %mul3A_61, %add3A_149 : i32
      %dma_start3A_151 = arith.constant 0 : i32
      %dma_start3A_152 = tpu.memref_slice %arg7[%add3A_150, %dma_start3A_151] : memref<512x64xf32, #tpu.memory_space<vmem>> -> memref<1x64xf32, #tpu.memory_space<vmem>>
      %dma_start3A_153 = arith.constant 0 : i32
      %dma_start3A_154 = tpu.memref_slice %arg3[%squeeze3A_148, %dma_start3A_153] : memref<1000000x64xf32, #tpu.memory_space<hbm>> -> memref<1x64xf32, #tpu.memory_space<hbm>>
      %dma_start3A_155 = arith.constant 0 : i32
      %dma_start3A_156 = tpu.memref_slice %arg7[%add3A_150, %dma_start3A_155] : memref<512x64xf32, #tpu.memory_space<vmem>> -> memref<1x64xf32, #tpu.memory_space<vmem>>
      %dma_start3A_157 = arith.constant 0 : i32
      %dma_start3A_158 = tpu.memref_slice %arg3[%squeeze3A_148, %dma_start3A_157] : memref<1000000x64xf32, #tpu.memory_space<hbm>> -> memref<1x64xf32, #tpu.memory_space<hbm>>
      tpu.enqueue_dma source(%dma_start3A_158 : memref<1x64xf32, #tpu.memory_space<hbm>>) target(%dma_start3A_156 : memref<1x64xf32, #tpu.memory_space<vmem>>) target_semaphore(%arg8 : memref<!tpu.dma_semaphore, #tpu.memory_space<semaphore_mem>>)
      %slice3A_159 = vector.extract_strided_slice %get3A_65 {offsets = [8], sizes = [1], strides = [1]} : vector<16xi32> to vector<1xi32>
      %squeeze3A_160 = vector.extract %slice3A_159[0] : i32 from vector<1xi32>
      %add3A_161 = arith.constant 8 : i32
      %add3A_162 = arith.addi %mul3A_61, %add3A_161 : i32
      %dma_start3A_163 = arith.constant 0 : i32
      %dma_start3A_164 = tpu.memref_slice %arg7[%add3A_162, %dma_start3A_163] : memref<512x64xf32, #tpu.memory_space<vmem>> -> memref<1x64xf32, #tpu.memory_space<vmem>>
      %dma_start3A_165 = arith.constant 0 : i32
      %dma_start3A_166 = tpu.memref_slice %arg3[%squeeze3A_160, %dma_start3A_165] : memref<1000000x64xf32, #tpu.memory_space<hbm>> -> memref<1x64xf32, #tpu.memory_space<hbm>>
      %dma_start3A_167 = arith.constant 0 : i32
      %dma_start3A_168 = tpu.memref_slice %arg7[%add3A_162, %dma_start3A_167] : memref<512x64xf32, #tpu.memory_space<vmem>> -> memref<1x64xf32, #tpu.memory_space<vmem>>
      %dma_start3A_169 = arith.constant 0 : i32
      %dma_start3A_170 = tpu.memref_slice %arg3[%squeeze3A_160, %dma_start3A_169] : memref<1000000x64xf32, #tpu.memory_space<hbm>> -> memref<1x64xf32, #tpu.memory_space<hbm>>
      tpu.enqueue_dma source(%dma_start3A_170 : memref<1x64xf32, #tpu.memory_space<hbm>>) target(%dma_start3A_168 : memref<1x64xf32, #tpu.memory_space<vmem>>) target_semaphore(%arg8 : memref<!tpu.dma_semaphore, #tpu.memory_space<semaphore_mem>>)
      %slice3A_171 = vector.extract_strided_slice %get3A_65 {offsets = [9], sizes = [1], strides = [1]} : vector<16xi32> to vector<1xi32>
      %squeeze3A_172 = vector.extract %slice3A_171[0] : i32 from vector<1xi32>
      %add3A_173 = arith.constant 9 : i32
      %add3A_174 = arith.addi %mul3A_61, %add3A_173 : i32
      %dma_start3A_175 = arith.constant 0 : i32
      %dma_start3A_176 = tpu.memref_slice %arg7[%add3A_174, %dma_start3A_175] : memref<512x64xf32, #tpu.memory_space<vmem>> -> memref<1x64xf32, #tpu.memory_space<vmem>>
      %dma_start3A_177 = arith.constant 0 : i32
      %dma_start3A_178 = tpu.memref_slice %arg3[%squeeze3A_172, %dma_start3A_177] : memref<1000000x64xf32, #tpu.memory_space<hbm>> -> memref<1x64xf32, #tpu.memory_space<hbm>>
      %dma_start3A_179 = arith.constant 0 : i32
      %dma_start3A_180 = tpu.memref_slice %arg7[%add3A_174, %dma_start3A_179] : memref<512x64xf32, #tpu.memory_space<vmem>> -> memref<1x64xf32, #tpu.memory_space<vmem>>
      %dma_start3A_181 = arith.constant 0 : i32
      %dma_start3A_182 = tpu.memref_slice %arg3[%squeeze3A_172, %dma_start3A_181] : memref<1000000x64xf32, #tpu.memory_space<hbm>> -> memref<1x64xf32, #tpu.memory_space<hbm>>
      tpu.enqueue_dma source(%dma_start3A_182 : memref<1x64xf32, #tpu.memory_space<hbm>>) target(%dma_start3A_180 : memref<1x64xf32, #tpu.memory_space<vmem>>) target_semaphore(%arg8 : memref<!tpu.dma_semaphore, #tpu.memory_space<semaphore_mem>>)
      %slice3A_183 = vector.extract_strided_slice %get3A_65 {offsets = [10], sizes = [1], strides = [1]} : vector<16xi32> to vector<1xi32>
      %squeeze3A_184 = vector.extract %slice3A_183[0] : i32 from vector<1xi32>
      %add3A_185 = arith.constant 10 : i32
      %add3A_186 = arith.addi %mul3A_61, %add3A_185 : i32
      %dma_start3A_187 = arith.constant 0 : i32
      %dma_start3A_188 = tpu.memref_slice %arg7[%add3A_186, %dma_start3A_187] : memref<512x64xf32, #tpu.memory_space<vmem>> -> memref<1x64xf32, #tpu.memory_space<vmem>>
      %dma_start3A_189 = arith.constant 0 : i32
      %dma_start3A_190 = tpu.memref_slice %arg3[%squeeze3A_184, %dma_start3A_189] : memref<1000000x64xf32, #tpu.memory_space<hbm>> -> memref<1x64xf32, #tpu.memory_space<hbm>>
      %dma_start3A_191 = arith.constant 0 : i32
      %dma_start3A_192 = tpu.memref_slice %arg7[%add3A_186, %dma_start3A_191] : memref<512x64xf32, #tpu.memory_space<vmem>> -> memref<1x64xf32, #tpu.memory_space<vmem>>
      %dma_start3A_193 = arith.constant 0 : i32
      %dma_start3A_194 = tpu.memref_slice %arg3[%squeeze3A_184, %dma_start3A_193] : memref<1000000x64xf32, #tpu.memory_space<hbm>> -> memref<1x64xf32, #tpu.memory_space<hbm>>
      tpu.enqueue_dma source(%dma_start3A_194 : memref<1x64xf32, #tpu.memory_space<hbm>>) target(%dma_start3A_192 : memref<1x64xf32, #tpu.memory_space<vmem>>) target_semaphore(%arg8 : memref<!tpu.dma_semaphore, #tpu.memory_space<semaphore_mem>>)
      %slice3A_195 = vector.extract_strided_slice %get3A_65 {offsets = [11], sizes = [1], strides = [1]} : vector<16xi32> to vector<1xi32>
      %squeeze3A_196 = vector.extract %slice3A_195[0] : i32 from vector<1xi32>
      %add3A_197 = arith.constant 11 : i32
      %add3A_198 = arith.addi %mul3A_61, %add3A_197 : i32
      %dma_start3A_199 = arith.constant 0 : i32
      %dma_start3A_200 = tpu.memref_slice %arg7[%add3A_198, %dma_start3A_199] : memref<512x64xf32, #tpu.memory_space<vmem>> -> memref<1x64xf32, #tpu.memory_space<vmem>>
      %dma_start3A_201 = arith.constant 0 : i32
      %dma_start3A_202 = tpu.memref_slice %arg3[%squeeze3A_196, %dma_start3A_201] : memref<1000000x64xf32, #tpu.memory_space<hbm>> -> memref<1x64xf32, #tpu.memory_space<hbm>>
      %dma_start3A_203 = arith.constant 0 : i32
      %dma_start3A_204 = tpu.memref_slice %arg7[%add3A_198, %dma_start3A_203] : memref<512x64xf32, #tpu.memory_space<vmem>> -> memref<1x64xf32, #tpu.memory_space<vmem>>
      %dma_start3A_205 = arith.constant 0 : i32
      %dma_start3A_206 = tpu.memref_slice %arg3[%squeeze3A_196, %dma_start3A_205] : memref<1000000x64xf32, #tpu.memory_space<hbm>> -> memref<1x64xf32, #tpu.memory_space<hbm>>
      tpu.enqueue_dma source(%dma_start3A_206 : memref<1x64xf32, #tpu.memory_space<hbm>>) target(%dma_start3A_204 : memref<1x64xf32, #tpu.memory_space<vmem>>) target_semaphore(%arg8 : memref<!tpu.dma_semaphore, #tpu.memory_space<semaphore_mem>>)
      %slice3A_207 = vector.extract_strided_slice %get3A_65 {offsets = [12], sizes = [1], strides = [1]} : vector<16xi32> to vector<1xi32>
      %squeeze3A_208 = vector.extract %slice3A_207[0] : i32 from vector<1xi32>
      %add3A_209 = arith.constant 12 : i32
      %add3A_210 = arith.addi %mul3A_61, %add3A_209 : i32
      %dma_start3A_211 = arith.constant 0 : i32
      %dma_start3A_212 = tpu.memref_slice %arg7[%add3A_210, %dma_start3A_211] : memref<512x64xf32, #tpu.memory_space<vmem>> -> memref<1x64xf32, #tpu.memory_space<vmem>>
      %dma_start3A_213 = arith.constant 0 : i32
      %dma_start3A_214 = tpu.memref_slice %arg3[%squeeze3A_208, %dma_start3A_213] : memref<1000000x64xf32, #tpu.memory_space<hbm>> -> memref<1x64xf32, #tpu.memory_space<hbm>>
      %dma_start3A_215 = arith.constant 0 : i32
      %dma_start3A_216 = tpu.memref_slice %arg7[%add3A_210, %dma_start3A_215] : memref<512x64xf32, #tpu.memory_space<vmem>> -> memref<1x64xf32, #tpu.memory_space<vmem>>
      %dma_start3A_217 = arith.constant 0 : i32
      %dma_start3A_218 = tpu.memref_slice %arg3[%squeeze3A_208, %dma_start3A_217] : memref<1000000x64xf32, #tpu.memory_space<hbm>> -> memref<1x64xf32, #tpu.memory_space<hbm>>
      tpu.enqueue_dma source(%dma_start3A_218 : memref<1x64xf32, #tpu.memory_space<hbm>>) target(%dma_start3A_216 : memref<1x64xf32, #tpu.memory_space<vmem>>) target_semaphore(%arg8 : memref<!tpu.dma_semaphore, #tpu.memory_space<semaphore_mem>>)
      %slice3A_219 = vector.extract_strided_slice %get3A_65 {offsets = [13], sizes = [1], strides = [1]} : vector<16xi32> to vector<1xi32>
      %squeeze3A_220 = vector.extract %slice3A_219[0] : i32 from vector<1xi32>
      %add3A_221 = arith.constant 13 : i32
      %add3A_222 = arith.addi %mul3A_61, %add3A_221 : i32
      %dma_start3A_223 = arith.constant 0 : i32
      %dma_start3A_224 = tpu.memref_slice %arg7[%add3A_222, %dma_start3A_223] : memref<512x64xf32, #tpu.memory_space<vmem>> -> memref<1x64xf32, #tpu.memory_space<vmem>>
      %dma_start3A_225 = arith.constant 0 : i32
      %dma_start3A_226 = tpu.memref_slice %arg3[%squeeze3A_220, %dma_start3A_225] : memref<1000000x64xf32, #tpu.memory_space<hbm>> -> memref<1x64xf32, #tpu.memory_space<hbm>>
      %dma_start3A_227 = arith.constant 0 : i32
      %dma_start3A_228 = tpu.memref_slice %arg7[%add3A_222, %dma_start3A_227] : memref<512x64xf32, #tpu.memory_space<vmem>> -> memref<1x64xf32, #tpu.memory_space<vmem>>
      %dma_start3A_229 = arith.constant 0 : i32
      %dma_start3A_230 = tpu.memref_slice %arg3[%squeeze3A_220, %dma_start3A_229] : memref<1000000x64xf32, #tpu.memory_space<hbm>> -> memref<1x64xf32, #tpu.memory_space<hbm>>
      tpu.enqueue_dma source(%dma_start3A_230 : memref<1x64xf32, #tpu.memory_space<hbm>>) target(%dma_start3A_228 : memref<1x64xf32, #tpu.memory_space<vmem>>) target_semaphore(%arg8 : memref<!tpu.dma_semaphore, #tpu.memory_space<semaphore_mem>>)
      %slice3A_231 = vector.extract_strided_slice %get3A_65 {offsets = [14], sizes = [1], strides = [1]} : vector<16xi32> to vector<1xi32>
      %squeeze3A_232 = vector.extract %slice3A_231[0] : i32 from vector<1xi32>
      %add3A_233 = arith.constant 14 : i32
      %add3A_234 = arith.addi %mul3A_61, %add3A_233 : i32
      %dma_start3A_235 = arith.constant 0 : i32
      %dma_start3A_236 = tpu.memref_slice %arg7[%add3A_234, %dma_start3A_235] : memref<512x64xf32, #tpu.memory_space<vmem>> -> memref<1x64xf32, #tpu.memory_space<vmem>>
      %dma_start3A_237 = arith.constant 0 : i32
      %dma_start3A_238 = tpu.memref_slice %arg3[%squeeze3A_232, %dma_start3A_237] : memref<1000000x64xf32, #tpu.memory_space<hbm>> -> memref<1x64xf32, #tpu.memory_space<hbm>>
      %dma_start3A_239 = arith.constant 0 : i32
      %dma_start3A_240 = tpu.memref_slice %arg7[%add3A_234, %dma_start3A_239] : memref<512x64xf32, #tpu.memory_space<vmem>> -> memref<1x64xf32, #tpu.memory_space<vmem>>
      %dma_start3A_241 = arith.constant 0 : i32
      %dma_start3A_242 = tpu.memref_slice %arg3[%squeeze3A_232, %dma_start3A_241] : memref<1000000x64xf32, #tpu.memory_space<hbm>> -> memref<1x64xf32, #tpu.memory_space<hbm>>
      tpu.enqueue_dma source(%dma_start3A_242 : memref<1x64xf32, #tpu.memory_space<hbm>>) target(%dma_start3A_240 : memref<1x64xf32, #tpu.memory_space<vmem>>) target_semaphore(%arg8 : memref<!tpu.dma_semaphore, #tpu.memory_space<semaphore_mem>>)
      %slice3A_243 = vector.extract_strided_slice %get3A_65 {offsets = [15], sizes = [1], strides = [1]} : vector<16xi32> to vector<1xi32>
      %squeeze3A_244 = vector.extract %slice3A_243[0] : i32 from vector<1xi32>
      %add3A_245 = arith.constant 15 : i32
      %add3A_246 = arith.addi %mul3A_61, %add3A_245 : i32
      %dma_start3A_247 = arith.constant 0 : i32
      %dma_start3A_248 = tpu.memref_slice %arg7[%add3A_246, %dma_start3A_247] : memref<512x64xf32, #tpu.memory_space<vmem>> -> memref<1x64xf32, #tpu.memory_space<vmem>>
      %dma_start3A_249 = arith.constant 0 : i32
      %dma_start3A_250 = tpu.memref_slice %arg3[%squeeze3A_244, %dma_start3A_249] : memref<1000000x64xf32, #tpu.memory_space<hbm>> -> memref<1x64xf32, #tpu.memory_space<hbm>>
      %dma_start3A_251 = arith.constant 0 : i32
      %dma_start3A_252 = tpu.memref_slice %arg7[%add3A_246, %dma_start3A_251] : memref<512x64xf32, #tpu.memory_space<vmem>> -> memref<1x64xf32, #tpu.memory_space<vmem>>
      %dma_start3A_253 = arith.constant 0 : i32
      %dma_start3A_254 = tpu.memref_slice %arg3[%squeeze3A_244, %dma_start3A_253] : memref<1000000x64xf32, #tpu.memory_space<hbm>> -> memref<1x64xf32, #tpu.memory_space<hbm>>
      tpu.enqueue_dma source(%dma_start3A_254 : memref<1x64xf32, #tpu.memory_space<hbm>>) target(%dma_start3A_252 : memref<1x64xf32, #tpu.memory_space<vmem>>) target_semaphore(%arg8 : memref<!tpu.dma_semaphore, #tpu.memory_space<semaphore_mem>>)
    }
    %while3A_32 = arith.constant 1 : i32
    scf.for %while3A_59 = %while3A_30 to %while3A_26 step %while3A_32  : i32 {
      %mul3A_60 = arith.constant 16 : i32
      %mul3A_61 = arith.muli %while3A_59, %mul3A_60 : i32
      %add3A_62 = arith.constant 0 : i32
      %add3A_63 = arith.addi %add3A_62, %mul3A_61 : i32
      %get3A = arith.index_cast %add3A_63 : i32 to index
      %get3A_64 = tpu.vector_load %arg6[%get3A] {strides = array<i32>} : memref<1024xi32, #tpu.memory_space<vmem>>, vector<16xi32>,
      %get3A_65 = vector.shape_cast %get3A_64 : vector<16xi32> to vector<16xi32>
      %slice3A = vector.extract_strided_slice %get3A_65 {offsets = [0], sizes = [1], strides = [1]} : vector<16xi32> to vector<1xi32>
      %squeeze3A = vector.extract %slice3A[0] : i32 from vector<1xi32>
      %add3A_66 = arith.constant 0 : i32
      %add3A_67 = arith.addi %mul3A_61, %add3A_66 : i32
      %dma_start3A = arith.constant 0 : i32
      %dma_start3A_68 = tpu.memref_slice %arg7[%add3A_67, %dma_start3A] : memref<512x64xf32, #tpu.memory_space<vmem>> -> memref<1x64xf32, #tpu.memory_space<vmem>>
      %dma_start3A_69 = arith.constant 0 : i32
      %dma_start3A_70 = tpu.memref_slice %arg3[%squeeze3A, %dma_start3A_69] : memref<1000000x64xf32, #tpu.memory_space<hbm>> -> memref<1x64xf32, #tpu.memory_space<hbm>>
      %dma_start3A_71 = arith.constant 0 : i32
      %dma_start3A_72 = tpu.memref_slice %arg7[%add3A_67, %dma_start3A_71] : memref<512x64xf32, #tpu.memory_space<vmem>> -> memref<1x64xf32, #tpu.memory_space<vmem>>
      %dma_start3A_73 = arith.constant 0 : i32
      %dma_start3A_74 = tpu.memref_slice %arg3[%squeeze3A, %dma_start3A_73] : memref<1000000x64xf32, #tpu.memory_space<hbm>> -> memref<1x64xf32, #tpu.memory_space<hbm>>
      tpu.enqueue_dma source(%dma_start3A_74 : memref<1x64xf32, #tpu.memory_space<hbm>>) target(%dma_start3A_72 : memref<1x64xf32, #tpu.memory_space<vmem>>) target_semaphore(%arg8 : memref<!tpu.dma_semaphore, #tpu.memory_space<semaphore_mem>>)
      %slice3A_75 = vector.extract_strided_slice %get3A_65 {offsets = [1], sizes = [1], strides = [1]} : vector<16xi32> to vector<1xi32>
      %squeeze3A_76 = vector.extract %slice3A_75[0] : i32 from vector<1xi32>
      %add3A_77 = arith.constant 1 : i32
      %add3A_78 = arith.addi %mul3A_61, %add3A_77 : i32
      %dma_start3A_79 = arith.constant 0 : i32
      %dma_start3A_80 = tpu.memref_slice %arg7[%add3A_78, %dma_start3A_79] : memref<512x64xf32, #tpu.memory_space<vmem>> -> memref<1x64xf32, #tpu.memory_space<vmem>>
      %dma_start3A_81 = arith.constant 0 : i32
      %dma_start3A_82 = tpu.memref_slice %arg3[%squeeze3A_76, %dma_start3A_81] : memref<1000000x64xf32, #tpu.memory_space<hbm>> -> memref<1x64xf32, #tpu.memory_space<hbm>>
      %dma_start3A_83 = arith.constant 0 : i32
      %dma_start3A_84 = tpu.memref_slice %arg7[%add3A_78, %dma_start3A_83] : memref<512x64xf32, #tpu.memory_space<vmem>> -> memref<1x64xf32, #tpu.memory_space<vmem>>
      %dma_start3A_85 = arith.constant 0 : i32
      %dma_start3A_86 = tpu.memref_slice %arg3[%squeeze3A_76, %dma_start3A_85] : memref<1000000x64xf32, #tpu.memory_space<hbm>> -> memref<1x64xf32, #tpu.memory_space<hbm>>
      tpu.enqueue_dma source(%dma_start3A_86 : memref<1x64xf32, #tpu.memory_space<hbm>>) target(%dma_start3A_84 : memref<1x64xf32, #tpu.memory_space<vmem>>) target_semaphore(%arg8 : memref<!tpu.dma_semaphore, #tpu.memory_space<semaphore_mem>>)
      %slice3A_87 = vector.extract_strided_slice %get3A_65 {offsets = [2], sizes = [1], strides = [1]} : vector<16xi32> to vector<1xi32>
      %squeeze3A_88 = vector.extract %slice3A_87[0] : i32 from vector<1xi32>
      %add3A_89 = arith.constant 2 : i32
      %add3A_90 = arith.addi %mul3A_61, %add3A_89 : i32
      %dma_start3A_91 = arith.constant 0 : i32
      %dma_start3A_92 = tpu.memref_slice %arg7[%add3A_90, %dma_start3A_91] : memref<512x64xf32, #tpu.memory_space<vmem>> -> memref<1x64xf32, #tpu.memory_space<vmem>>
      %dma_start3A_93 = arith.constant 0 : i32
      %dma_start3A_94 = tpu.memref_slice %arg3[%squeeze3A_88, %dma_start3A_93] : memref<1000000x64xf32, #tpu.memory_space<hbm>> -> memref<1x64xf32, #tpu.memory_space<hbm>>
      %dma_start3A_95 = arith.constant 0 : i32
      %dma_start3A_96 = tpu.memref_slice %arg7[%add3A_90, %dma_start3A_95] : memref<512x64xf32, #tpu.memory_space<vmem>> -> memref<1x64xf32, #tpu.memory_space<vmem>>
      %dma_start3A_97 = arith.constant 0 : i32
      %dma_start3A_98 = tpu.memref_slice %arg3[%squeeze3A_88, %dma_start3A_97] : memref<1000000x64xf32, #tpu.memory_space<hbm>> -> memref<1x64xf32, #tpu.memory_space<hbm>>
      tpu.enqueue_dma source(%dma_start3A_98 : memref<1x64xf32, #tpu.memory_space<hbm>>) target(%dma_start3A_96 : memref<1x64xf32, #tpu.memory_space<vmem>>) target_semaphore(%arg8 : memref<!tpu.dma_semaphore, #tpu.memory_space<semaphore_mem>>)
      %slice3A_99 = vector.extract_strided_slice %get3A_65 {offsets = [3], sizes = [1], strides = [1]} : vector<16xi32> to vector<1xi32>
      %squeeze3A_100 = vector.extract %slice3A_99[0] : i32 from vector<1xi32>
      %add3A_101 = arith.constant 3 : i32
      %add3A_102 = arith.addi %mul3A_61, %add3A_101 : i32
      %dma_start3A_103 = arith.constant 0 : i32
      %dma_start3A_104 = tpu.memref_slice %arg7[%add3A_102, %dma_start3A_103] : memref<512x64xf32, #tpu.memory_space<vmem>> -> memref<1x64xf32, #tpu.memory_space<vmem>>
      %dma_start3A_105 = arith.constant 0 : i32
      %dma_start3A_106 = tpu.memref_slice %arg3[%squeeze3A_100, %dma_start3A_105] : memref<1000000x64xf32, #tpu.memory_space<hbm>> -> memref<1x64xf32, #tpu.memory_space<hbm>>
      %dma_start3A_107 = arith.constant 0 : i32
      %dma_start3A_108 = tpu.memref_slice %arg7[%add3A_102, %dma_start3A_107] : memref<512x64xf32, #tpu.memory_space<vmem>> -> memref<1x64xf32, #tpu.memory_space<vmem>>
      %dma_start3A_109 = arith.constant 0 : i32
      %dma_start3A_110 = tpu.memref_slice %arg3[%squeeze3A_100, %dma_start3A_109] : memref<1000000x64xf32, #tpu.memory_space<hbm>> -> memref<1x64xf32, #tpu.memory_space<hbm>>
      tpu.enqueue_dma source(%dma_start3A_110 : memref<1x64xf32, #tpu.memory_space<hbm>>) target(%dma_start3A_108 : memref<1x64xf32, #tpu.memory_space<vmem>>) target_semaphore(%arg8 : memref<!tpu.dma_semaphore, #tpu.memory_space<semaphore_mem>>)
      %slice3A_111 = vector.extract_strided_slice %get3A_65 {offsets = [4], sizes = [1], strides = [1]} : vector<16xi32> to vector<1xi32>
      %squeeze3A_112 = vector.extract %slice3A_111[0] : i32 from vector<1xi32>
      %add3A_113 = arith.constant 4 : i32
      %add3A_114 = arith.addi %mul3A_61, %add3A_113 : i32
      %dma_start3A_115 = arith.constant 0 : i32
      %dma_start3A_116 = tpu.memref_slice %arg7[%add3A_114, %dma_start3A_115] : memref<512x64xf32, #tpu.memory_space<vmem>> -> memref<1x64xf32, #tpu.memory_space<vmem>>
      %dma_start3A_117 = arith.constant 0 : i32
      %dma_start3A_118 = tpu.memref_slice %arg3[%squeeze3A_112, %dma_start3A_117] : memref<1000000x64xf32, #tpu.memory_space<hbm>> -> memref<1x64xf32, #tpu.memory_space<hbm>>
      %dma_start3A_119 = arith.constant 0 : i32
      %dma_start3A_120 = tpu.memref_slice %arg7[%add3A_114, %dma_start3A_119] : memref<512x64xf32, #tpu.memory_space<vmem>> -> memref<1x64xf32, #tpu.memory_space<vmem>>
      %dma_start3A_121 = arith.constant 0 : i32
      %dma_start3A_122 = tpu.memref_slice %arg3[%squeeze3A_112, %dma_start3A_121] : memref<1000000x64xf32, #tpu.memory_space<hbm>> -> memref<1x64xf32, #tpu.memory_space<hbm>>
      tpu.enqueue_dma source(%dma_start3A_122 : memref<1x64xf32, #tpu.memory_space<hbm>>) target(%dma_start3A_120 : memref<1x64xf32, #tpu.memory_space<vmem>>) target_semaphore(%arg8 : memref<!tpu.dma_semaphore, #tpu.memory_space<semaphore_mem>>)
      %slice3A_123 = vector.extract_strided_slice %get3A_65 {offsets = [5], sizes = [1], strides = [1]} : vector<16xi32> to vector<1xi32>
      %squeeze3A_124 = vector.extract %slice3A_123[0] : i32 from vector<1xi32>
      %add3A_125 = arith.constant 5 : i32
      %add3A_126 = arith.addi %mul3A_61, %add3A_125 : i32
      %dma_start3A_127 = arith.constant 0 : i32
      %dma_start3A_128 = tpu.memref_slice %arg7[%add3A_126, %dma_start3A_127] : memref<512x64xf32, #tpu.memory_space<vmem>> -> memref<1x64xf32, #tpu.memory_space<vmem>>
      %dma_start3A_129 = arith.constant 0 : i32
      %dma_start3A_130 = tpu.memref_slice %arg3[%squeeze3A_124, %dma_start3A_129] : memref<1000000x64xf32, #tpu.memory_space<hbm>> -> memref<1x64xf32, #tpu.memory_space<hbm>>
      %dma_start3A_131 = arith.constant 0 : i32
      %dma_start3A_132 = tpu.memref_slice %arg7[%add3A_126, %dma_start3A_131] : memref<512x64xf32, #tpu.memory_space<vmem>> -> memref<1x64xf32, #tpu.memory_space<vmem>>
      %dma_start3A_133 = arith.constant 0 : i32
      %dma_start3A_134 = tpu.memref_slice %arg3[%squeeze3A_124, %dma_start3A_133] : memref<1000000x64xf32, #tpu.memory_space<hbm>> -> memref<1x64xf32, #tpu.memory_space<hbm>>
      tpu.enqueue_dma source(%dma_start3A_134 : memref<1x64xf32, #tpu.memory_space<hbm>>) target(%dma_start3A_132 : memref<1x64xf32, #tpu.memory_space<vmem>>) target_semaphore(%arg8 : memref<!tpu.dma_semaphore, #tpu.memory_space<semaphore_mem>>)
      %slice3A_135 = vector.extract_strided_slice %get3A_65 {offsets = [6], sizes = [1], strides = [1]} : vector<16xi32> to vector<1xi32>
      %squeeze3A_136 = vector.extract %slice3A_135[0] : i32 from vector<1xi32>
      %add3A_137 = arith.constant 6 : i32
      %add3A_138 = arith.addi %mul3A_61, %add3A_137 : i32
      %dma_start3A_139 = arith.constant 0 : i32
      %dma_start3A_140 = tpu.memref_slice %arg7[%add3A_138, %dma_start3A_139] : memref<512x64xf32, #tpu.memory_space<vmem>> -> memref<1x64xf32, #tpu.memory_space<vmem>>
      %dma_start3A_141 = arith.constant 0 : i32
      %dma_start3A_142 = tpu.memref_slice %arg3[%squeeze3A_136, %dma_start3A_141] : memref<1000000x64xf32, #tpu.memory_space<hbm>> -> memref<1x64xf32, #tpu.memory_space<hbm>>
      %dma_start3A_143 = arith.constant 0 : i32
      %dma_start3A_144 = tpu.memref_slice %arg7[%add3A_138, %dma_start3A_143] : memref<512x64xf32, #tpu.memory_space<vmem>> -> memref<1x64xf32, #tpu.memory_space<vmem>>
      %dma_start3A_145 = arith.constant 0 : i32
      %dma_start3A_146 = tpu.memref_slice %arg3[%squeeze3A_136, %dma_start3A_145] : memref<1000000x64xf32, #tpu.memory_space<hbm>> -> memref<1x64xf32, #tpu.memory_space<hbm>>
      tpu.enqueue_dma source(%dma_start3A_146 : memref<1x64xf32, #tpu.memory_space<hbm>>) target(%dma_start3A_144 : memref<1x64xf32, #tpu.memory_space<vmem>>) target_semaphore(%arg8 : memref<!tpu.dma_semaphore, #tpu.memory_space<semaphore_mem>>)
      %slice3A_147 = vector.extract_strided_slice %get3A_65 {offsets = [7], sizes = [1], strides = [1]} : vector<16xi32> to vector<1xi32>
      %squeeze3A_148 = vector.extract %slice3A_147[0] : i32 from vector<1xi32>
      %add3A_149 = arith.constant 7 : i32
      %add3A_150 = arith.addi %mul3A_61, %add3A_149 : i32
      %dma_start3A_151 = arith.constant 0 : i32
      %dma_start3A_152 = tpu.memref_slice %arg7[%add3A_150, %dma_start3A_151] : memref<512x64xf32, #tpu.memory_space<vmem>> -> memref<1x64xf32, #tpu.memory_space<vmem>>
      %dma_start3A_153 = arith.constant 0 : i32
      %dma_start3A_154 = tpu.memref_slice %arg3[%squeeze3A_148, %dma_start3A_153] : memref<1000000x64xf32, #tpu.memory_space<hbm>> -> memref<1x64xf32, #tpu.memory_space<hbm>>
      %dma_start3A_155 = arith.constant 0 : i32
      %dma_start3A_156 = tpu.memref_slice %arg7[%add3A_150, %dma_start3A_155] : memref<512x64xf32, #tpu.memory_space<vmem>> -> memref<1x64xf32, #tpu.memory_space<vmem>>
      %dma_start3A_157 = arith.constant 0 : i32
      %dma_start3A_158 = tpu.memref_slice %arg3[%squeeze3A_148, %dma_start3A_157] : memref<1000000x64xf32, #tpu.memory_space<hbm>> -> memref<1x64xf32, #tpu.memory_space<hbm>>
      tpu.enqueue_dma source(%dma_start3A_158 : memref<1x64xf32, #tpu.memory_space<hbm>>) target(%dma_start3A_156 : memref<1x64xf32, #tpu.memory_space<vmem>>) target_semaphore(%arg8 : memref<!tpu.dma_semaphore, #tpu.memory_space<semaphore_mem>>)
      %slice3A_159 = vector.extract_strided_slice %get3A_65 {offsets = [8], sizes = [1], strides = [1]} : vector<16xi32> to vector<1xi32>
      %squeeze3A_160 = vector.extract %slice3A_159[0] : i32 from vector<1xi32>
      %add3A_161 = arith.constant 8 : i32
      %add3A_162 = arith.addi %mul3A_61, %add3A_161 : i32
      %dma_start3A_163 = arith.constant 0 : i32
      %dma_start3A_164 = tpu.memref_slice %arg7[%add3A_162, %dma_start3A_163] : memref<512x64xf32, #tpu.memory_space<vmem>> -> memref<1x64xf32, #tpu.memory_space<vmem>>
      %dma_start3A_165 = arith.constant 0 : i32
      %dma_start3A_166 = tpu.memref_slice %arg3[%squeeze3A_160, %dma_start3A_165] : memref<1000000x64xf32, #tpu.memory_space<hbm>> -> memref<1x64xf32, #tpu.memory_space<hbm>>
      %dma_start3A_167 = arith.constant 0 : i32
      %dma_start3A_168 = tpu.memref_slice %arg7[%add3A_162, %dma_start3A_167] : memref<512x64xf32, #tpu.memory_space<vmem>> -> memref<1x64xf32, #tpu.memory_space<vmem>>
      %dma_start3A_169 = arith.constant 0 : i32
      %dma_start3A_170 = tpu.memref_slice %arg3[%squeeze3A_160, %dma_start3A_169] : memref<1000000x64xf32, #tpu.memory_space<hbm>> -> memref<1x64xf32, #tpu.memory_space<hbm>>
      tpu.enqueue_dma source(%dma_start3A_170 : memref<1x64xf32, #tpu.memory_space<hbm>>) target(%dma_start3A_168 : memref<1x64xf32, #tpu.memory_space<vmem>>) target_semaphore(%arg8 : memref<!tpu.dma_semaphore, #tpu.memory_space<semaphore_mem>>)
      %slice3A_171 = vector.extract_strided_slice %get3A_65 {offsets = [9], sizes = [1], strides = [1]} : vector<16xi32> to vector<1xi32>
      %squeeze3A_172 = vector.extract %slice3A_171[0] : i32 from vector<1xi32>
      %add3A_173 = arith.constant 9 : i32
      %add3A_174 = arith.addi %mul3A_61, %add3A_173 : i32
      %dma_start3A_175 = arith.constant 0 : i32
      %dma_start3A_176 = tpu.memref_slice %arg7[%add3A_174, %dma_start3A_175] : memref<512x64xf32, #tpu.memory_space<vmem>> -> memref<1x64xf32, #tpu.memory_space<vmem>>
      %dma_start3A_177 = arith.constant 0 : i32
      %dma_start3A_178 = tpu.memref_slice %arg3[%squeeze3A_172, %dma_start3A_177] : memref<1000000x64xf32, #tpu.memory_space<hbm>> -> memref<1x64xf32, #tpu.memory_space<hbm>>
      %dma_start3A_179 = arith.constant 0 : i32
      %dma_start3A_180 = tpu.memref_slice %arg7[%add3A_174, %dma_start3A_179] : memref<512x64xf32, #tpu.memory_space<vmem>> -> memref<1x64xf32, #tpu.memory_space<vmem>>
      %dma_start3A_181 = arith.constant 0 : i32
      %dma_start3A_182 = tpu.memref_slice %arg3[%squeeze3A_172, %dma_start3A_181] : memref<1000000x64xf32, #tpu.memory_space<hbm>> -> memref<1x64xf32, #tpu.memory_space<hbm>>
      tpu.enqueue_dma source(%dma_start3A_182 : memref<1x64xf32, #tpu.memory_space<hbm>>) target(%dma_start3A_180 : memref<1x64xf32, #tpu.memory_space<vmem>>) target_semaphore(%arg8 : memref<!tpu.dma_semaphore, #tpu.memory_space<semaphore_mem>>)
      %slice3A_183 = vector.extract_strided_slice %get3A_65 {offsets = [10], sizes = [1], strides = [1]} : vector<16xi32> to vector<1xi32>
      %squeeze3A_184 = vector.extract %slice3A_183[0] : i32 from vector<1xi32>
      %add3A_185 = arith.constant 10 : i32
      %add3A_186 = arith.addi %mul3A_61, %add3A_185 : i32
      %dma_start3A_187 = arith.constant 0 : i32
      %dma_start3A_188 = tpu.memref_slice %arg7[%add3A_186, %dma_start3A_187] : memref<512x64xf32, #tpu.memory_space<vmem>> -> memref<1x64xf32, #tpu.memory_space<vmem>>
      %dma_start3A_189 = arith.constant 0 : i32
      %dma_start3A_190 = tpu.memref_slice %arg3[%squeeze3A_184, %dma_start3A_189] : memref<1000000x64xf32, #tpu.memory_space<hbm>> -> memref<1x64xf32, #tpu.memory_space<hbm>>
      %dma_start3A_191 = arith.constant 0 : i32
      %dma_start3A_192 = tpu.memref_slice %arg7[%add3A_186, %dma_start3A_191] : memref<512x64xf32, #tpu.memory_space<vmem>> -> memref<1x64xf32, #tpu.memory_space<vmem>>
      %dma_start3A_193 = arith.constant 0 : i32
      %dma_start3A_194 = tpu.memref_slice %arg3[%squeeze3A_184, %dma_start3A_193] : memref<1000000x64xf32, #tpu.memory_space<hbm>> -> memref<1x64xf32, #tpu.memory_space<hbm>>
      tpu.enqueue_dma source(%dma_start3A_194 : memref<1x64xf32, #tpu.memory_space<hbm>>) target(%dma_start3A_192 : memref<1x64xf32, #tpu.memory_space<vmem>>) target_semaphore(%arg8 : memref<!tpu.dma_semaphore, #tpu.memory_space<semaphore_mem>>)
      %slice3A_195 = vector.extract_strided_slice %get3A_65 {offsets = [11], sizes = [1], strides = [1]} : vector<16xi32> to vector<1xi32>
      %squeeze3A_196 = vector.extract %slice3A_195[0] : i32 from vector<1xi32>
      %add3A_197 = arith.constant 11 : i32
      %add3A_198 = arith.addi %mul3A_61, %add3A_197 : i32
      %dma_start3A_199 = arith.constant 0 : i32
      %dma_start3A_200 = tpu.memref_slice %arg7[%add3A_198, %dma_start3A_199] : memref<512x64xf32, #tpu.memory_space<vmem>> -> memref<1x64xf32, #tpu.memory_space<vmem>>
      %dma_start3A_201 = arith.constant 0 : i32
      %dma_start3A_202 = tpu.memref_slice %arg3[%squeeze3A_196, %dma_start3A_201] : memref<1000000x64xf32, #tpu.memory_space<hbm>> -> memref<1x64xf32, #tpu.memory_space<hbm>>
      %dma_start3A_203 = arith.constant 0 : i32
      %dma_start3A_204 = tpu.memref_slice %arg7[%add3A_198, %dma_start3A_203] : memref<512x64xf32, #tpu.memory_space<vmem>> -> memref<1x64xf32, #tpu.memory_space<vmem>>
      %dma_start3A_205 = arith.constant 0 : i32
      %dma_start3A_206 = tpu.memref_slice %arg3[%squeeze3A_196, %dma_start3A_205] : memref<1000000x64xf32, #tpu.memory_space<hbm>> -> memref<1x64xf32, #tpu.memory_space<hbm>>
      tpu.enqueue_dma source(%dma_start3A_206 : memref<1x64xf32, #tpu.memory_space<hbm>>) target(%dma_start3A_204 : memref<1x64xf32, #tpu.memory_space<vmem>>) target_semaphore(%arg8 : memref<!tpu.dma_semaphore, #tpu.memory_space<semaphore_mem>>)
      %slice3A_207 = vector.extract_strided_slice %get3A_65 {offsets = [12], sizes = [1], strides = [1]} : vector<16xi32> to vector<1xi32>
      %squeeze3A_208 = vector.extract %slice3A_207[0] : i32 from vector<1xi32>
      %add3A_209 = arith.constant 12 : i32
      %add3A_210 = arith.addi %mul3A_61, %add3A_209 : i32
      %dma_start3A_211 = arith.constant 0 : i32
      %dma_start3A_212 = tpu.memref_slice %arg7[%add3A_210, %dma_start3A_211] : memref<512x64xf32, #tpu.memory_space<vmem>> -> memref<1x64xf32, #tpu.memory_space<vmem>>
      %dma_start3A_213 = arith.constant 0 : i32
      %dma_start3A_214 = tpu.memref_slice %arg3[%squeeze3A_208, %dma_start3A_213] : memref<1000000x64xf32, #tpu.memory_space<hbm>> -> memref<1x64xf32, #tpu.memory_space<hbm>>
      %dma_start3A_215 = arith.constant 0 : i32
      %dma_start3A_216 = tpu.memref_slice %arg7[%add3A_210, %dma_start3A_215] : memref<512x64xf32, #tpu.memory_space<vmem>> -> memref<1x64xf32, #tpu.memory_space<vmem>>
      %dma_start3A_217 = arith.constant 0 : i32
      %dma_start3A_218 = tpu.memref_slice %arg3[%squeeze3A_208, %dma_start3A_217] : memref<1000000x64xf32, #tpu.memory_space<hbm>> -> memref<1x64xf32, #tpu.memory_space<hbm>>
      tpu.enqueue_dma source(%dma_start3A_218 : memref<1x64xf32, #tpu.memory_space<hbm>>) target(%dma_start3A_216 : memref<1x64xf32, #tpu.memory_space<vmem>>) target_semaphore(%arg8 : memref<!tpu.dma_semaphore, #tpu.memory_space<semaphore_mem>>)
      %slice3A_219 = vector.extract_strided_slice %get3A_65 {offsets = [13], sizes = [1], strides = [1]} : vector<16xi32> to vector<1xi32>
      %squeeze3A_220 = vector.extract %slice3A_219[0] : i32 from vector<1xi32>
      %add3A_221 = arith.constant 13 : i32
      %add3A_222 = arith.addi %mul3A_61, %add3A_221 : i32
      %dma_start3A_223 = arith.constant 0 : i32
      %dma_start3A_224 = tpu.memref_slice %arg7[%add3A_222, %dma_start3A_223] : memref<512x64xf32, #tpu.memory_space<vmem>> -> memref<1x64xf32, #tpu.memory_space<vmem>>
      %dma_start3A_225 = arith.constant 0 : i32
      %dma_start3A_226 = tpu.memref_slice %arg3[%squeeze3A_220, %dma_start3A_225] : memref<1000000x64xf32, #tpu.memory_space<hbm>> -> memref<1x64xf32, #tpu.memory_space<hbm>>
      %dma_start3A_227 = arith.constant 0 : i32
      %dma_start3A_228 = tpu.memref_slice %arg7[%add3A_222, %dma_start3A_227] : memref<512x64xf32, #tpu.memory_space<vmem>> -> memref<1x64xf32, #tpu.memory_space<vmem>>
      %dma_start3A_229 = arith.constant 0 : i32
      %dma_start3A_230 = tpu.memref_slice %arg3[%squeeze3A_220, %dma_start3A_229] : memref<1000000x64xf32, #tpu.memory_space<hbm>> -> memref<1x64xf32, #tpu.memory_space<hbm>>
      tpu.enqueue_dma source(%dma_start3A_230 : memref<1x64xf32, #tpu.memory_space<hbm>>) target(%dma_start3A_228 : memref<1x64xf32, #tpu.memory_space<vmem>>) target_semaphore(%arg8 : memref<!tpu.dma_semaphore, #tpu.memory_space<semaphore_mem>>)
      %slice3A_231 = vector.extract_strided_slice %get3A_65 {offsets = [14], sizes = [1], strides = [1]} : vector<16xi32> to vector<1xi32>
      %squeeze3A_232 = vector.extract %slice3A_231[0] : i32 from vector<1xi32>
      %add3A_233 = arith.constant 14 : i32
      %add3A_234 = arith.addi %mul3A_61, %add3A_233 : i32
      %dma_start3A_235 = arith.constant 0 : i32
      %dma_start3A_236 = tpu.memref_slice %arg7[%add3A_234, %dma_start3A_235] : memref<512x64xf32, #tpu.memory_space<vmem>> -> memref<1x64xf32, #tpu.memory_space<vmem>>
      %dma_start3A_237 = arith.constant 0 : i32
      %dma_start3A_238 = tpu.memref_slice %arg3[%squeeze3A_232, %dma_start3A_237] : memref<1000000x64xf32, #tpu.memory_space<hbm>> -> memref<1x64xf32, #tpu.memory_space<hbm>>
      %dma_start3A_239 = arith.constant 0 : i32
      %dma_start3A_240 = tpu.memref_slice %arg7[%add3A_234, %dma_start3A_239] : memref<512x64xf32, #tpu.memory_space<vmem>> -> memref<1x64xf32, #tpu.memory_space<vmem>>
      %dma_start3A_241 = arith.constant 0 : i32
      %dma_start3A_242 = tpu.memref_slice %arg3[%squeeze3A_232, %dma_start3A_241] : memref<1000000x64xf32, #tpu.memory_space<hbm>> -> memref<1x64xf32, #tpu.memory_space<hbm>>
      tpu.enqueue_dma source(%dma_start3A_242 : memref<1x64xf32, #tpu.memory_space<hbm>>) target(%dma_start3A_240 : memref<1x64xf32, #tpu.memory_space<vmem>>) target_semaphore(%arg8 : memref<!tpu.dma_semaphore, #tpu.memory_space<semaphore_mem>>)
      %slice3A_243 = vector.extract_strided_slice %get3A_65 {offsets = [15], sizes = [1], strides = [1]} : vector<16xi32> to vector<1xi32>
      %squeeze3A_244 = vector.extract %slice3A_243[0] : i32 from vector<1xi32>
      %add3A_245 = arith.constant 15 : i32
      %add3A_246 = arith.addi %mul3A_61, %add3A_245 : i32
      %dma_start3A_247 = arith.constant 0 : i32
      %dma_start3A_248 = tpu.memref_slice %arg7[%add3A_246, %dma_start3A_247] : memref<512x64xf32, #tpu.memory_space<vmem>> -> memref<1x64xf32, #tpu.memory_space<vmem>>
      %dma_start3A_249 = arith.constant 0 : i32
      %dma_start3A_250 = tpu.memref_slice %arg3[%squeeze3A_244, %dma_start3A_249] : memref<1000000x64xf32, #tpu.memory_space<hbm>> -> memref<1x64xf32, #tpu.memory_space<hbm>>
      %dma_start3A_251 = arith.constant 0 : i32
      %dma_start3A_252 = tpu.memref_slice %arg7[%add3A_246, %dma_start3A_251] : memref<512x64xf32, #tpu.memory_space<vmem>> -> memref<1x64xf32, #tpu.memory_space<vmem>>
      %dma_start3A_253 = arith.constant 0 : i32
      %dma_start3A_254 = tpu.memref_slice %arg3[%squeeze3A_244, %dma_start3A_253] : memref<1000000x64xf32, #tpu.memory_space<hbm>> -> memref<1x64xf32, #tpu.memory_space<hbm>>
      tpu.enqueue_dma source(%dma_start3A_254 : memref<1x64xf32, #tpu.memory_space<hbm>>) target(%dma_start3A_252 : memref<1x64xf32, #tpu.memory_space<vmem>>) target_semaphore(%arg8 : memref<!tpu.dma_semaphore, #tpu.memory_space<semaphore_mem>>)
    }
    %dma_wait3A = arith.constant 0 : i32
    %dma_wait3A_33 = arith.constant 0 : i32
    %dma_wait3A_34 = tpu.memref_slice %arg3[%dma_wait3A, %dma_wait3A_33] : memref<1000000x64xf32, #tpu.memory_space<hbm>> -> memref<512x64xf32, #tpu.memory_space<hbm>>
    %dma_wait3A_35 = arith.constant 0 : i32
    %dma_wait3A_36 = arith.constant 0 : i32
    %dma_wait3A_37 = tpu.memref_slice %arg3[%dma_wait3A_35, %dma_wait3A_36] : memref<1000000x64xf32, #tpu.memory_space<hbm>> -> memref<512x64xf32, #tpu.memory_space<hbm>>
    tpu.wait_dma2 semaphore(%arg8 : memref<!tpu.dma_semaphore, #tpu.memory_space<semaphore_mem>>) src(%dma_wait3A_37 : memref<512x64xf32, #tpu.memory_space<hbm>>) dst(%arg7 : memref<512x64xf32, #tpu.memory_space<vmem>>)
    %add3A_38 = arith.constant 0 : i32
    %add3A_39 = arith.addi %mul3A_2, %add3A_38 : i32
    "tpu.region"() ({
      %run_scoped3A = tpu.sem_alloc : memref<!tpu.dma_semaphore, #tpu.memory_space<semaphore_mem>>
      %dma_start3A = arith.constant 0 : i32
      %dma_start3A_59 = tpu.memref_slice %arg4[%add3A_39, %dma_start3A] : memref<32768x64xf32, #tpu.memory_space<hbm>> -> memref<512x64xf32, #tpu.memory_space<hbm>>
      %dma_start3A_60 = arith.constant 0 : i32
      %dma_start3A_61 = tpu.memref_slice %arg4[%add3A_39, %dma_start3A_60] : memref<32768x64xf32, #tpu.memory_space<hbm>> -> memref<512x64xf32, #tpu.memory_space<hbm>>
      tpu.enqueue_dma source(%arg7 : memref<512x64xf32, #tpu.memory_space<vmem>>) target(%dma_start3A_61 : memref<512x64xf32, #tpu.memory_space<hbm>>) target_semaphore(%run_scoped3A : memref<!tpu.dma_semaphore, #tpu.memory_space<semaphore_mem>>)
      %dma_wait3A_62 = arith.constant 0 : i32
      %dma_wait3A_63 = tpu.memref_slice %arg4[%add3A_39, %dma_wait3A_62] : memref<32768x64xf32, #tpu.memory_space<hbm>> -> memref<512x64xf32, #tpu.memory_space<hbm>>
      %dma_wait3A_64 = arith.constant 0 : i32
      %dma_wait3A_65 = tpu.memref_slice %arg4[%add3A_39, %dma_wait3A_64] : memref<32768x64xf32, #tpu.memory_space<hbm>> -> memref<512x64xf32, #tpu.memory_space<hbm>>
      tpu.wait_dma2 semaphore(%run_scoped3A : memref<!tpu.dma_semaphore, #tpu.memory_space<semaphore_mem>>) src(%arg7 : memref<512x64xf32, #tpu.memory_space<vmem>>) dst(%dma_wait3A_65 : memref<512x64xf32, #tpu.memory_space<hbm>>)
      tpu.yield
    }) : () -> ()
    %while3A_40 = arith.constant 0 : i32
    %while3A_41 = arith.constant 0 : i32
    %while3A_42 = arith.constant 32 : i32
    %while3A_43 = arith.subi %while3A_42, %while3A_41 : i32
    %while3A_44 = arith.addi %while3A_41, %while3A_43 : i32
    %while3A_45 = arith.constant 1 : i32
    %while3A_46 = arith.divsi %while3A_43, %while3A_45 : i32
    %while3A_47 = arith.muli %while3A_46, %while3A_45 : i32
    %while3A_48 = arith.addi %while3A_41, %while3A_47 : i32
    %while3A_49 = arith.constant 1 : i32
    scf.for %while3A_59 = %while3A_41 to %while3A_48 step %while3A_49  : i32 {
      %mul3A_60 = arith.constant 16 : i32
      %mul3A_61 = arith.muli %while3A_59, %mul3A_60 : i32
      %add3A_62 = arith.constant 512 : i32
      %add3A_63 = arith.addi %add3A_62, %mul3A_61 : i32
      %get3A = arith.index_cast %add3A_63 : i32 to index
      %get3A_64 = tpu.vector_load %arg6[%get3A] {strides = array<i32>} : memref<1024xi32, #tpu.memory_space<vmem>>, vector<16xi32>,
      %get3A_65 = vector.shape_cast %get3A_64 : vector<16xi32> to vector<16xi32>
      %slice3A = vector.extract_strided_slice %get3A_65 {offsets = [0], sizes = [1], strides = [1]} : vector<16xi32> to vector<1xi32>
      %squeeze3A = vector.extract %slice3A[0] : i32 from vector<1xi32>
      %add3A_66 = arith.constant 0 : i32
      %add3A_67 = arith.addi %mul3A_61, %add3A_66 : i32
      %dma_start3A = arith.constant 0 : i32
      %dma_start3A_68 = tpu.memref_slice %arg7[%add3A_67, %dma_start3A] : memref<512x64xf32, #tpu.memory_space<vmem>> -> memref<1x64xf32, #tpu.memory_space<vmem>>
      %dma_start3A_69 = arith.constant 0 : i32
      %dma_start3A_70 = tpu.memref_slice %arg3[%squeeze3A, %dma_start3A_69] : memref<1000000x64xf32, #tpu.memory_space<hbm>> -> memref<1x64xf32, #tpu.memory_space<hbm>>
      %dma_start3A_71 = arith.constant 0 : i32
      %dma_start3A_72 = tpu.memref_slice %arg7[%add3A_67, %dma_start3A_71] : memref<512x64xf32, #tpu.memory_space<vmem>> -> memref<1x64xf32, #tpu.memory_space<vmem>>
      %dma_start3A_73 = arith.constant 0 : i32
      %dma_start3A_74 = tpu.memref_slice %arg3[%squeeze3A, %dma_start3A_73] : memref<1000000x64xf32, #tpu.memory_space<hbm>> -> memref<1x64xf32, #tpu.memory_space<hbm>>
      tpu.enqueue_dma source(%dma_start3A_74 : memref<1x64xf32, #tpu.memory_space<hbm>>) target(%dma_start3A_72 : memref<1x64xf32, #tpu.memory_space<vmem>>) target_semaphore(%arg8 : memref<!tpu.dma_semaphore, #tpu.memory_space<semaphore_mem>>)
      %slice3A_75 = vector.extract_strided_slice %get3A_65 {offsets = [1], sizes = [1], strides = [1]} : vector<16xi32> to vector<1xi32>
      %squeeze3A_76 = vector.extract %slice3A_75[0] : i32 from vector<1xi32>
      %add3A_77 = arith.constant 1 : i32
      %add3A_78 = arith.addi %mul3A_61, %add3A_77 : i32
      %dma_start3A_79 = arith.constant 0 : i32
      %dma_start3A_80 = tpu.memref_slice %arg7[%add3A_78, %dma_start3A_79] : memref<512x64xf32, #tpu.memory_space<vmem>> -> memref<1x64xf32, #tpu.memory_space<vmem>>
      %dma_start3A_81 = arith.constant 0 : i32
      %dma_start3A_82 = tpu.memref_slice %arg3[%squeeze3A_76, %dma_start3A_81] : memref<1000000x64xf32, #tpu.memory_space<hbm>> -> memref<1x64xf32, #tpu.memory_space<hbm>>
      %dma_start3A_83 = arith.constant 0 : i32
      %dma_start3A_84 = tpu.memref_slice %arg7[%add3A_78, %dma_start3A_83] : memref<512x64xf32, #tpu.memory_space<vmem>> -> memref<1x64xf32, #tpu.memory_space<vmem>>
      %dma_start3A_85 = arith.constant 0 : i32
      %dma_start3A_86 = tpu.memref_slice %arg3[%squeeze3A_76, %dma_start3A_85] : memref<1000000x64xf32, #tpu.memory_space<hbm>> -> memref<1x64xf32, #tpu.memory_space<hbm>>
      tpu.enqueue_dma source(%dma_start3A_86 : memref<1x64xf32, #tpu.memory_space<hbm>>) target(%dma_start3A_84 : memref<1x64xf32, #tpu.memory_space<vmem>>) target_semaphore(%arg8 : memref<!tpu.dma_semaphore, #tpu.memory_space<semaphore_mem>>)
      %slice3A_87 = vector.extract_strided_slice %get3A_65 {offsets = [2], sizes = [1], strides = [1]} : vector<16xi32> to vector<1xi32>
      %squeeze3A_88 = vector.extract %slice3A_87[0] : i32 from vector<1xi32>
      %add3A_89 = arith.constant 2 : i32
      %add3A_90 = arith.addi %mul3A_61, %add3A_89 : i32
      %dma_start3A_91 = arith.constant 0 : i32
      %dma_start3A_92 = tpu.memref_slice %arg7[%add3A_90, %dma_start3A_91] : memref<512x64xf32, #tpu.memory_space<vmem>> -> memref<1x64xf32, #tpu.memory_space<vmem>>
      %dma_start3A_93 = arith.constant 0 : i32
      %dma_start3A_94 = tpu.memref_slice %arg3[%squeeze3A_88, %dma_start3A_93] : memref<1000000x64xf32, #tpu.memory_space<hbm>> -> memref<1x64xf32, #tpu.memory_space<hbm>>
      %dma_start3A_95 = arith.constant 0 : i32
      %dma_start3A_96 = tpu.memref_slice %arg7[%add3A_90, %dma_start3A_95] : memref<512x64xf32, #tpu.memory_space<vmem>> -> memref<1x64xf32, #tpu.memory_space<vmem>>
      %dma_start3A_97 = arith.constant 0 : i32
      %dma_start3A_98 = tpu.memref_slice %arg3[%squeeze3A_88, %dma_start3A_97] : memref<1000000x64xf32, #tpu.memory_space<hbm>> -> memref<1x64xf32, #tpu.memory_space<hbm>>
      tpu.enqueue_dma source(%dma_start3A_98 : memref<1x64xf32, #tpu.memory_space<hbm>>) target(%dma_start3A_96 : memref<1x64xf32, #tpu.memory_space<vmem>>) target_semaphore(%arg8 : memref<!tpu.dma_semaphore, #tpu.memory_space<semaphore_mem>>)
      %slice3A_99 = vector.extract_strided_slice %get3A_65 {offsets = [3], sizes = [1], strides = [1]} : vector<16xi32> to vector<1xi32>
      %squeeze3A_100 = vector.extract %slice3A_99[0] : i32 from vector<1xi32>
      %add3A_101 = arith.constant 3 : i32
      %add3A_102 = arith.addi %mul3A_61, %add3A_101 : i32
      %dma_start3A_103 = arith.constant 0 : i32
      %dma_start3A_104 = tpu.memref_slice %arg7[%add3A_102, %dma_start3A_103] : memref<512x64xf32, #tpu.memory_space<vmem>> -> memref<1x64xf32, #tpu.memory_space<vmem>>
      %dma_start3A_105 = arith.constant 0 : i32
      %dma_start3A_106 = tpu.memref_slice %arg3[%squeeze3A_100, %dma_start3A_105] : memref<1000000x64xf32, #tpu.memory_space<hbm>> -> memref<1x64xf32, #tpu.memory_space<hbm>>
      %dma_start3A_107 = arith.constant 0 : i32
      %dma_start3A_108 = tpu.memref_slice %arg7[%add3A_102, %dma_start3A_107] : memref<512x64xf32, #tpu.memory_space<vmem>> -> memref<1x64xf32, #tpu.memory_space<vmem>>
      %dma_start3A_109 = arith.constant 0 : i32
      %dma_start3A_110 = tpu.memref_slice %arg3[%squeeze3A_100, %dma_start3A_109] : memref<1000000x64xf32, #tpu.memory_space<hbm>> -> memref<1x64xf32, #tpu.memory_space<hbm>>
      tpu.enqueue_dma source(%dma_start3A_110 : memref<1x64xf32, #tpu.memory_space<hbm>>) target(%dma_start3A_108 : memref<1x64xf32, #tpu.memory_space<vmem>>) target_semaphore(%arg8 : memref<!tpu.dma_semaphore, #tpu.memory_space<semaphore_mem>>)
      %slice3A_111 = vector.extract_strided_slice %get3A_65 {offsets = [4], sizes = [1], strides = [1]} : vector<16xi32> to vector<1xi32>
      %squeeze3A_112 = vector.extract %slice3A_111[0] : i32 from vector<1xi32>
      %add3A_113 = arith.constant 4 : i32
      %add3A_114 = arith.addi %mul3A_61, %add3A_113 : i32
      %dma_start3A_115 = arith.constant 0 : i32
      %dma_start3A_116 = tpu.memref_slice %arg7[%add3A_114, %dma_start3A_115] : memref<512x64xf32, #tpu.memory_space<vmem>> -> memref<1x64xf32, #tpu.memory_space<vmem>>
      %dma_start3A_117 = arith.constant 0 : i32
      %dma_start3A_118 = tpu.memref_slice %arg3[%squeeze3A_112, %dma_start3A_117] : memref<1000000x64xf32, #tpu.memory_space<hbm>> -> memref<1x64xf32, #tpu.memory_space<hbm>>
      %dma_start3A_119 = arith.constant 0 : i32
      %dma_start3A_120 = tpu.memref_slice %arg7[%add3A_114, %dma_start3A_119] : memref<512x64xf32, #tpu.memory_space<vmem>> -> memref<1x64xf32, #tpu.memory_space<vmem>>
      %dma_start3A_121 = arith.constant 0 : i32
      %dma_start3A_122 = tpu.memref_slice %arg3[%squeeze3A_112, %dma_start3A_121] : memref<1000000x64xf32, #tpu.memory_space<hbm>> -> memref<1x64xf32, #tpu.memory_space<hbm>>
      tpu.enqueue_dma source(%dma_start3A_122 : memref<1x64xf32, #tpu.memory_space<hbm>>) target(%dma_start3A_120 : memref<1x64xf32, #tpu.memory_space<vmem>>) target_semaphore(%arg8 : memref<!tpu.dma_semaphore, #tpu.memory_space<semaphore_mem>>)
      %slice3A_123 = vector.extract_strided_slice %get3A_65 {offsets = [5], sizes = [1], strides = [1]} : vector<16xi32> to vector<1xi32>
      %squeeze3A_124 = vector.extract %slice3A_123[0] : i32 from vector<1xi32>
      %add3A_125 = arith.constant 5 : i32
      %add3A_126 = arith.addi %mul3A_61, %add3A_125 : i32
      %dma_start3A_127 = arith.constant 0 : i32
      %dma_start3A_128 = tpu.memref_slice %arg7[%add3A_126, %dma_start3A_127] : memref<512x64xf32, #tpu.memory_space<vmem>> -> memref<1x64xf32, #tpu.memory_space<vmem>>
      %dma_start3A_129 = arith.constant 0 : i32
      %dma_start3A_130 = tpu.memref_slice %arg3[%squeeze3A_124, %dma_start3A_129] : memref<1000000x64xf32, #tpu.memory_space<hbm>> -> memref<1x64xf32, #tpu.memory_space<hbm>>
      %dma_start3A_131 = arith.constant 0 : i32
      %dma_start3A_132 = tpu.memref_slice %arg7[%add3A_126, %dma_start3A_131] : memref<512x64xf32, #tpu.memory_space<vmem>> -> memref<1x64xf32, #tpu.memory_space<vmem>>
      %dma_start3A_133 = arith.constant 0 : i32
      %dma_start3A_134 = tpu.memref_slice %arg3[%squeeze3A_124, %dma_start3A_133] : memref<1000000x64xf32, #tpu.memory_space<hbm>> -> memref<1x64xf32, #tpu.memory_space<hbm>>
      tpu.enqueue_dma source(%dma_start3A_134 : memref<1x64xf32, #tpu.memory_space<hbm>>) target(%dma_start3A_132 : memref<1x64xf32, #tpu.memory_space<vmem>>) target_semaphore(%arg8 : memref<!tpu.dma_semaphore, #tpu.memory_space<semaphore_mem>>)
      %slice3A_135 = vector.extract_strided_slice %get3A_65 {offsets = [6], sizes = [1], strides = [1]} : vector<16xi32> to vector<1xi32>
      %squeeze3A_136 = vector.extract %slice3A_135[0] : i32 from vector<1xi32>
      %add3A_137 = arith.constant 6 : i32
      %add3A_138 = arith.addi %mul3A_61, %add3A_137 : i32
      %dma_start3A_139 = arith.constant 0 : i32
      %dma_start3A_140 = tpu.memref_slice %arg7[%add3A_138, %dma_start3A_139] : memref<512x64xf32, #tpu.memory_space<vmem>> -> memref<1x64xf32, #tpu.memory_space<vmem>>
      %dma_start3A_141 = arith.constant 0 : i32
      %dma_start3A_142 = tpu.memref_slice %arg3[%squeeze3A_136, %dma_start3A_141] : memref<1000000x64xf32, #tpu.memory_space<hbm>> -> memref<1x64xf32, #tpu.memory_space<hbm>>
      %dma_start3A_143 = arith.constant 0 : i32
      %dma_start3A_144 = tpu.memref_slice %arg7[%add3A_138, %dma_start3A_143] : memref<512x64xf32, #tpu.memory_space<vmem>> -> memref<1x64xf32, #tpu.memory_space<vmem>>
      %dma_start3A_145 = arith.constant 0 : i32
      %dma_start3A_146 = tpu.memref_slice %arg3[%squeeze3A_136, %dma_start3A_145] : memref<1000000x64xf32, #tpu.memory_space<hbm>> -> memref<1x64xf32, #tpu.memory_space<hbm>>
      tpu.enqueue_dma source(%dma_start3A_146 : memref<1x64xf32, #tpu.memory_space<hbm>>) target(%dma_start3A_144 : memref<1x64xf32, #tpu.memory_space<vmem>>) target_semaphore(%arg8 : memref<!tpu.dma_semaphore, #tpu.memory_space<semaphore_mem>>)
      %slice3A_147 = vector.extract_strided_slice %get3A_65 {offsets = [7], sizes = [1], strides = [1]} : vector<16xi32> to vector<1xi32>
      %squeeze3A_148 = vector.extract %slice3A_147[0] : i32 from vector<1xi32>
      %add3A_149 = arith.constant 7 : i32
      %add3A_150 = arith.addi %mul3A_61, %add3A_149 : i32
      %dma_start3A_151 = arith.constant 0 : i32
      %dma_start3A_152 = tpu.memref_slice %arg7[%add3A_150, %dma_start3A_151] : memref<512x64xf32, #tpu.memory_space<vmem>> -> memref<1x64xf32, #tpu.memory_space<vmem>>
      %dma_start3A_153 = arith.constant 0 : i32
      %dma_start3A_154 = tpu.memref_slice %arg3[%squeeze3A_148, %dma_start3A_153] : memref<1000000x64xf32, #tpu.memory_space<hbm>> -> memref<1x64xf32, #tpu.memory_space<hbm>>
      %dma_start3A_155 = arith.constant 0 : i32
      %dma_start3A_156 = tpu.memref_slice %arg7[%add3A_150, %dma_start3A_155] : memref<512x64xf32, #tpu.memory_space<vmem>> -> memref<1x64xf32, #tpu.memory_space<vmem>>
      %dma_start3A_157 = arith.constant 0 : i32
      %dma_start3A_158 = tpu.memref_slice %arg3[%squeeze3A_148, %dma_start3A_157] : memref<1000000x64xf32, #tpu.memory_space<hbm>> -> memref<1x64xf32, #tpu.memory_space<hbm>>
      tpu.enqueue_dma source(%dma_start3A_158 : memref<1x64xf32, #tpu.memory_space<hbm>>) target(%dma_start3A_156 : memref<1x64xf32, #tpu.memory_space<vmem>>) target_semaphore(%arg8 : memref<!tpu.dma_semaphore, #tpu.memory_space<semaphore_mem>>)
      %slice3A_159 = vector.extract_strided_slice %get3A_65 {offsets = [8], sizes = [1], strides = [1]} : vector<16xi32> to vector<1xi32>
      %squeeze3A_160 = vector.extract %slice3A_159[0] : i32 from vector<1xi32>
      %add3A_161 = arith.constant 8 : i32
      %add3A_162 = arith.addi %mul3A_61, %add3A_161 : i32
      %dma_start3A_163 = arith.constant 0 : i32
      %dma_start3A_164 = tpu.memref_slice %arg7[%add3A_162, %dma_start3A_163] : memref<512x64xf32, #tpu.memory_space<vmem>> -> memref<1x64xf32, #tpu.memory_space<vmem>>
      %dma_start3A_165 = arith.constant 0 : i32
      %dma_start3A_166 = tpu.memref_slice %arg3[%squeeze3A_160, %dma_start3A_165] : memref<1000000x64xf32, #tpu.memory_space<hbm>> -> memref<1x64xf32, #tpu.memory_space<hbm>>
      %dma_start3A_167 = arith.constant 0 : i32
      %dma_start3A_168 = tpu.memref_slice %arg7[%add3A_162, %dma_start3A_167] : memref<512x64xf32, #tpu.memory_space<vmem>> -> memref<1x64xf32, #tpu.memory_space<vmem>>
      %dma_start3A_169 = arith.constant 0 : i32
      %dma_start3A_170 = tpu.memref_slice %arg3[%squeeze3A_160, %dma_start3A_169] : memref<1000000x64xf32, #tpu.memory_space<hbm>> -> memref<1x64xf32, #tpu.memory_space<hbm>>
      tpu.enqueue_dma source(%dma_start3A_170 : memref<1x64xf32, #tpu.memory_space<hbm>>) target(%dma_start3A_168 : memref<1x64xf32, #tpu.memory_space<vmem>>) target_semaphore(%arg8 : memref<!tpu.dma_semaphore, #tpu.memory_space<semaphore_mem>>)
      %slice3A_171 = vector.extract_strided_slice %get3A_65 {offsets = [9], sizes = [1], strides = [1]} : vector<16xi32> to vector<1xi32>
      %squeeze3A_172 = vector.extract %slice3A_171[0] : i32 from vector<1xi32>
      %add3A_173 = arith.constant 9 : i32
      %add3A_174 = arith.addi %mul3A_61, %add3A_173 : i32
      %dma_start3A_175 = arith.constant 0 : i32
      %dma_start3A_176 = tpu.memref_slice %arg7[%add3A_174, %dma_start3A_175] : memref<512x64xf32, #tpu.memory_space<vmem>> -> memref<1x64xf32, #tpu.memory_space<vmem>>
      %dma_start3A_177 = arith.constant 0 : i32
      %dma_start3A_178 = tpu.memref_slice %arg3[%squeeze3A_172, %dma_start3A_177] : memref<1000000x64xf32, #tpu.memory_space<hbm>> -> memref<1x64xf32, #tpu.memory_space<hbm>>
      %dma_start3A_179 = arith.constant 0 : i32
      %dma_start3A_180 = tpu.memref_slice %arg7[%add3A_174, %dma_start3A_179] : memref<512x64xf32, #tpu.memory_space<vmem>> -> memref<1x64xf32, #tpu.memory_space<vmem>>
      %dma_start3A_181 = arith.constant 0 : i32
      %dma_start3A_182 = tpu.memref_slice %arg3[%squeeze3A_172, %dma_start3A_181] : memref<1000000x64xf32, #tpu.memory_space<hbm>> -> memref<1x64xf32, #tpu.memory_space<hbm>>
      tpu.enqueue_dma source(%dma_start3A_182 : memref<1x64xf32, #tpu.memory_space<hbm>>) target(%dma_start3A_180 : memref<1x64xf32, #tpu.memory_space<vmem>>) target_semaphore(%arg8 : memref<!tpu.dma_semaphore, #tpu.memory_space<semaphore_mem>>)
      %slice3A_183 = vector.extract_strided_slice %get3A_65 {offsets = [10], sizes = [1], strides = [1]} : vector<16xi32> to vector<1xi32>
      %squeeze3A_184 = vector.extract %slice3A_183[0] : i32 from vector<1xi32>
      %add3A_185 = arith.constant 10 : i32
      %add3A_186 = arith.addi %mul3A_61, %add3A_185 : i32
      %dma_start3A_187 = arith.constant 0 : i32
      %dma_start3A_188 = tpu.memref_slice %arg7[%add3A_186, %dma_start3A_187] : memref<512x64xf32, #tpu.memory_space<vmem>> -> memref<1x64xf32, #tpu.memory_space<vmem>>
      %dma_start3A_189 = arith.constant 0 : i32
      %dma_start3A_190 = tpu.memref_slice %arg3[%squeeze3A_184, %dma_start3A_189] : memref<1000000x64xf32, #tpu.memory_space<hbm>> -> memref<1x64xf32, #tpu.memory_space<hbm>>
      %dma_start3A_191 = arith.constant 0 : i32
      %dma_start3A_192 = tpu.memref_slice %arg7[%add3A_186, %dma_start3A_191] : memref<512x64xf32, #tpu.memory_space<vmem>> -> memref<1x64xf32, #tpu.memory_space<vmem>>
      %dma_start3A_193 = arith.constant 0 : i32
      %dma_start3A_194 = tpu.memref_slice %arg3[%squeeze3A_184, %dma_start3A_193] : memref<1000000x64xf32, #tpu.memory_space<hbm>> -> memref<1x64xf32, #tpu.memory_space<hbm>>
      tpu.enqueue_dma source(%dma_start3A_194 : memref<1x64xf32, #tpu.memory_space<hbm>>) target(%dma_start3A_192 : memref<1x64xf32, #tpu.memory_space<vmem>>) target_semaphore(%arg8 : memref<!tpu.dma_semaphore, #tpu.memory_space<semaphore_mem>>)
      %slice3A_195 = vector.extract_strided_slice %get3A_65 {offsets = [11], sizes = [1], strides = [1]} : vector<16xi32> to vector<1xi32>
      %squeeze3A_196 = vector.extract %slice3A_195[0] : i32 from vector<1xi32>
      %add3A_197 = arith.constant 11 : i32
      %add3A_198 = arith.addi %mul3A_61, %add3A_197 : i32
      %dma_start3A_199 = arith.constant 0 : i32
      %dma_start3A_200 = tpu.memref_slice %arg7[%add3A_198, %dma_start3A_199] : memref<512x64xf32, #tpu.memory_space<vmem>> -> memref<1x64xf32, #tpu.memory_space<vmem>>
      %dma_start3A_201 = arith.constant 0 : i32
      %dma_start3A_202 = tpu.memref_slice %arg3[%squeeze3A_196, %dma_start3A_201] : memref<1000000x64xf32, #tpu.memory_space<hbm>> -> memref<1x64xf32, #tpu.memory_space<hbm>>
      %dma_start3A_203 = arith.constant 0 : i32
      %dma_start3A_204 = tpu.memref_slice %arg7[%add3A_198, %dma_start3A_203] : memref<512x64xf32, #tpu.memory_space<vmem>> -> memref<1x64xf32, #tpu.memory_space<vmem>>
      %dma_start3A_205 = arith.constant 0 : i32
      %dma_start3A_206 = tpu.memref_slice %arg3[%squeeze3A_196, %dma_start3A_205] : memref<1000000x64xf32, #tpu.memory_space<hbm>> -> memref<1x64xf32, #tpu.memory_space<hbm>>
      tpu.enqueue_dma source(%dma_start3A_206 : memref<1x64xf32, #tpu.memory_space<hbm>>) target(%dma_start3A_204 : memref<1x64xf32, #tpu.memory_space<vmem>>) target_semaphore(%arg8 : memref<!tpu.dma_semaphore, #tpu.memory_space<semaphore_mem>>)
      %slice3A_207 = vector.extract_strided_slice %get3A_65 {offsets = [12], sizes = [1], strides = [1]} : vector<16xi32> to vector<1xi32>
      %squeeze3A_208 = vector.extract %slice3A_207[0] : i32 from vector<1xi32>
      %add3A_209 = arith.constant 12 : i32
      %add3A_210 = arith.addi %mul3A_61, %add3A_209 : i32
      %dma_start3A_211 = arith.constant 0 : i32
      %dma_start3A_212 = tpu.memref_slice %arg7[%add3A_210, %dma_start3A_211] : memref<512x64xf32, #tpu.memory_space<vmem>> -> memref<1x64xf32, #tpu.memory_space<vmem>>
      %dma_start3A_213 = arith.constant 0 : i32
      %dma_start3A_214 = tpu.memref_slice %arg3[%squeeze3A_208, %dma_start3A_213] : memref<1000000x64xf32, #tpu.memory_space<hbm>> -> memref<1x64xf32, #tpu.memory_space<hbm>>
      %dma_start3A_215 = arith.constant 0 : i32
      %dma_start3A_216 = tpu.memref_slice %arg7[%add3A_210, %dma_start3A_215] : memref<512x64xf32, #tpu.memory_space<vmem>> -> memref<1x64xf32, #tpu.memory_space<vmem>>
      %dma_start3A_217 = arith.constant 0 : i32
      %dma_start3A_218 = tpu.memref_slice %arg3[%squeeze3A_208, %dma_start3A_217] : memref<1000000x64xf32, #tpu.memory_space<hbm>> -> memref<1x64xf32, #tpu.memory_space<hbm>>
      tpu.enqueue_dma source(%dma_start3A_218 : memref<1x64xf32, #tpu.memory_space<hbm>>) target(%dma_start3A_216 : memref<1x64xf32, #tpu.memory_space<vmem>>) target_semaphore(%arg8 : memref<!tpu.dma_semaphore, #tpu.memory_space<semaphore_mem>>)
      %slice3A_219 = vector.extract_strided_slice %get3A_65 {offsets = [13], sizes = [1], strides = [1]} : vector<16xi32> to vector<1xi32>
      %squeeze3A_220 = vector.extract %slice3A_219[0] : i32 from vector<1xi32>
      %add3A_221 = arith.constant 13 : i32
      %add3A_222 = arith.addi %mul3A_61, %add3A_221 : i32
      %dma_start3A_223 = arith.constant 0 : i32
      %dma_start3A_224 = tpu.memref_slice %arg7[%add3A_222, %dma_start3A_223] : memref<512x64xf32, #tpu.memory_space<vmem>> -> memref<1x64xf32, #tpu.memory_space<vmem>>
      %dma_start3A_225 = arith.constant 0 : i32
      %dma_start3A_226 = tpu.memref_slice %arg3[%squeeze3A_220, %dma_start3A_225] : memref<1000000x64xf32, #tpu.memory_space<hbm>> -> memref<1x64xf32, #tpu.memory_space<hbm>>
      %dma_start3A_227 = arith.constant 0 : i32
      %dma_start3A_228 = tpu.memref_slice %arg7[%add3A_222, %dma_start3A_227] : memref<512x64xf32, #tpu.memory_space<vmem>> -> memref<1x64xf32, #tpu.memory_space<vmem>>
      %dma_start3A_229 = arith.constant 0 : i32
      %dma_start3A_230 = tpu.memref_slice %arg3[%squeeze3A_220, %dma_start3A_229] : memref<1000000x64xf32, #tpu.memory_space<hbm>> -> memref<1x64xf32, #tpu.memory_space<hbm>>
      tpu.enqueue_dma source(%dma_start3A_230 : memref<1x64xf32, #tpu.memory_space<hbm>>) target(%dma_start3A_228 : memref<1x64xf32, #tpu.memory_space<vmem>>) target_semaphore(%arg8 : memref<!tpu.dma_semaphore, #tpu.memory_space<semaphore_mem>>)
      %slice3A_231 = vector.extract_strided_slice %get3A_65 {offsets = [14], sizes = [1], strides = [1]} : vector<16xi32> to vector<1xi32>
      %squeeze3A_232 = vector.extract %slice3A_231[0] : i32 from vector<1xi32>
      %add3A_233 = arith.constant 14 : i32
      %add3A_234 = arith.addi %mul3A_61, %add3A_233 : i32
      %dma_start3A_235 = arith.constant 0 : i32
      %dma_start3A_236 = tpu.memref_slice %arg7[%add3A_234, %dma_start3A_235] : memref<512x64xf32, #tpu.memory_space<vmem>> -> memref<1x64xf32, #tpu.memory_space<vmem>>
      %dma_start3A_237 = arith.constant 0 : i32
      %dma_start3A_238 = tpu.memref_slice %arg3[%squeeze3A_232, %dma_start3A_237] : memref<1000000x64xf32, #tpu.memory_space<hbm>> -> memref<1x64xf32, #tpu.memory_space<hbm>>
      %dma_start3A_239 = arith.constant 0 : i32
      %dma_start3A_240 = tpu.memref_slice %arg7[%add3A_234, %dma_start3A_239] : memref<512x64xf32, #tpu.memory_space<vmem>> -> memref<1x64xf32, #tpu.memory_space<vmem>>
      %dma_start3A_241 = arith.constant 0 : i32
      %dma_start3A_242 = tpu.memref_slice %arg3[%squeeze3A_232, %dma_start3A_241] : memref<1000000x64xf32, #tpu.memory_space<hbm>> -> memref<1x64xf32, #tpu.memory_space<hbm>>
      tpu.enqueue_dma source(%dma_start3A_242 : memref<1x64xf32, #tpu.memory_space<hbm>>) target(%dma_start3A_240 : memref<1x64xf32, #tpu.memory_space<vmem>>) target_semaphore(%arg8 : memref<!tpu.dma_semaphore, #tpu.memory_space<semaphore_mem>>)
      %slice3A_243 = vector.extract_strided_slice %get3A_65 {offsets = [15], sizes = [1], strides = [1]} : vector<16xi32> to vector<1xi32>
      %squeeze3A_244 = vector.extract %slice3A_243[0] : i32 from vector<1xi32>
      %add3A_245 = arith.constant 15 : i32
      %add3A_246 = arith.addi %mul3A_61, %add3A_245 : i32
      %dma_start3A_247 = arith.constant 0 : i32
      %dma_start3A_248 = tpu.memref_slice %arg7[%add3A_246, %dma_start3A_247] : memref<512x64xf32, #tpu.memory_space<vmem>> -> memref<1x64xf32, #tpu.memory_space<vmem>>
      %dma_start3A_249 = arith.constant 0 : i32
      %dma_start3A_250 = tpu.memref_slice %arg3[%squeeze3A_244, %dma_start3A_249] : memref<1000000x64xf32, #tpu.memory_space<hbm>> -> memref<1x64xf32, #tpu.memory_space<hbm>>
      %dma_start3A_251 = arith.constant 0 : i32
      %dma_start3A_252 = tpu.memref_slice %arg7[%add3A_246, %dma_start3A_251] : memref<512x64xf32, #tpu.memory_space<vmem>> -> memref<1x64xf32, #tpu.memory_space<vmem>>
      %dma_start3A_253 = arith.constant 0 : i32
      %dma_start3A_254 = tpu.memref_slice %arg3[%squeeze3A_244, %dma_start3A_253] : memref<1000000x64xf32, #tpu.memory_space<hbm>> -> memref<1x64xf32, #tpu.memory_space<hbm>>
      tpu.enqueue_dma source(%dma_start3A_254 : memref<1x64xf32, #tpu.memory_space<hbm>>) target(%dma_start3A_252 : memref<1x64xf32, #tpu.memory_space<vmem>>) target_semaphore(%arg8 : memref<!tpu.dma_semaphore, #tpu.memory_space<semaphore_mem>>)
    }
    %while3A_50 = arith.constant 1 : i32
    scf.for %while3A_59 = %while3A_48 to %while3A_44 step %while3A_50  : i32 {
      %mul3A_60 = arith.constant 16 : i32
      %mul3A_61 = arith.muli %while3A_59, %mul3A_60 : i32
      %add3A_62 = arith.constant 512 : i32
      %add3A_63 = arith.addi %add3A_62, %mul3A_61 : i32
      %get3A = arith.index_cast %add3A_63 : i32 to index
      %get3A_64 = tpu.vector_load %arg6[%get3A] {strides = array<i32>} : memref<1024xi32, #tpu.memory_space<vmem>>, vector<16xi32>,
      %get3A_65 = vector.shape_cast %get3A_64 : vector<16xi32> to vector<16xi32>
      %slice3A = vector.extract_strided_slice %get3A_65 {offsets = [0], sizes = [1], strides = [1]} : vector<16xi32> to vector<1xi32>
      %squeeze3A = vector.extract %slice3A[0] : i32 from vector<1xi32>
      %add3A_66 = arith.constant 0 : i32
      %add3A_67 = arith.addi %mul3A_61, %add3A_66 : i32
      %dma_start3A = arith.constant 0 : i32
      %dma_start3A_68 = tpu.memref_slice %arg7[%add3A_67, %dma_start3A] : memref<512x64xf32, #tpu.memory_space<vmem>> -> memref<1x64xf32, #tpu.memory_space<vmem>>
      %dma_start3A_69 = arith.constant 0 : i32
      %dma_start3A_70 = tpu.memref_slice %arg3[%squeeze3A, %dma_start3A_69] : memref<1000000x64xf32, #tpu.memory_space<hbm>> -> memref<1x64xf32, #tpu.memory_space<hbm>>
      %dma_start3A_71 = arith.constant 0 : i32
      %dma_start3A_72 = tpu.memref_slice %arg7[%add3A_67, %dma_start3A_71] : memref<512x64xf32, #tpu.memory_space<vmem>> -> memref<1x64xf32, #tpu.memory_space<vmem>>
      %dma_start3A_73 = arith.constant 0 : i32
      %dma_start3A_74 = tpu.memref_slice %arg3[%squeeze3A, %dma_start3A_73] : memref<1000000x64xf32, #tpu.memory_space<hbm>> -> memref<1x64xf32, #tpu.memory_space<hbm>>
      tpu.enqueue_dma source(%dma_start3A_74 : memref<1x64xf32, #tpu.memory_space<hbm>>) target(%dma_start3A_72 : memref<1x64xf32, #tpu.memory_space<vmem>>) target_semaphore(%arg8 : memref<!tpu.dma_semaphore, #tpu.memory_space<semaphore_mem>>)
      %slice3A_75 = vector.extract_strided_slice %get3A_65 {offsets = [1], sizes = [1], strides = [1]} : vector<16xi32> to vector<1xi32>
      %squeeze3A_76 = vector.extract %slice3A_75[0] : i32 from vector<1xi32>
      %add3A_77 = arith.constant 1 : i32
      %add3A_78 = arith.addi %mul3A_61, %add3A_77 : i32
      %dma_start3A_79 = arith.constant 0 : i32
      %dma_start3A_80 = tpu.memref_slice %arg7[%add3A_78, %dma_start3A_79] : memref<512x64xf32, #tpu.memory_space<vmem>> -> memref<1x64xf32, #tpu.memory_space<vmem>>
      %dma_start3A_81 = arith.constant 0 : i32
      %dma_start3A_82 = tpu.memref_slice %arg3[%squeeze3A_76, %dma_start3A_81] : memref<1000000x64xf32, #tpu.memory_space<hbm>> -> memref<1x64xf32, #tpu.memory_space<hbm>>
      %dma_start3A_83 = arith.constant 0 : i32
      %dma_start3A_84 = tpu.memref_slice %arg7[%add3A_78, %dma_start3A_83] : memref<512x64xf32, #tpu.memory_space<vmem>> -> memref<1x64xf32, #tpu.memory_space<vmem>>
      %dma_start3A_85 = arith.constant 0 : i32
      %dma_start3A_86 = tpu.memref_slice %arg3[%squeeze3A_76, %dma_start3A_85] : memref<1000000x64xf32, #tpu.memory_space<hbm>> -> memref<1x64xf32, #tpu.memory_space<hbm>>
      tpu.enqueue_dma source(%dma_start3A_86 : memref<1x64xf32, #tpu.memory_space<hbm>>) target(%dma_start3A_84 : memref<1x64xf32, #tpu.memory_space<vmem>>) target_semaphore(%arg8 : memref<!tpu.dma_semaphore, #tpu.memory_space<semaphore_mem>>)
      %slice3A_87 = vector.extract_strided_slice %get3A_65 {offsets = [2], sizes = [1], strides = [1]} : vector<16xi32> to vector<1xi32>
      %squeeze3A_88 = vector.extract %slice3A_87[0] : i32 from vector<1xi32>
      %add3A_89 = arith.constant 2 : i32
      %add3A_90 = arith.addi %mul3A_61, %add3A_89 : i32
      %dma_start3A_91 = arith.constant 0 : i32
      %dma_start3A_92 = tpu.memref_slice %arg7[%add3A_90, %dma_start3A_91] : memref<512x64xf32, #tpu.memory_space<vmem>> -> memref<1x64xf32, #tpu.memory_space<vmem>>
      %dma_start3A_93 = arith.constant 0 : i32
      %dma_start3A_94 = tpu.memref_slice %arg3[%squeeze3A_88, %dma_start3A_93] : memref<1000000x64xf32, #tpu.memory_space<hbm>> -> memref<1x64xf32, #tpu.memory_space<hbm>>
      %dma_start3A_95 = arith.constant 0 : i32
      %dma_start3A_96 = tpu.memref_slice %arg7[%add3A_90, %dma_start3A_95] : memref<512x64xf32, #tpu.memory_space<vmem>> -> memref<1x64xf32, #tpu.memory_space<vmem>>
      %dma_start3A_97 = arith.constant 0 : i32
      %dma_start3A_98 = tpu.memref_slice %arg3[%squeeze3A_88, %dma_start3A_97] : memref<1000000x64xf32, #tpu.memory_space<hbm>> -> memref<1x64xf32, #tpu.memory_space<hbm>>
      tpu.enqueue_dma source(%dma_start3A_98 : memref<1x64xf32, #tpu.memory_space<hbm>>) target(%dma_start3A_96 : memref<1x64xf32, #tpu.memory_space<vmem>>) target_semaphore(%arg8 : memref<!tpu.dma_semaphore, #tpu.memory_space<semaphore_mem>>)
      %slice3A_99 = vector.extract_strided_slice %get3A_65 {offsets = [3], sizes = [1], strides = [1]} : vector<16xi32> to vector<1xi32>
      %squeeze3A_100 = vector.extract %slice3A_99[0] : i32 from vector<1xi32>
      %add3A_101 = arith.constant 3 : i32
      %add3A_102 = arith.addi %mul3A_61, %add3A_101 : i32
      %dma_start3A_103 = arith.constant 0 : i32
      %dma_start3A_104 = tpu.memref_slice %arg7[%add3A_102, %dma_start3A_103] : memref<512x64xf32, #tpu.memory_space<vmem>> -> memref<1x64xf32, #tpu.memory_space<vmem>>
      %dma_start3A_105 = arith.constant 0 : i32
      %dma_start3A_106 = tpu.memref_slice %arg3[%squeeze3A_100, %dma_start3A_105] : memref<1000000x64xf32, #tpu.memory_space<hbm>> -> memref<1x64xf32, #tpu.memory_space<hbm>>
      %dma_start3A_107 = arith.constant 0 : i32
      %dma_start3A_108 = tpu.memref_slice %arg7[%add3A_102, %dma_start3A_107] : memref<512x64xf32, #tpu.memory_space<vmem>> -> memref<1x64xf32, #tpu.memory_space<vmem>>
      %dma_start3A_109 = arith.constant 0 : i32
      %dma_start3A_110 = tpu.memref_slice %arg3[%squeeze3A_100, %dma_start3A_109] : memref<1000000x64xf32, #tpu.memory_space<hbm>> -> memref<1x64xf32, #tpu.memory_space<hbm>>
      tpu.enqueue_dma source(%dma_start3A_110 : memref<1x64xf32, #tpu.memory_space<hbm>>) target(%dma_start3A_108 : memref<1x64xf32, #tpu.memory_space<vmem>>) target_semaphore(%arg8 : memref<!tpu.dma_semaphore, #tpu.memory_space<semaphore_mem>>)
      %slice3A_111 = vector.extract_strided_slice %get3A_65 {offsets = [4], sizes = [1], strides = [1]} : vector<16xi32> to vector<1xi32>
      %squeeze3A_112 = vector.extract %slice3A_111[0] : i32 from vector<1xi32>
      %add3A_113 = arith.constant 4 : i32
      %add3A_114 = arith.addi %mul3A_61, %add3A_113 : i32
      %dma_start3A_115 = arith.constant 0 : i32
      %dma_start3A_116 = tpu.memref_slice %arg7[%add3A_114, %dma_start3A_115] : memref<512x64xf32, #tpu.memory_space<vmem>> -> memref<1x64xf32, #tpu.memory_space<vmem>>
      %dma_start3A_117 = arith.constant 0 : i32
      %dma_start3A_118 = tpu.memref_slice %arg3[%squeeze3A_112, %dma_start3A_117] : memref<1000000x64xf32, #tpu.memory_space<hbm>> -> memref<1x64xf32, #tpu.memory_space<hbm>>
      %dma_start3A_119 = arith.constant 0 : i32
      %dma_start3A_120 = tpu.memref_slice %arg7[%add3A_114, %dma_start3A_119] : memref<512x64xf32, #tpu.memory_space<vmem>> -> memref<1x64xf32, #tpu.memory_space<vmem>>
      %dma_start3A_121 = arith.constant 0 : i32
      %dma_start3A_122 = tpu.memref_slice %arg3[%squeeze3A_112, %dma_start3A_121] : memref<1000000x64xf32, #tpu.memory_space<hbm>> -> memref<1x64xf32, #tpu.memory_space<hbm>>
      tpu.enqueue_dma source(%dma_start3A_122 : memref<1x64xf32, #tpu.memory_space<hbm>>) target(%dma_start3A_120 : memref<1x64xf32, #tpu.memory_space<vmem>>) target_semaphore(%arg8 : memref<!tpu.dma_semaphore, #tpu.memory_space<semaphore_mem>>)
      %slice3A_123 = vector.extract_strided_slice %get3A_65 {offsets = [5], sizes = [1], strides = [1]} : vector<16xi32> to vector<1xi32>
      %squeeze3A_124 = vector.extract %slice3A_123[0] : i32 from vector<1xi32>
      %add3A_125 = arith.constant 5 : i32
      %add3A_126 = arith.addi %mul3A_61, %add3A_125 : i32
      %dma_start3A_127 = arith.constant 0 : i32
      %dma_start3A_128 = tpu.memref_slice %arg7[%add3A_126, %dma_start3A_127] : memref<512x64xf32, #tpu.memory_space<vmem>> -> memref<1x64xf32, #tpu.memory_space<vmem>>
      %dma_start3A_129 = arith.constant 0 : i32
      %dma_start3A_130 = tpu.memref_slice %arg3[%squeeze3A_124, %dma_start3A_129] : memref<1000000x64xf32, #tpu.memory_space<hbm>> -> memref<1x64xf32, #tpu.memory_space<hbm>>
      %dma_start3A_131 = arith.constant 0 : i32
      %dma_start3A_132 = tpu.memref_slice %arg7[%add3A_126, %dma_start3A_131] : memref<512x64xf32, #tpu.memory_space<vmem>> -> memref<1x64xf32, #tpu.memory_space<vmem>>
      %dma_start3A_133 = arith.constant 0 : i32
      %dma_start3A_134 = tpu.memref_slice %arg3[%squeeze3A_124, %dma_start3A_133] : memref<1000000x64xf32, #tpu.memory_space<hbm>> -> memref<1x64xf32, #tpu.memory_space<hbm>>
      tpu.enqueue_dma source(%dma_start3A_134 : memref<1x64xf32, #tpu.memory_space<hbm>>) target(%dma_start3A_132 : memref<1x64xf32, #tpu.memory_space<vmem>>) target_semaphore(%arg8 : memref<!tpu.dma_semaphore, #tpu.memory_space<semaphore_mem>>)
      %slice3A_135 = vector.extract_strided_slice %get3A_65 {offsets = [6], sizes = [1], strides = [1]} : vector<16xi32> to vector<1xi32>
      %squeeze3A_136 = vector.extract %slice3A_135[0] : i32 from vector<1xi32>
      %add3A_137 = arith.constant 6 : i32
      %add3A_138 = arith.addi %mul3A_61, %add3A_137 : i32
      %dma_start3A_139 = arith.constant 0 : i32
      %dma_start3A_140 = tpu.memref_slice %arg7[%add3A_138, %dma_start3A_139] : memref<512x64xf32, #tpu.memory_space<vmem>> -> memref<1x64xf32, #tpu.memory_space<vmem>>
      %dma_start3A_141 = arith.constant 0 : i32
      %dma_start3A_142 = tpu.memref_slice %arg3[%squeeze3A_136, %dma_start3A_141] : memref<1000000x64xf32, #tpu.memory_space<hbm>> -> memref<1x64xf32, #tpu.memory_space<hbm>>
      %dma_start3A_143 = arith.constant 0 : i32
      %dma_start3A_144 = tpu.memref_slice %arg7[%add3A_138, %dma_start3A_143] : memref<512x64xf32, #tpu.memory_space<vmem>> -> memref<1x64xf32, #tpu.memory_space<vmem>>
      %dma_start3A_145 = arith.constant 0 : i32
      %dma_start3A_146 = tpu.memref_slice %arg3[%squeeze3A_136, %dma_start3A_145] : memref<1000000x64xf32, #tpu.memory_space<hbm>> -> memref<1x64xf32, #tpu.memory_space<hbm>>
      tpu.enqueue_dma source(%dma_start3A_146 : memref<1x64xf32, #tpu.memory_space<hbm>>) target(%dma_start3A_144 : memref<1x64xf32, #tpu.memory_space<vmem>>) target_semaphore(%arg8 : memref<!tpu.dma_semaphore, #tpu.memory_space<semaphore_mem>>)
      %slice3A_147 = vector.extract_strided_slice %get3A_65 {offsets = [7], sizes = [1], strides = [1]} : vector<16xi32> to vector<1xi32>
      %squeeze3A_148 = vector.extract %slice3A_147[0] : i32 from vector<1xi32>
      %add3A_149 = arith.constant 7 : i32
      %add3A_150 = arith.addi %mul3A_61, %add3A_149 : i32
      %dma_start3A_151 = arith.constant 0 : i32
      %dma_start3A_152 = tpu.memref_slice %arg7[%add3A_150, %dma_start3A_151] : memref<512x64xf32, #tpu.memory_space<vmem>> -> memref<1x64xf32, #tpu.memory_space<vmem>>
      %dma_start3A_153 = arith.constant 0 : i32
      %dma_start3A_154 = tpu.memref_slice %arg3[%squeeze3A_148, %dma_start3A_153] : memref<1000000x64xf32, #tpu.memory_space<hbm>> -> memref<1x64xf32, #tpu.memory_space<hbm>>
      %dma_start3A_155 = arith.constant 0 : i32
      %dma_start3A_156 = tpu.memref_slice %arg7[%add3A_150, %dma_start3A_155] : memref<512x64xf32, #tpu.memory_space<vmem>> -> memref<1x64xf32, #tpu.memory_space<vmem>>
      %dma_start3A_157 = arith.constant 0 : i32
      %dma_start3A_158 = tpu.memref_slice %arg3[%squeeze3A_148, %dma_start3A_157] : memref<1000000x64xf32, #tpu.memory_space<hbm>> -> memref<1x64xf32, #tpu.memory_space<hbm>>
      tpu.enqueue_dma source(%dma_start3A_158 : memref<1x64xf32, #tpu.memory_space<hbm>>) target(%dma_start3A_156 : memref<1x64xf32, #tpu.memory_space<vmem>>) target_semaphore(%arg8 : memref<!tpu.dma_semaphore, #tpu.memory_space<semaphore_mem>>)
      %slice3A_159 = vector.extract_strided_slice %get3A_65 {offsets = [8], sizes = [1], strides = [1]} : vector<16xi32> to vector<1xi32>
      %squeeze3A_160 = vector.extract %slice3A_159[0] : i32 from vector<1xi32>
      %add3A_161 = arith.constant 8 : i32
      %add3A_162 = arith.addi %mul3A_61, %add3A_161 : i32
      %dma_start3A_163 = arith.constant 0 : i32
      %dma_start3A_164 = tpu.memref_slice %arg7[%add3A_162, %dma_start3A_163] : memref<512x64xf32, #tpu.memory_space<vmem>> -> memref<1x64xf32, #tpu.memory_space<vmem>>
      %dma_start3A_165 = arith.constant 0 : i32
      %dma_start3A_166 = tpu.memref_slice %arg3[%squeeze3A_160, %dma_start3A_165] : memref<1000000x64xf32, #tpu.memory_space<hbm>> -> memref<1x64xf32, #tpu.memory_space<hbm>>
      %dma_start3A_167 = arith.constant 0 : i32
      %dma_start3A_168 = tpu.memref_slice %arg7[%add3A_162, %dma_start3A_167] : memref<512x64xf32, #tpu.memory_space<vmem>> -> memref<1x64xf32, #tpu.memory_space<vmem>>
      %dma_start3A_169 = arith.constant 0 : i32
      %dma_start3A_170 = tpu.memref_slice %arg3[%squeeze3A_160, %dma_start3A_169] : memref<1000000x64xf32, #tpu.memory_space<hbm>> -> memref<1x64xf32, #tpu.memory_space<hbm>>
      tpu.enqueue_dma source(%dma_start3A_170 : memref<1x64xf32, #tpu.memory_space<hbm>>) target(%dma_start3A_168 : memref<1x64xf32, #tpu.memory_space<vmem>>) target_semaphore(%arg8 : memref<!tpu.dma_semaphore, #tpu.memory_space<semaphore_mem>>)
      %slice3A_171 = vector.extract_strided_slice %get3A_65 {offsets = [9], sizes = [1], strides = [1]} : vector<16xi32> to vector<1xi32>
      %squeeze3A_172 = vector.extract %slice3A_171[0] : i32 from vector<1xi32>
      %add3A_173 = arith.constant 9 : i32
      %add3A_174 = arith.addi %mul3A_61, %add3A_173 : i32
      %dma_start3A_175 = arith.constant 0 : i32
      %dma_start3A_176 = tpu.memref_slice %arg7[%add3A_174, %dma_start3A_175] : memref<512x64xf32, #tpu.memory_space<vmem>> -> memref<1x64xf32, #tpu.memory_space<vmem>>
      %dma_start3A_177 = arith.constant 0 : i32
      %dma_start3A_178 = tpu.memref_slice %arg3[%squeeze3A_172, %dma_start3A_177] : memref<1000000x64xf32, #tpu.memory_space<hbm>> -> memref<1x64xf32, #tpu.memory_space<hbm>>
      %dma_start3A_179 = arith.constant 0 : i32
      %dma_start3A_180 = tpu.memref_slice %arg7[%add3A_174, %dma_start3A_179] : memref<512x64xf32, #tpu.memory_space<vmem>> -> memref<1x64xf32, #tpu.memory_space<vmem>>
      %dma_start3A_181 = arith.constant 0 : i32
      %dma_start3A_182 = tpu.memref_slice %arg3[%squeeze3A_172, %dma_start3A_181] : memref<1000000x64xf32, #tpu.memory_space<hbm>> -> memref<1x64xf32, #tpu.memory_space<hbm>>
      tpu.enqueue_dma source(%dma_start3A_182 : memref<1x64xf32, #tpu.memory_space<hbm>>) target(%dma_start3A_180 : memref<1x64xf32, #tpu.memory_space<vmem>>) target_semaphore(%arg8 : memref<!tpu.dma_semaphore, #tpu.memory_space<semaphore_mem>>)
      %slice3A_183 = vector.extract_strided_slice %get3A_65 {offsets = [10], sizes = [1], strides = [1]} : vector<16xi32> to vector<1xi32>
      %squeeze3A_184 = vector.extract %slice3A_183[0] : i32 from vector<1xi32>
      %add3A_185 = arith.constant 10 : i32
      %add3A_186 = arith.addi %mul3A_61, %add3A_185 : i32
      %dma_start3A_187 = arith.constant 0 : i32
      %dma_start3A_188 = tpu.memref_slice %arg7[%add3A_186, %dma_start3A_187] : memref<512x64xf32, #tpu.memory_space<vmem>> -> memref<1x64xf32, #tpu.memory_space<vmem>>
      %dma_start3A_189 = arith.constant 0 : i32
      %dma_start3A_190 = tpu.memref_slice %arg3[%squeeze3A_184, %dma_start3A_189] : memref<1000000x64xf32, #tpu.memory_space<hbm>> -> memref<1x64xf32, #tpu.memory_space<hbm>>
      %dma_start3A_191 = arith.constant 0 : i32
      %dma_start3A_192 = tpu.memref_slice %arg7[%add3A_186, %dma_start3A_191] : memref<512x64xf32, #tpu.memory_space<vmem>> -> memref<1x64xf32, #tpu.memory_space<vmem>>
      %dma_start3A_193 = arith.constant 0 : i32
      %dma_start3A_194 = tpu.memref_slice %arg3[%squeeze3A_184, %dma_start3A_193] : memref<1000000x64xf32, #tpu.memory_space<hbm>> -> memref<1x64xf32, #tpu.memory_space<hbm>>
      tpu.enqueue_dma source(%dma_start3A_194 : memref<1x64xf32, #tpu.memory_space<hbm>>) target(%dma_start3A_192 : memref<1x64xf32, #tpu.memory_space<vmem>>) target_semaphore(%arg8 : memref<!tpu.dma_semaphore, #tpu.memory_space<semaphore_mem>>)
      %slice3A_195 = vector.extract_strided_slice %get3A_65 {offsets = [11], sizes = [1], strides = [1]} : vector<16xi32> to vector<1xi32>
      %squeeze3A_196 = vector.extract %slice3A_195[0] : i32 from vector<1xi32>
      %add3A_197 = arith.constant 11 : i32
      %add3A_198 = arith.addi %mul3A_61, %add3A_197 : i32
      %dma_start3A_199 = arith.constant 0 : i32
      %dma_start3A_200 = tpu.memref_slice %arg7[%add3A_198, %dma_start3A_199] : memref<512x64xf32, #tpu.memory_space<vmem>> -> memref<1x64xf32, #tpu.memory_space<vmem>>
      %dma_start3A_201 = arith.constant 0 : i32
      %dma_start3A_202 = tpu.memref_slice %arg3[%squeeze3A_196, %dma_start3A_201] : memref<1000000x64xf32, #tpu.memory_space<hbm>> -> memref<1x64xf32, #tpu.memory_space<hbm>>
      %dma_start3A_203 = arith.constant 0 : i32
      %dma_start3A_204 = tpu.memref_slice %arg7[%add3A_198, %dma_start3A_203] : memref<512x64xf32, #tpu.memory_space<vmem>> -> memref<1x64xf32, #tpu.memory_space<vmem>>
      %dma_start3A_205 = arith.constant 0 : i32
      %dma_start3A_206 = tpu.memref_slice %arg3[%squeeze3A_196, %dma_start3A_205] : memref<1000000x64xf32, #tpu.memory_space<hbm>> -> memref<1x64xf32, #tpu.memory_space<hbm>>
      tpu.enqueue_dma source(%dma_start3A_206 : memref<1x64xf32, #tpu.memory_space<hbm>>) target(%dma_start3A_204 : memref<1x64xf32, #tpu.memory_space<vmem>>) target_semaphore(%arg8 : memref<!tpu.dma_semaphore, #tpu.memory_space<semaphore_mem>>)
      %slice3A_207 = vector.extract_strided_slice %get3A_65 {offsets = [12], sizes = [1], strides = [1]} : vector<16xi32> to vector<1xi32>
      %squeeze3A_208 = vector.extract %slice3A_207[0] : i32 from vector<1xi32>
      %add3A_209 = arith.constant 12 : i32
      %add3A_210 = arith.addi %mul3A_61, %add3A_209 : i32
      %dma_start3A_211 = arith.constant 0 : i32
      %dma_start3A_212 = tpu.memref_slice %arg7[%add3A_210, %dma_start3A_211] : memref<512x64xf32, #tpu.memory_space<vmem>> -> memref<1x64xf32, #tpu.memory_space<vmem>>
      %dma_start3A_213 = arith.constant 0 : i32
      %dma_start3A_214 = tpu.memref_slice %arg3[%squeeze3A_208, %dma_start3A_213] : memref<1000000x64xf32, #tpu.memory_space<hbm>> -> memref<1x64xf32, #tpu.memory_space<hbm>>
      %dma_start3A_215 = arith.constant 0 : i32
      %dma_start3A_216 = tpu.memref_slice %arg7[%add3A_210, %dma_start3A_215] : memref<512x64xf32, #tpu.memory_space<vmem>> -> memref<1x64xf32, #tpu.memory_space<vmem>>
      %dma_start3A_217 = arith.constant 0 : i32
      %dma_start3A_218 = tpu.memref_slice %arg3[%squeeze3A_208, %dma_start3A_217] : memref<1000000x64xf32, #tpu.memory_space<hbm>> -> memref<1x64xf32, #tpu.memory_space<hbm>>
      tpu.enqueue_dma source(%dma_start3A_218 : memref<1x64xf32, #tpu.memory_space<hbm>>) target(%dma_start3A_216 : memref<1x64xf32, #tpu.memory_space<vmem>>) target_semaphore(%arg8 : memref<!tpu.dma_semaphore, #tpu.memory_space<semaphore_mem>>)
      %slice3A_219 = vector.extract_strided_slice %get3A_65 {offsets = [13], sizes = [1], strides = [1]} : vector<16xi32> to vector<1xi32>
      %squeeze3A_220 = vector.extract %slice3A_219[0] : i32 from vector<1xi32>
      %add3A_221 = arith.constant 13 : i32
      %add3A_222 = arith.addi %mul3A_61, %add3A_221 : i32
      %dma_start3A_223 = arith.constant 0 : i32
      %dma_start3A_224 = tpu.memref_slice %arg7[%add3A_222, %dma_start3A_223] : memref<512x64xf32, #tpu.memory_space<vmem>> -> memref<1x64xf32, #tpu.memory_space<vmem>>
      %dma_start3A_225 = arith.constant 0 : i32
      %dma_start3A_226 = tpu.memref_slice %arg3[%squeeze3A_220, %dma_start3A_225] : memref<1000000x64xf32, #tpu.memory_space<hbm>> -> memref<1x64xf32, #tpu.memory_space<hbm>>
      %dma_start3A_227 = arith.constant 0 : i32
      %dma_start3A_228 = tpu.memref_slice %arg7[%add3A_222, %dma_start3A_227] : memref<512x64xf32, #tpu.memory_space<vmem>> -> memref<1x64xf32, #tpu.memory_space<vmem>>
      %dma_start3A_229 = arith.constant 0 : i32
      %dma_start3A_230 = tpu.memref_slice %arg3[%squeeze3A_220, %dma_start3A_229] : memref<1000000x64xf32, #tpu.memory_space<hbm>> -> memref<1x64xf32, #tpu.memory_space<hbm>>
      tpu.enqueue_dma source(%dma_start3A_230 : memref<1x64xf32, #tpu.memory_space<hbm>>) target(%dma_start3A_228 : memref<1x64xf32, #tpu.memory_space<vmem>>) target_semaphore(%arg8 : memref<!tpu.dma_semaphore, #tpu.memory_space<semaphore_mem>>)
      %slice3A_231 = vector.extract_strided_slice %get3A_65 {offsets = [14], sizes = [1], strides = [1]} : vector<16xi32> to vector<1xi32>
      %squeeze3A_232 = vector.extract %slice3A_231[0] : i32 from vector<1xi32>
      %add3A_233 = arith.constant 14 : i32
      %add3A_234 = arith.addi %mul3A_61, %add3A_233 : i32
      %dma_start3A_235 = arith.constant 0 : i32
      %dma_start3A_236 = tpu.memref_slice %arg7[%add3A_234, %dma_start3A_235] : memref<512x64xf32, #tpu.memory_space<vmem>> -> memref<1x64xf32, #tpu.memory_space<vmem>>
      %dma_start3A_237 = arith.constant 0 : i32
      %dma_start3A_238 = tpu.memref_slice %arg3[%squeeze3A_232, %dma_start3A_237] : memref<1000000x64xf32, #tpu.memory_space<hbm>> -> memref<1x64xf32, #tpu.memory_space<hbm>>
      %dma_start3A_239 = arith.constant 0 : i32
      %dma_start3A_240 = tpu.memref_slice %arg7[%add3A_234, %dma_start3A_239] : memref<512x64xf32, #tpu.memory_space<vmem>> -> memref<1x64xf32, #tpu.memory_space<vmem>>
      %dma_start3A_241 = arith.constant 0 : i32
      %dma_start3A_242 = tpu.memref_slice %arg3[%squeeze3A_232, %dma_start3A_241] : memref<1000000x64xf32, #tpu.memory_space<hbm>> -> memref<1x64xf32, #tpu.memory_space<hbm>>
      tpu.enqueue_dma source(%dma_start3A_242 : memref<1x64xf32, #tpu.memory_space<hbm>>) target(%dma_start3A_240 : memref<1x64xf32, #tpu.memory_space<vmem>>) target_semaphore(%arg8 : memref<!tpu.dma_semaphore, #tpu.memory_space<semaphore_mem>>)
      %slice3A_243 = vector.extract_strided_slice %get3A_65 {offsets = [15], sizes = [1], strides = [1]} : vector<16xi32> to vector<1xi32>
      %squeeze3A_244 = vector.extract %slice3A_243[0] : i32 from vector<1xi32>
      %add3A_245 = arith.constant 15 : i32
      %add3A_246 = arith.addi %mul3A_61, %add3A_245 : i32
      %dma_start3A_247 = arith.constant 0 : i32
      %dma_start3A_248 = tpu.memref_slice %arg7[%add3A_246, %dma_start3A_247] : memref<512x64xf32, #tpu.memory_space<vmem>> -> memref<1x64xf32, #tpu.memory_space<vmem>>
      %dma_start3A_249 = arith.constant 0 : i32
      %dma_start3A_250 = tpu.memref_slice %arg3[%squeeze3A_244, %dma_start3A_249] : memref<1000000x64xf32, #tpu.memory_space<hbm>> -> memref<1x64xf32, #tpu.memory_space<hbm>>
      %dma_start3A_251 = arith.constant 0 : i32
      %dma_start3A_252 = tpu.memref_slice %arg7[%add3A_246, %dma_start3A_251] : memref<512x64xf32, #tpu.memory_space<vmem>> -> memref<1x64xf32, #tpu.memory_space<vmem>>
      %dma_start3A_253 = arith.constant 0 : i32
      %dma_start3A_254 = tpu.memref_slice %arg3[%squeeze3A_244, %dma_start3A_253] : memref<1000000x64xf32, #tpu.memory_space<hbm>> -> memref<1x64xf32, #tpu.memory_space<hbm>>
      tpu.enqueue_dma source(%dma_start3A_254 : memref<1x64xf32, #tpu.memory_space<hbm>>) target(%dma_start3A_252 : memref<1x64xf32, #tpu.memory_space<vmem>>) target_semaphore(%arg8 : memref<!tpu.dma_semaphore, #tpu.memory_space<semaphore_mem>>)
    }
    %dma_wait3A_51 = arith.constant 0 : i32
    %dma_wait3A_52 = arith.constant 0 : i32
    %dma_wait3A_53 = tpu.memref_slice %arg3[%dma_wait3A_51, %dma_wait3A_52] : memref<1000000x64xf32, #tpu.memory_space<hbm>> -> memref<512x64xf32, #tpu.memory_space<hbm>>
    %dma_wait3A_54 = arith.constant 0 : i32
    %dma_wait3A_55 = arith.constant 0 : i32
    %dma_wait3A_56 = tpu.memref_slice %arg3[%dma_wait3A_54, %dma_wait3A_55] : memref<1000000x64xf32, #tpu.memory_space<hbm>> -> memref<512x64xf32, #tpu.memory_space<hbm>>
    tpu.wait_dma2 semaphore(%arg8 : memref<!tpu.dma_semaphore, #tpu.memory_space<semaphore_mem>>) src(%dma_wait3A_56 : memref<512x64xf32, #tpu.memory_space<hbm>>) dst(%arg7 : memref<512x64xf32, #tpu.memory_space<vmem>>)
    %add3A_57 = arith.constant 512 : i32
    %add3A_58 = arith.addi %mul3A_2, %add3A_57 : i32
    "tpu.region"() ({
      %run_scoped3A = tpu.sem_alloc : memref<!tpu.dma_semaphore, #tpu.memory_space<semaphore_mem>>
      %dma_start3A = arith.constant 0 : i32
      %dma_start3A_59 = tpu.memref_slice %arg4[%add3A_58, %dma_start3A] : memref<32768x64xf32, #tpu.memory_space<hbm>> -> memref<512x64xf32, #tpu.memory_space<hbm>>
      %dma_start3A_60 = arith.constant 0 : i32
      %dma_start3A_61 = tpu.memref_slice %arg4[%add3A_58, %dma_start3A_60] : memref<32768x64xf32, #tpu.memory_space<hbm>> -> memref<512x64xf32, #tpu.memory_space<hbm>>
      tpu.enqueue_dma source(%arg7 : memref<512x64xf32, #tpu.memory_space<vmem>>) target(%dma_start3A_61 : memref<512x64xf32, #tpu.memory_space<hbm>>) target_semaphore(%run_scoped3A : memref<!tpu.dma_semaphore, #tpu.memory_space<semaphore_mem>>)
      %dma_wait3A_62 = arith.constant 0 : i32
      %dma_wait3A_63 = tpu.memref_slice %arg4[%add3A_58, %dma_wait3A_62] : memref<32768x64xf32, #tpu.memory_space<hbm>> -> memref<512x64xf32, #tpu.memory_space<hbm>>
      %dma_wait3A_64 = arith.constant 0 : i32
      %dma_wait3A_65 = tpu.memref_slice %arg4[%add3A_58, %dma_wait3A_64] : memref<32768x64xf32, #tpu.memory_space<hbm>> -> memref<512x64xf32, #tpu.memory_space<hbm>>
      tpu.wait_dma2 semaphore(%run_scoped3A : memref<!tpu.dma_semaphore, #tpu.memory_space<semaphore_mem>>) src(%arg7 : memref<512x64xf32, #tpu.memory_space<vmem>>) dst(%dma_wait3A_65 : memref<512x64xf32, #tpu.memory_space<hbm>>)
      tpu.yield
    }) : () -> ()
    return
  }
}

module attributes {stable_mosaic.version = 14 : i64} {
  func.func @_mm_body(%arg0: i32, %arg1: memref<2048x64xf32, #tpu.memory_space<vmem>>, %arg2: memref<1024x64xf32, #tpu.memory_space<vmem>>, %arg3: memref<2048x1024xf32, #tpu.memory_space<vmem>>) attributes {dimension_semantics = [#tpu.dimension_semantics<arbitrary>], iteration_bounds = array<i64: 16>, scalar_prefetch = 0 : i64, scratch_operands = 0 : i64, tpu.core_type = #tpu.core_type<tc>, window_params = [{transform_indices = @transform_0, window_bounds = array<i64: 2048, 64>}, {pipeline_mode = #tpu.pipeline_mode<synchronous>, transform_indices = @transform_1, window_bounds = array<i64: 1024, 64>}, {transform_indices = @transform_2, window_bounds = array<i64: 2048, 1024>}]} {
    %get3A = arith.constant 0 : index
    %get3A_0 = arith.constant 0 : index
    %get3A_1 = vector.load %arg1[%get3A, %get3A_0] : memref<2048x64xf32, #tpu.memory_space<vmem>>, vector<2048x64xf32>
    %get3A_2 = arith.constant 0 : index
    %get3A_3 = arith.constant 0 : index
    %get3A_4 = vector.load %arg2[%get3A_2, %get3A_3] : memref<1024x64xf32, #tpu.memory_space<vmem>>, vector<1024x64xf32>
    %dot_general3A = arith.constant dense<0.000000e+00> : vector<2048x1024xf32>
    %dot_general3A_5 = tpu.matmul %get3A_1, %get3A_4, %dot_general3A {dimension_numbers = #tpu.dot_dimension_numbers<[1], [1], [0], [0], [0, 0, 1, 0], [], []>, transpose_lhs_hint = false} : vector<2048x64xf32>, vector<1024x64xf32>, vector<2048x1024xf32> -> vector<2048x1024xf32>
    %swap3A = arith.constant 0 : index
    %swap3A_6 = arith.constant 0 : index
    %swap3A_7 = vector.load %arg3[%swap3A, %swap3A_6] : memref<2048x1024xf32, #tpu.memory_space<vmem>>, vector<2048x1024xf32>
    tpu.vector_store %arg3[%swap3A, %swap3A_6], %dot_general3A_5 {strides = array<i32>} : memref<2048x1024xf32, #tpu.memory_space<vmem>>, vector<2048x1024xf32>,
    return
  }
  func.func @transform_0(%arg0: i32) -> (i32, i32) {
    %c0_i32 = arith.constant 0 : i32
    %c0_i32_0 = arith.constant 0 : i32
    return %arg0, %c0_i32 : i32, i32
  }
  func.func @transform_1(%arg0: i32) -> (i32, i32) {
    %c0_i32 = arith.constant 0 : i32
    %c0_i32_0 = arith.constant 0 : i32
    %c0_i32_1 = arith.constant 0 : i32
    return %c0_i32, %c0_i32_0 : i32, i32
  }
  func.func @transform_2(%arg0: i32) -> (i32, i32) {
    %c0_i32 = arith.constant 0 : i32
    %c0_i32_0 = arith.constant 0 : i32
    return %arg0, %c0_i32 : i32, i32
  }
}

</mosaic_0001>

<sc_bundles>
// kernel: kernel.4.cloned.1.call-start
scs
__scs_entry_jumppad:
0x0: {  	(pc) =	sbr.rel $0x88, $3  }
0x1: {  	(tag) =	ssettag $0x0;
	lr =	simm.s32 $0x1  }
0x2: {  	[smem:$0x3F9E] =	sst lr;
	_ =	strace $0xD0000000  }
0x3: {  	_ = 	snop  }
0x4: {  	_ = 	snop  }
0x5: {  	_ = 	snop  }
0x6: {  	_ = 	snop  }
0x7: {  	_ = 	snop  }
__scs_overlays_trampoline_lowered:
0x8: {  	[smem:$0x3FAD] =	sst s0  }
0x9: {  	[smem:$0x3FAE] =	sst s1  }
0xa: {  	[smem:$0x3FAF] =	sst s2  }
0xb: {  	[smem:$0x3FB0] =	sst s3  }
0xc: {  	[smem:$0x3FB1] =	sst s4  }
0xd: {  	[smem:$0x3FB2] =	sst s5  }
0xe: {  	[smem:$0x3FB3] =	sst s6  }
0xf: {  	[smem:$0x3FB4] =	sst s7  }
0x10: {  	[smem:$0x3FB5] =	sst s8  }
0x11: {  	[smem:$0x3FB6] =	sst s9;
	s0 =	simm.s32 @!p0 $0x0  }
0x12: {  	s1 =	sld [smem:$0x3F9C];
	s0 =	simm.s32 @p0 $0x1  }
0x13: {  	[smem:$0x3FB7] =	sst s0;
	s0 =	simm.s32 @!p1 $0x0  }
0x14: {  	s2 =	sld [smem:$0x3F9B];
	s0 =	simm.s32 @p1 $0x1  }
0x15: {  	[smem:$0x3FB8] =	sst s0;
	s0 =	simm.s32 @!p2 $0x0  }
0x16: {  	s3 =	sld [smem:$0x3FDB];
	s0 =	simm.s32 @p2 $0x1  }
0x17: {  	s4 =	simm.s32 $0x1BF5;
	[smem:$0x3FBA] =	sst s0  }
0x18: {  	s0 =	sld [smem:$0x3F9D];
	_ =	swait.ge [sflag:s4], $0x0  }
0x19: {  	s7 =	sld [smem:$0x3F9E]  }
0x1a: {  	s8 =	sadd.s32 $0xFFFFE003, lr  }
0x1b: {  	s9 =	sadd.s32 $0xFFFFFEF7, lr;
	s5 =	simm.s32 $0xFFFFFFFF;
	p2 =	slt.u32 s8, $0xFFFFF086  }
0x1c: {  	p1 =	slt.u32 s9, $0xF7A;
	s5 =	simm.s32 @!p2 $0x0  }
0x1d: {  	s5 =	simm.s32 @p1 $0x1;
	p0 =	seq.s32 s7, s2  }
0x1e: {  	s7 =	smul.u32 @!p0 $0xF7A, s2;
	p2 =	seq.s32 @!p0 s5, $0x0  }
0x1f: {  	s9 =	smul.u32 $0xF7A, s1;
	s8 =	simm.s32 @!p0 $0x1BF5;
	p2 =	por !p2, p0  }
0x20: {  	[sflag:s8] =	ssyncset.s32 @!p0 $0xFFFFF086;
	s6 =	sadd.s32 @!p0 s3, s7;
	s7 =	simm.s32 @!p0 $0x108  }
0x21: {  	s3 =	sadd.s32 s3, s9;
	s6 =	sadd.s32 @!p0 $0x88, s6;
	s7 =	simm.s32 @p2 $0x1082  }
0x22: {  	[simem:s7], [sflag:s8] =	dma.local @!p0 [hbm:s6], $0xF7A  }
0x23: {  	s9 =	sor.u32 $0xD0000000, s2;
	s6 =	simm.s32 $0x108;
	_ =	swait.ge @!p0 [sflag:s8], $0x0  }
0x24: {  	s3 =	sadd.s32 $0x88, s3;
	s6 =	simm.s32 @!p1 $0x1082;
	[sflag:s4] =	ssyncset.s32 $0xFFFFF086  }
0x25: {  	[simem:s6], [sflag:s4] =	dma.local [hbm:s3], $0xF7A  }
0x26: {  	[smem:$0x3F9E] =	sst s1;
	(tag) =	ssettag s2;
	_ =	strace s9  }
0x27: {  	s1 =	sld [smem:$0x3FAE]  }
0x28: {  	s2 =	sld [smem:$0x3FAF]  }
0x29: {  	s4 =	sld [smem:$0x3FB1]  }
0x2a: {  	p0 =	seq.s32 s5, $0x0;
	s5 =	sld [smem:$0x3FB2]  }
0x2b: {  	s6 =	sld [smem:$0x3FB3]  }
0x2c: {  	s7 =	sld [smem:$0x3FB4]  }
0x2d: {  	s3 =	simm.s32 $0x108;
	s8 =	sld [smem:$0x3FB5]  }
0x2e: {  	s3 =	simm.s32 @!p0 $0x1082;
	s9 =	sld [smem:$0x3FB6]  }
0x2f: {  	lr =	sadd.s32 s0, s3;
	s0 =	sld [smem:$0x3FAD]  }
0x30: {  	s3 =	sld [smem:$0x3FB0]  }
0x31: {  	[smem:$0x3FB9] =	sst s10  }
0x32: {  	s10 =	sld [smem:$0x3FB7];
	_ =	sdelay $0x3  }
0x33: {  	p0 =	seq.s32 s10, $0x1;
	s10 =	sld [smem:$0x3FB9];
	_ =	sdelay $0x3  }
0x34: {  	[smem:$0x3FB9] =	sst s10  }
0x35: {  	s10 =	sld [smem:$0x3FB8];
	_ =	sdelay $0x3  }
0x36: {  	p1 =	seq.s32 s10, $0x1;
	s10 =	sld [smem:$0x3FB9];
	_ =	sdelay $0x3  }
0x37: {  	[smem:$0x3FB9] =	sst s10  }
0x38: {  	s10 =	sld [smem:$0x3FBA]  }
0x39: {  	_ = 	snop;
	(pc) =	sbr.ind lr, $3  }
0x3a: {  	_ = 	snop  }
0x3b: {  	_ = 	snop  }
0x3c: {  	p2 =	seq.s32 s10, $0x1;
	s10 =	sld [smem:$0x3FB9]  }
0x3d: {  	_ =	shalt  }
0x3e: {  	_ =	shalt  }
0x3f: {  	_ =	shalt  }
0x40: {  	_ =	shalt  }
0x41: {  	_ =	shalt  }
0x42: {  	_ =	shalt  }
0x43: {  	_ =	shalt  }
0x44: {  	_ =	shalt  }
0x45: {  	_ =	shalt  }
0x46: {  	_ =	shalt  }
0x47: {  	_ =	shalt  }
0x48: {  	_ =	shalt  }
0x49: {  	_ =	shalt  }
0x4a: {  	_ =	shalt  }
0x4b: {  	_ =	shalt  }
0x4c: {  	_ =	shalt  }
0x4d: {  	_ =	shalt  }
0x4e: {  	_ =	shalt  }
0x4f: {  	_ =	shalt  }
0x50: {  	_ =	shalt  }
0x51: {  	_ =	shalt  }
0x52: {  	_ =	shalt  }
0x53: {  	_ =	shalt  }
0x54: {  	_ =	shalt  }
0x55: {  	_ =	shalt  }
0x56: {  	_ =	shalt  }
0x57: {  	_ =	shalt  }
0x58: {  	_ =	shalt  }
0x59: {  	_ =	shalt  }
0x5a: {  	_ =	shalt  }
0x5b: {  	_ =	shalt  }
0x5c: {  	_ =	shalt  }
0x5d: {  	_ =	shalt  }
0x5e: {  	_ =	shalt  }
0x5f: {  	_ =	shalt  }
0x60: {  	_ =	shalt  }
0x61: {  	_ =	shalt  }
0x62: {  	_ =	shalt  }
0x63: {  	_ =	shalt  }
0x64: {  	_ =	shalt  }
0x65: {  	_ =	shalt  }
0x66: {  	_ =	shalt  }
0x67: {  	_ =	shalt  }
0x68: {  	_ =	shalt  }
0x69: {  	_ =	shalt  }
0x6a: {  	_ =	shalt  }
0x6b: {  	_ =	shalt  }
0x6c: {  	_ =	shalt  }
0x6d: {  	_ =	shalt  }
0x6e: {  	_ =	shalt  }
0x6f: {  	_ =	shalt  }
0x70: {  	_ =	shalt  }
0x71: {  	_ =	shalt  }
0x72: {  	_ =	shalt  }
0x73: {  	_ =	shalt  }
0x74: {  	_ =	shalt  }
0x75: {  	_ =	shalt  }
0x76: {  	_ =	shalt  }
0x77: {  	_ =	shalt  }
0x78: {  	_ =	shalt  }
0x79: {  	_ =	shalt  }
0x7a: {  	_ =	shalt  }
0x7b: {  	_ =	shalt  }
0x7c: {  	_ =	shalt  }
0x7d: {  	_ =	shalt  }
0x7e: {  	_ =	shalt  }
0x7f: {  	_ =	shalt  }
0x80: {  	_ =	shalt  }
0x81: {  	_ =	shalt  }
0x82: {  	_ =	shalt  }
0x83: {  	_ =	shalt  }
0x84: {  	_ =	shalt  }
0x85: {  	_ =	shalt  }
0x86: {  	_ =	shalt  }
0x87: {  	_ =	shalt  }
.Lfunc_end0:
.L_simem_size_0:
called_computation_lowered:
.L_overlay_start_0:
0x88: {  	s2 =	sld [smem:$0x3FD9]  }
0x89: {  	s3 =	sld [smem:$0x3FFE];
	_ =	sdelay $0x1  }
0x8a: {  	s1 =	srdreg.scid  }
0x8b: {  	s0 =	sand.u32 $0x1, s1  }
0x8c: {  	s17 =	sshll.u32 s0, $0xA;
	s2 =	sadd.s32 s3, s2  }
0x8d: {  	s2 =	sadd.s32 s2, s17  }
0x8e: {  	[smem:$0x3FC5] =	sst s2  }
0x8f: {  	_ = 	snop  }
0x90: {  	s2 =	sld [smem:$0x3FD0];
	(tm) =	ssettm $0x1  }
0x91: {  	s18 =	sld [smem:$0x3FFB];
	_ =	sdelay $0x3  }
0x92: {  	_ =	strace s18  }
0x93: {  	s3 =	sld [smem:$0x3FFC];
	_ =	sdelay $0x3  }
0x94: {  	_ =	strace s3  }
0x95: {  	s3 =	sld [smem:$0x3FFD];
	_ =	sdelay $0x3  }
0x96: {  	_ =	strace s3  }
0x97: {  	_ =	strace $0x8FFFFFFF  }
0x98: {  	s19 =	sld [smem:$0x3FDB];
	_ =	sdelay $0x1  }
0x99: {  	s4 =	simm.s32 $_scs_section_size  }
0x9a: {  	s5 =	simm.s32 $_size__tile_overlayer_lowered;
	s6 =	simm.s32 $_tile_overlayer_lowered  }
0x9b: {  	s22 =	simm.s32 $0x1BFF;
	s21 =	sshll.u32 s6, $0x1;
	s3 =	sadd.s32 s4, s19  }
0x9c: {  	s7 =	simm.s32 $0x0;
	s20 =	sshll.u32 s5, $0x1;
	s5 =	sadd.s32 s21, s3  }
0x9d: {  	[timem:s7], [sflag:s22] =	dma.local [hbm:s5], s20  }
0x9e: {  	_ =	swait.ge [sflag:s22], s20  }
0x9f: {  	s4 =	ssub.s32 $0x0, s20;
	[sflag:s22] =	ssyncset.done $0x0  }
0xa0: {  	[sflag:s22] =	ssyncadd.s32 s4;
	_ =	sdelay $0x1  }
0xa1: {  	s23 =	simm.s32 $0x1B8B  }
0xa2: {  	_ =	swait.ge [sflag:s23], $0x1  }
0xa3: {  	[sflag:s23] =	ssyncset.done $0x0  }
0xa4: {  	s25 =	simm.s32 $0x1B8E;
	s24 =	sld [smem:$0x3FFE];
	[sflag:s23] =	ssyncadd.s32 $0xFFFFFFFF  }
0xa5: {  	s26 =	simm.s32 $execute0_lowered;
	[smem:$0x3FD2] =	sst s25  }
0xa6: {  	s5 =	sshll.u32 s26, $0x1;
	_ =	strace $0x80000046;
	[dreg:$0x1] =	wrdreg $0xFFFFFFFF  }
0xa7: {  	s28 =	simm.s32 $_size_execute0_lowered;
	s3 =	sadd.s32 s3, s5;
	[dreg:$0x0] =	wrdreg $0x0  }
0xa8: {  	s5 =	sshll.u32 s28, $0x1;
	[dreg:$0x2] =	wrdreg s3  }
0xa9: {  	[dreg:$0x3] =	wrdreg s5  }
0xaa: {  	[dreg:$0x4] =	wrdreg $0xC0  }
0xab: {  	_ =	task [dreg:s7], $0x5FFFF  }
0xac: {  	[dreg:$0x1] =	wrdreg $0xFFFFFFFF  }
0xad: {  	[dreg:$0x0] =	wrdreg $0x60  }
0xae: {  	[dreg:$0x2] =	wrdreg s24  }
0xaf: {  	[dreg:$0x3] =	wrdreg s2  }
0xb0: {  	[dreg:$0x4] =	wrdreg $0x9  }
0xb1: {  	_ =	task.clear_ibuf [dreg:s7], $0x5FFFF;
	_ =	strace $0x90000046  }
0xb2: {  	s29 =	simm.s32 $0x9;
	_ =	strace $0x80000048  }
0xb3: {  	_ =	swait.ge [sflag:s29], $0x1  }
0xb4: {  	[sflag:s29] =	ssyncadd.s32 $0xFFFFFFFF  }
0xb5: {  	_ =	strace $0x90000048  }
0xb6: {  	_ =	sfence  }
0xb7: {  	s30 =	sld [smem:$0x0];
	_ =	sdelay $0x2  }
0xb8: {  	s31 =	sshll.u32 s1, $0xD;
	s1 =	sshrl.u32 s1, $0x2  }
0xb9: {  	s3 =	sand.u32 $0x4000, s31;
	s1 =	sadd.s32 s1, s30  }
0xba: {  	s0 =	sor.u32 s3, s0;
	s1 =	sshll.u32 s1, $0x11  }
0xbb: {  	s0 =	sor.u32 s1, s0  }
0xbc: {  	s0 =	sadd.s32 $0x8F2B, s0  }
0xbd: {  	[sflag:s0] =	ssyncadd.remote.s32 $0x1  }
0xbe: {  	_ =	sfence.sel $0xFFFF  }
0xbf: {  	[dreg:$0x0] =	wrdreg $0xFFFFFFFF;
	(pc) =	sbr.abs _section_cstart, $3  }
0xc0: {  	[dreg:$0x1] =	wrdreg $0xFFFFFFFF  }
0xc1: {  	_ =	task.clear_ibuf [dreg:s7], $0x2FFFF;
	_ =	strace $0x9FFFFFFF  }
0xc2: {  	(tm) =	ssettm $0x7FFFFFFF  }
0xc3: {  	_ =	shalt  }
tec
execute0_lowered:
.L_overlay_start_1:
0x0: {  	(tag) =	ssettag $0x1  }
0x1: {  	s0 =	rddreg [dreg:$0x0]  }
0x2: {  	s1 =	rddreg [dreg:$0x1];
	s2 =	simm.s32 $0x0;
	s3 =	srdreg.scid  }
0x3: {  	s7 =	stileid.u32;
	[smem:$0x7FF] =	sst s2;
	s4 =	sand.u32 $0x1, s3  }
0x4: {  	s5 =	sadd.s32 $0xF42C00, s0;
	s7 =	sshll.u32 s7, $0x1;
	s3 =	sadd.s32 $0x800, s0  }
0x5: {  	_ =	strace $0x80000047;
	s6 =	ssub.s32 $0x2, s4;
	s4 =	sor.u32 s4, s7  }
0x6: {  	v0 =	vimm.s32 $0xECA86420;
	vm0 =	vcmask $0xB08;
	vm1 =	vcmask $0x1310;
	s29 =	sshrl.u32 s6, $0x1;
	s30 =	sand.u32 $0x7, s4;
	s8 =	sshll.u32 s4, $0x7  }
0x7: {  	vm2 =	vcmask $0x1B18;
	vm3 =	vcmask $0x300;
	vm4 =	vcmask $0x2320;
	s7 =	sshll.u32 s4, $0xA;
	s4 =	sshll.u32 s4, $0xE;
	s8 =	sadd.s32 s5, s8  }
0x8: {  	vm5 =	vcmask $0x2B28;
	vm6 =	vcmask $0x3330;
	vm7 =	vcmask $0x3B38;
	s0 =	ssub.s32 s6, s29;
	s1 =	sadd.s32 s1, s4;
	[dreg:$0x3] =	wrdreg s8  }
0x9: {  	v1 =	vlaneseq.u32;
	vm8 =	vmmov $0xff;
	vm10 =	vcmask $0x704;
	s7 =	sadd.s32 $0xFFFFFFF0, s7;
	[dreg:$0x4] =	wrdreg s1;
	s1 =	sadd.s32 $0x2000, s1  }
0xa: {  	vm11 =	vcmask $0xF0C;
	vm12 =	vcmask $0x1714;
	v0 =	vunpack.c.l.s4.s8 v0;
	s7 =	sshrl.u32 s7, $0x3;
	s0 =	smax.u32 s0, $0x1;
	[dreg:$0x6] =	wrdreg s1  }
0xb: {  	s22 =	simm.s32 $0x2;
	vm13 =	vcmask $0x1F1C;
	vm14 =	vcmask $0x2724;
	vm15 =	vcmask $0x2F2C;
	s31 =	sadd.s32 s5, s7;
	[dreg:$0x7] =	wrdreg s0  }
0xc: {  	vm9 =	vcmask $0x3734;
	v1 =	vmul.u32 $0x2, v1;
	v0 =	vunpack.c.0.s8.s32 v0;
	p0 =	seq.s32 s30, $0x0;
	s1 =	simm.s32 $0x0;
	[dreg:$0x5] =	wrdreg s31  }
.LBB2_1:
0xd: {  	[dreg:$0x8] =	wrdreg s1  }
0xe: {  	s0 =	rddreg [dreg:$0x3];
	s31 =	simm.s32 $0x10  }
0xf: {  	[tilespmem:s31], [sflag:$0x2] =	stream.linear.gather [hbm4b:s0+s2], $0x400, $0x38;
	[tilespmem:$0x10880] =	vst v63  }
0x10: {  	_ =	swait.ge [sflag:s22], $0x400  }
0x11: {  	[sflag:s22] =	ssyncset.done $0x0  }
0x12: {  	v2 =	vimm.s32 @p0 $0x0;
	[sflag:s22] =	ssyncadd.s32 $0xFFFFFC00  }
0x13: {  	s0 =	simm.s32 @!p0 $0x0;
	s1 =	rddreg [dreg:$0x5];
	[tilespmem:$0x0] =	vst @p0 v2  }
0x14: {  	[tilespmem:s0], [sflag:$0x2] =	stream.linear.gather @!p0 [hbm4b:s1+s0], $0x10, $0x38;
	[tilespmem:$0x10880] =	vst v63  }
0x15: {  	s0 =	simm.s32 @!p0 $0x2  }
0x16: {  	_ =	swait.ge @!p0 [sflag:s0], $0x10  }
0x17: {  	s4 =	simm.s32 $0x20;
	[sflag:s0] =	ssyncset.done @!p0 $0x0  }
0x18: {  	s5 =	simm.s32 $0x4A0;
	[sflag:s0] =	ssyncadd.s32 @!p0 $0xFFFFFFF0;
	s0 =	simm.s32 $0xFFFFFFC0  }
.LBB2_2:
0x19: {  	v2 =	vld [tilespmem:s4+$0xFFFFFFF0];
	_ =	sdelay $0x4  }
0x1a: {  	v3 =	vmul.u32 $0x1B3, v2;
	_ =	sdelay $0x1  }
0x1b: {  	(v2sf) =	vpush v3, $0xD;
	_ =	sdelay $0x1  }
0x1c: {  	(v2sf) =	vpush v3, $0xC;
	_ =	sdelay $0x1  }
0x1d: {  	(v2sf) =	vpush v3, $0xE;
	_ =	sdelay $0x1  }
0x1e: {  	(v2sf) =	vpush v3, $0xF;
	_ =	sdelay $0x1  }
0x1f: {  	(v2sf) =	vpush v3, $0x9;
	_ =	sdelay $0x1  }
0x20: {  	(v2sf) =	vpush v3, $0x8;
	_ =	sdelay $0x1  }
0x21: {  	(v2sf) =	vpush v3, $0xA;
	_ =	sdelay $0x2  }
0x22: {  	(v2sf) =	vpush v3, $0xB;
	s19 =	spop (v2sf)  }
0x23: {  	[dreg:$0x9] =	wrdreg s0;
	(v2sf) =	vpush v3, $0x0;
	s1 =	smulhi.u32 $0x10624DD3, s19;
	s0 =	sshra.s32 s19, $0x1F  }
0x24: {  	(v2sf) =	vpush v3, $0x1;
	s20 =	spop (v2sf);
	s0 =	smul.u32 $0x10624DD3, s0  }
0x25: {  	[dreg:$0xa] =	wrdreg s4;
	(v2sf) =	vpush v3, $0x2;
	s21 =	smulhi.u32 $0x10624DD3, s20;
	s4 =	sshra.s32 s20, $0x1F  }
0x26: {  	(v2sf) =	vpush v3, $0x3;
	s6 =	spop (v2sf);
	s4 =	smul.u32 $0x10624DD3, s4  }
0x27: {  	(v2sf) =	vpush v3, $0x4;
	s7 =	smulhi.u32 $0x10624DD3, s6;
	s6 =	sshra.s32 s6, $0x1F  }
0x28: {  	(v2sf) =	vpush v3, $0x5;
	s8 =	spop (v2sf);
	s6 =	smul.u32 $0x10624DD3, s6  }
0x29: {  	[dreg:$0xb] =	wrdreg s5;
	(v2sf) =	vpush v3, $0x6;
	s9 =	smulhi.u32 $0x10624DD3, s8;
	s22 =	sshra.s32 s8, $0x1F  }
0x2a: {  	(v2sf) =	vpush v3, $0x7;
	s0 =	sadd.s32 s0, s1;
	s23 =	spop (v2sf);
	s8 =	smul.u32 $0x10624DD3, s22  }
0x2b: {  	s11 =	sshrl.u32 s0, $0x1F;
	s5 =	sadd.s32 s4, s21;
	s10 =	smulhi.u32 $0x10624DD3, s23  }
0x2c: {  	s1 =	sshra.s32 s23, $0x1F;
	s24 =	spop (v2sf);
	s0 =	sshra.s32 s0, $0x6  }
0x2d: {  	s15 =	sshrl.u32 s5, $0x1F;
	s12 =	smul.u32 $0x10624DD3, s1;
	s1 =	sadd.s32 s6, s7  }
0x2e: {  	s25 =	smulhi.u32 $0x10624DD3, s24;
	s4 =	sshra.s32 s24, $0x1F;
	s26 =	spop (v2sf)  }
0x2f: {  	s5 =	sshra.s32 s5, $0x6;
	s13 =	sshrl.u32 s1, $0x1F;
	s16 =	smul.u32 $0x10624DD3, s4  }
0x30: {  	s4 =	sadd.s32 s8, s9;
	s8 =	smulhi.u32 $0x10624DD3, s26;
	s6 =	sshra.s32 s26, $0x1F  }
0x31: {  	s28 =	spop (v2sf);
	s14 =	sshrl.u32 s4, $0x1F;
	s17 =	smul.u32 $0x10624DD3, s6  }
0x32: {  	s18 =	smulhi.u32 $0x10624DD3, s28;
	s9 =	sshra.s32 s28, $0x1F;
	s29 =	spop (v2sf)  }
0x33: {  	s6 =	sadd.s32 s12, s10;
	s19 =	smul.u32 $0x10624DD3, s9;
	s21 =	spop (v2sf)  }
0x34: {  	s20 =	smulhi.u32 $0x10624DD3, s29;
	s30 =	sshra.s32 s29, $0x1F;
	s31 =	spop (v2sf)  }
0x35: {  	s22 =	smulhi.u32 $0x10624DD3, s21;
	s28 =	sshra.s32 s21, $0x1F;
	s21 =	spop (v2sf)  }
0x36: {  	s9 =	sadd.s32 s16, s25;
	s16 =	smul.u32 $0x10624DD3, s30;
	s25 =	spop (v2sf)  }
0x37: {  	s10 =	sadd.s32 s17, s8;
	s24 =	smul.u32 $0x10624DD3, s28;
	s28 =	spop (v2sf)  }
0x38: {  	s26 =	smulhi.u32 $0x10624DD3, s31;
	s7 =	sshra.s32 s31, $0x1F;
	s17 =	spop (v2sf)  }
0x39: {  	s12 =	sshrl.u32 s6, $0x1F;
	s29 =	smul.u32 $0x10624DD3, s7;
	s30 =	spop (v2sf)  }
0x3a: {  	s7 =	sadd.s32 s19, s18;
	s31 =	smulhi.u32 $0x10624DD3, s30;
	s19 =	sshra.s32 s30, $0x1F  }
0x3b: {  	s23 =	sshrl.u32 s9, $0x1F;
	s9 =	sshra.s32 s9, $0x6;
	s19 =	smul.u32 $0x10624DD3, s19  }
0x3c: {  	s18 =	smulhi.u32 $0x10624DD3, s21;
	s16 =	sadd.s32 s16, s20;
	s21 =	sshra.s32 s21, $0x1F  }
0x3d: {  	s22 =	sadd.s32 s24, s22;
	s21 =	smul.u32 $0x10624DD3, s21;
	s8 =	sadd.s32 s19, s31  }
0x3e: {  	v5 =	vmov s15;
	s24 =	sshrl.u32 s10, $0x1F;
	s20 =	smulhi.u32 $0x10624DD3, s25;
	s30 =	sshra.s32 s8, $0x1F  }
0x3f: {  	v5 =	vsel vm0, s11, v5;
	s26 =	sadd.s32 s29, s26;
	s11 =	smulhi.u32 $0x10624DD3, s28;
	v4 =	vmov s30;
	s30 =	sshra.s32 s16, $0x6  }
0x40: {  	s19 =	sshrl.u32 s16, $0x1F;
	s31 =	sshra.s32 s25, $0x1F;
	s16 =	sshra.s32 s16, $0x1F;
	v4 =	vsel vm3, s30, v4  }
0x41: {  	v5 =	vsel vm1, s13, v5;
	s29 =	sshrl.u32 s7, $0x1F;
	s15 =	smul.u32 $0x10624DD3, s31;
	s31 =	sshra.s32 s22, $0x6;
	v4 =	vsel vm10, s16, v4  }
0x42: {  	v50 =	vmov s5;
	v5 =	vsel vm2, s14, v5;
	s18 =	sadd.s32 s21, s18;
	s30 =	sshra.s32 s28, $0x1F;
	s28 =	sshra.s32 s22, $0x1F;
	v4 =	vsel vm0, s31, v4  }
0x43: {  	v7 =	vmov s23;
	s21 =	sshrl.u32 s26, $0x1F;
	s13 =	sshrl.u32 s18, $0x1F;
	v6 =	vmov s19;
	s31 =	sshra.s32 s26, $0x6;
	v4 =	vsel vm11, s28, v4  }
0x44: {  	v8 =	vmov s9;
	s25 =	sshrl.u32 s22, $0x1F;
	v6 =	vnsel vm3, $0x0, v6;
	s22 =	sshra.s32 s26, $0x1F;
	s19 =	smul.u32 $0x10624DD3, s30;
	v4 =	vsel vm1, s31, v4  }
0x45: {  	v7 =	vsel vm0, s12, v7;
	v6 =	vsel vm0, s25, v6;
	s25 =	sshra.s32 s18, $0x6;
	s30 =	smulhi.u32 $0x10624DD3, s17;
	s17 =	sshra.s32 s17, $0x1F;
	v4 =	vsel vm12, s22, v4  }
0x46: {  	v7 =	vsel vm1, s24, v7;
	s15 =	sadd.s32 s15, s20;
	v6 =	vsel vm1, s21, v6;
	s17 =	smul.u32 $0x10624DD3, s17;
	s28 =	sshra.s32 s18, $0x1F;
	v4 =	vsel vm2, s25, v4  }
0x47: {  	v7 =	vsel vm2, s29, v7;
	s23 =	sshrl.u32 s15, $0x1F;
	v6 =	vsel vm2, s13, v6;
	s11 =	sadd.s32 s19, s11;
	s31 =	sshra.s32 s15, $0x6;
	v4 =	vsel vm13, s28, v4  }
0x48: {  	v5 =	vcombine.low v7, v5;
	s13 =	sshra.s32 s15, $0x1F;
	v6 =	vsel vm4, s23, v6;
	s26 =	sshrl.u32 s11, $0x1F;
	s14 =	sadd.s32 s17, s30;
	v4 =	vsel vm4, s31, v4  }
0x49: {  	v7 =	vsel vm0, s0, v50;
	s15 =	sshra.s32 s6, $0x6;
	s16 =	sshra.s32 s11, $0x6;
	s17 =	sshra.s32 s1, $0x6;
	v6 =	vsel vm5, s26, v6;
	v4 =	vsel vm14, s13, v4  }
0x4a: {  	s18 =	sshra.s32 s10, $0x6;
	s19 =	sshra.s32 s11, $0x1F;
	s30 =	sshrl.u32 s14, $0x1F;
	v8 =	vsel vm0, s15, v8;
	v7 =	vsel vm1, s17, v7;
	v4 =	vsel vm5, s16, v4  }
0x4b: {  	s20 =	sshra.s32 s4, $0x6;
	s21 =	sshra.s32 s7, $0x6;
	s22 =	sshra.s32 s14, $0x6;
	v6 =	vsel vm6, s30, v6;
	v8 =	vsel vm1, s18, v8;
	v4 =	vsel vm15, s19, v4  }
0x4c: {  	s23 =	sshrl.u32 s8, $0x1F;
	s24 =	sshra.s32 s14, $0x1F;
	v7 =	vsel vm2, s20, v7;
	v8 =	vsel vm2, s21, v8;
	v4 =	vsel vm6, s22, v4  }
0x4d: {  	s25 =	sshra.s32 s8, $0x6;
	v6 =	vsel vm7, s23, v6;
	v7 =	vcombine.low v8, v7;
	v4 =	vsel vm9, s24, v4  }
0x4e: {  	v5 =	vperm.xlane v5, v0;
	v6 =	vperm.xlane v6, v1;
	v4 =	vsel vm7, s25, v4  }
0x4f: {  	v7 =	vperm.xlane v7, v0;
	v4 =	vperm.xlane v4, v1;
	_ =	sdelay $0x1  }
0x50: {  	s26 =	rddreg [dreg:$0xa];
	v5 =	vsel vm8, v6, v5;
	v4 =	vsel vm8, v4, v7  }
0x51: {  	v51 =	vld [tilespmem:s26+$0xFFFFFFEF];
	v4 =	vadd.s32 v5, v4  }
0x52: {  	v4 =	vmul.u32 $0x3E8, v4;
	_ =	sdelay $0x1  }
0x53: {  	v3 =	vsub.s32 v3, v4  }
0x54: {  	vm9 =	vlt.s32 v3, $0x0;
	v4 =	vadd.s32 $0x3E8, v3  }
0x55: {  	v2 =	vmul.u32 $0x2F9, v2;
	v52 =	vmul.u32 $0x9E37, v51;
	v3 =	vsel vm9, v4, v3  }
0x56: {  	v3 =	vmul.u32 $0x3E8, v3  }
0x57: {  	v2 =	vadd.s32 v2, v52  }
0x58: {  	v2 =	vadd.s32 v3, v2  }
0x59: {  	(v2sf) =	vpush v2, $0xD  }
0x5a: {  	(v2sf) =	vpush v2, $0xC  }
0x5b: {  	(v2sf) =	vpush v2, $0xE  }
0x5c: {  	(v2sf) =	vpush v2, $0xF  }
0x5d: {  	(v2sf) =	vpush v2, $0x9  }
0x5e: {  	(v2sf) =	vpush v2, $0x8  }
0x5f: {  	(v2sf) =	vpush v2, $0xA  }
0x60: {  	(v2sf) =	vpush v2, $0xB  }
0x61: {  	(v2sf) =	vpush v2, $0x0  }
0x62: {  	s28 =	rddreg [dreg:$0xa];
	(v2sf) =	vpush v2, $0x1  }
0x63: {  	v3 =	vld [tilespmem:s28+$0x0];
	(v2sf) =	vpush v2, $0x2  }
0x64: {  	(v2sf) =	vpush v2, $0x3  }
0x65: {  	(v2sf) =	vpush v2, $0x4  }
0x66: {  	(v2sf) =	vpush v2, $0x5;
	_ =	sdelay $0x1  }
0x67: {  	v53 =	vmul.u32 $0x1B3, v3;
	(v2sf) =	vpush v2, $0x6;
	s13 =	spop (v2sf)  }
0x68: {  	(v2sf) =	vpush v2, $0x7;
	s17 =	spop (v2sf)  }
0x69: {  	(v2sf) =	vpush v53, $0xD;
	s26 =	spop (v2sf)  }
0x6a: {  	s30 =	spop (v2sf)  }
0x6b: {  	(v2sf) =	vpush v53, $0xC;
	s29 =	spop (v2sf)  }
0x6c: {  	[smem:$0x779] =	sst s29;
	s31 =	spop (v2sf)  }
0x6d: {  	(v2sf) =	vpush v53, $0xE;
	[smem:$0x77A] =	sst s31;
	s1 =	spop (v2sf)  }
0x6e: {  	[smem:$0x77B] =	sst s1;
	s4 =	spop (v2sf)  }
0x6f: {  	(v2sf) =	vpush v53, $0xF;
	[dreg:$0x1c] =	wrdreg s4;
	s5 =	spop (v2sf)  }
0x70: {  	[dreg:$0x1b] =	wrdreg s5;
	s6 =	spop (v2sf)  }
0x71: {  	(v2sf) =	vpush v53, $0x9;
	[dreg:$0x1a] =	wrdreg s6;
	s7 =	spop (v2sf)  }
0x72: {  	[dreg:$0x19] =	wrdreg s7;
	s8 =	spop (v2sf)  }
0x73: {  	(v2sf) =	vpush v53, $0x8;
	[dreg:$0x18] =	wrdreg s8;
	s9 =	spop (v2sf)  }
0x74: {  	[dreg:$0x17] =	wrdreg s9;
	s10 =	spop (v2sf)  }
0x75: {  	(v2sf) =	vpush v53, $0xA;
	[dreg:$0x16] =	wrdreg s10  }
0x76: {  	s0 =	spop (v2sf)  }
0x77: {  	s11 =	spop (v2sf);
	(v2sf) =	vpush v53, $0xB  }
0x78: {  	[dreg:$0x15] =	wrdreg s0;
	s12 =	spop (v2sf)  }
0x79: {  	[dreg:$0x14] =	wrdreg s11;
	(v2sf) =	vpush v53, $0x0;
	s14 =	smulhi.u32 $0x10624DD3, s12;
	s0 =	sshra.s32 s12, $0x1F  }
0x7a: {  	s23 =	spop (v2sf);
	s11 =	smul.u32 $0x10624DD3, s0  }
0x7b: {  	(v2sf) =	vpush v53, $0x1;
	s7 =	smulhi.u32 $0x10624DD3, s23;
	s6 =	sshra.s32 s23, $0x1F  }
0x7c: {  	s24 =	spop (v2sf);
	s4 =	smul.u32 $0x10624DD3, s6  }
0x7d: {  	(v2sf) =	vpush v53, $0x2;
	s9 =	smulhi.u32 $0x10624DD3, s24;
	s8 =	sshra.s32 s24, $0x1F  }
0x7e: {  	s25 =	spop (v2sf);
	s12 =	smul.u32 $0x10624DD3, s8  }
0x7f: {  	(v2sf) =	vpush v53, $0x3;
	s15 =	smulhi.u32 $0x10624DD3, s25;
	s8 =	sshra.s32 s25, $0x1F  }
0x80: {  	s28 =	spop (v2sf);
	s16 =	smul.u32 $0x10624DD3, s8  }
0x81: {  	(v2sf) =	vpush v53, $0x4;
	s18 =	smulhi.u32 $0x10624DD3, s28;
	s8 =	sshra.s32 s28, $0x1F  }
0x82: {  	s29 =	spop (v2sf);
	s19 =	smul.u32 $0x10624DD3, s8  }
0x83: {  	(v2sf) =	vpush v53, $0x5;
	s20 =	smulhi.u32 $0x10624DD3, s29;
	s8 =	sshra.s32 s29, $0x1F  }
0x84: {  	(v2sf) =	vpush v53, $0x6;
	s21 =	smul.u32 $0x10624DD3, s8;
	s31 =	spop (v2sf)  }
0x85: {  	(v2sf) =	vpush v53, $0x7;
	s22 =	smulhi.u32 $0x10624DD3, s31;
	s8 =	sshra.s32 s31, $0x1F  }
0x86: {  	s23 =	smul.u32 $0x10624DD3, s8;
	s0 =	spop (v2sf)  }
0x87: {  	s24 =	smulhi.u32 $0x10624DD3, s0;
	s8 =	sshra.s32 s0, $0x1F  }
0x88: {  	s5 =	spop (v2sf);
	s25 =	smul.u32 $0x10624DD3, s8  }
0x89: {  	s28 =	smulhi.u32 $0x10624DD3, s5;
	s8 =	sshra.s32 s5, $0x1F  }
0x8a: {  	s6 =	spop (v2sf);
	s29 =	smul.u32 $0x10624DD3, s8  }
0x8b: {  	s31 =	smulhi.u32 $0x10624DD3, s6;
	s8 =	sshra.s32 s6, $0x1F  }
0x8c: {  	s10 =	spop (v2sf);
	s6 =	smul.u32 $0x10624DD3, s8  }
0x8d: {  	s5 =	smulhi.u32 $0x10624DD3, s10;
	s8 =	sshra.s32 s10, $0x1F  }
0x8e: {  	s10 =	sadd.s32 s11, s14;
	s11 =	spop (v2sf);
	s8 =	smul.u32 $0x10624DD3, s8  }
0x8f: {  	s14 =	sadd.s32 s4, s7;
	s7 =	smulhi.u32 $0x10624DD3, s11;
	s0 =	sshra.s32 s11, $0x1F  }
0x90: {  	s12 =	sadd.s32 s12, s9;
	s4 =	smul.u32 $0x10624DD3, s0;
	s0 =	spop (v2sf)  }
0x91: {  	s11 =	sadd.s32 s16, s15;
	s15 =	smulhi.u32 $0x10624DD3, s0;
	s9 =	sshra.s32 s0, $0x1F  }
0x92: {  	s16 =	sadd.s32 s19, s18;
	s1 =	spop (v2sf);
	s18 =	smul.u32 $0x10624DD3, s9  }
0x93: {  	s19 =	smulhi.u32 $0x10624DD3, s1;
	s0 =	sshra.s32 s1, $0x1F;
	s1 =	spop (v2sf)  }
0x94: {  	s9 =	sadd.s32 s21, s20;
	s0 =	smul.u32 $0x10624DD3, s0;
	s20 =	spop (v2sf)  }
0x95: {  	s21 =	sadd.s32 s23, s22;
	s22 =	smulhi.u32 $0x10624DD3, s20;
	s23 =	sshra.s32 s20, $0x1F  }
0x96: {  	s6 =	sadd.s32 s6, s31;
	s5 =	sadd.s32 s8, s5;
	s23 =	smul.u32 $0x10624DD3, s23  }
0x97: {  	s4 =	sadd.s32 s4, s7;
	s8 =	sshrl.u32 s5, $0x1F;
	s20 =	sadd.s32 s25, s24  }
0x98: {  	s7 =	sadd.s32 s18, s15;
	s18 =	sadd.s32 s0, s19;
	s0 =	sadd.s32 s23, s22  }
0x99: {  	s24 =	sadd.s32 s29, s28;
	s25 =	smulhi.u32 $0x10624DD3, s1;
	s28 =	sshra.s32 s0, $0x1F  }
0x9a: {  	s1 =	sshra.s32 s1, $0x1F;
	s31 =	sshra.s32 s24, $0x6;
	s22 =	sshrl.u32 s24, $0x1F;
	v54 =	vmov s28  }
0x9b: {  	vm9 =	vcmask $0x3734;
	s29 =	sshrl.u32 s14, $0x1F;
	s14 =	sshra.s32 s14, $0x6;
	s23 =	sshra.s32 s24, $0x1F;
	v56 =	vmov s22;
	v5 =	vsel vm3, s31, v54  }
0x9c: {  	s1 =	smul.u32 $0x10624DD3, s1;
	v55 =	vmov s29;
	s29 =	sshrl.u32 s6, $0x1F;
	s28 =	sshra.s32 s6, $0x6;
	v7 =	vnsel vm3, $0x0, v56;
	v5 =	vsel vm10, s23, v5  }
0x9d: {  	s15 =	sshra.s32 s5, $0x6;
	v9 =	vmov s14;
	s24 =	sshrl.u32 s10, $0x1F;
	s6 =	sshra.s32 s6, $0x1F;
	v7 =	vsel vm0, s29, v7;
	v5 =	vsel vm0, s28, v5  }
0x9e: {  	s19 =	sadd.s32 s1, s25;
	s25 =	sshrl.u32 s12, $0x1F;
	v6 =	vsel vm0, s24, v55;
	s24 =	sshrl.u32 s4, $0x1F;
	v7 =	vsel vm1, s8, v7;
	v5 =	vsel vm11, s6, v5  }
0x9f: {  	s22 =	sshra.s32 s5, $0x1F;
	v6 =	vsel vm1, s25, v6;
	s31 =	sshrl.u32 s11, $0x1F;
	v7 =	vsel vm2, s24, v7;
	s28 =	sshrl.u32 s7, $0x1F;
	v5 =	vsel vm1, s15, v5  }
0xa0: {  	s29 =	sshra.s32 s4, $0x6;
	v6 =	vsel vm2, s31, v6;
	s8 =	sshrl.u32 s18, $0x1F;
	s6 =	sshrl.u32 s9, $0x1F;
	v7 =	vsel vm4, s28, v7;
	v5 =	vsel vm12, s22, v5  }
0xa1: {  	s23 =	sshrl.u32 s16, $0x1F;
	s31 =	sshra.s32 s4, $0x1F;
	v57 =	vmov s6;
	v7 =	vsel vm5, s8, v7;
	s15 =	sshrl.u32 s19, $0x1F;
	v5 =	vsel vm2, s29, v5  }
0xa2: {  	s25 =	sshrl.u32 s21, $0x1F;
	v8 =	vsel vm0, s23, v57;
	s22 =	sshra.s32 s7, $0x6;
	v7 =	vsel vm6, s15, v7;
	s23 =	sshra.s32 s9, $0x6;
	v5 =	vsel vm13, s31, v5  }
0xa3: {  	s24 =	sshra.s32 s7, $0x1F;
	s6 =	sshrl.u32 s20, $0x1F;
	v8 =	vsel vm1, s25, v8;
	v10 =	vmov s23;
	s25 =	sshra.s32 s10, $0x6;
	v5 =	vsel vm4, s22, v5  }
0xa4: {  	s28 =	sshra.s32 s16, $0x6;
	s29 =	sshra.s32 s18, $0x6;
	v8 =	vsel vm2, s6, v8;
	v58 =	vsel vm0, s25, v9;
	v5 =	vsel vm14, s24, v5  }
0xa5: {  	s7 =	sshra.s32 s18, $0x1F;
	s31 =	sshra.s32 s12, $0x6;
	v59 =	vsel vm0, s28, v10;
	s6 =	sshra.s32 s21, $0x6;
	v6 =	vcombine.low v8, v6;
	v5 =	vsel vm5, s29, v5  }
0xa6: {  	s8 =	sshra.s32 s11, $0x6;
	s9 =	sshra.s32 s20, $0x6;
	s10 =	sshra.s32 s19, $0x6;
	v8 =	vsel vm1, s31, v58;
	v9 =	vsel vm1, s6, v59;
	v5 =	vsel vm15, s7, v5  }
0xa7: {  	s11 =	sshrl.u32 s0, $0x1F;
	s12 =	sshra.s32 s19, $0x1F;
	v8 =	vsel vm2, s8, v8;
	v9 =	vsel vm2, s9, v9;
	v5 =	vsel vm6, s10, v5  }
0xa8: {  	s0 =	sshra.s32 s0, $0x6;
	v7 =	vsel vm7, s11, v7;
	v8 =	vcombine.low v9, v8;
	v5 =	vsel vm9, s12, v5  }
0xa9: {  	v7 =	vperm.xlane v7, v1;
	v6 =	vperm.xlane v6, v0;
	v5 =	vsel vm7, s0, v5  }
0xaa: {  	v8 =	vperm.xlane v8, v0;
	v5 =	vperm.xlane v5, v1;
	_ =	sdelay $0x1  }
0xab: {  	s14 =	rddreg [dreg:$0xa];
	v6 =	vsel vm8, v7, v6;
	v5 =	vsel vm8, v5, v8  }
0xac: {  	v60 =	vld [tilespmem:s14+$0xFFFFFFFF];
	v5 =	vadd.s32 v6, v5  }
0xad: {  	v5 =	vmul.u32 $0x3E8, v5;
	_ =	sdelay $0x1  }
0xae: {  	v4 =	vsub.s32 v53, v5  }
0xaf: {  	vm9 =	vlt.s32 v4, $0x0;
	v5 =	vadd.s32 $0x3E8, v4  }
0xb0: {  	v3 =	vmul.u32 $0x2F9, v3;
	v61 =	vmul.u32 $0x9E37, v60;
	v4 =	vsel vm9, v5, v4  }
0xb1: {  	v4 =	vmul.u32 $0x3E8, v4  }
0xb2: {  	v3 =	vadd.s32 v3, v61  }
0xb3: {  	v3 =	vadd.s32 v4, v3  }
0xb4: {  	(v2sf) =	vpush v3, $0xD  }
0xb5: {  	(v2sf) =	vpush v3, $0xC  }
0xb6: {  	(v2sf) =	vpush v3, $0xE  }
0xb7: {  	(v2sf) =	vpush v3, $0xF  }
0xb8: {  	(v2sf) =	vpush v3, $0x9  }
0xb9: {  	(v2sf) =	vpush v3, $0x8  }
0xba: {  	(v2sf) =	vpush v3, $0xA  }
0xbb: {  	(v2sf) =	vpush v3, $0xB  }
0xbc: {  	s15 =	rddreg [dreg:$0xa];
	(v2sf) =	vpush v3, $0x0  }
0xbd: {  	v62 =	vld [tilespmem:s15+$0x10];
	(v2sf) =	vpush v3, $0x1  }
0xbe: {  	(v2sf) =	vpush v3, $0x2  }
0xbf: {  	(v2sf) =	vpush v3, $0x3  }
0xc0: {  	(v2sf) =	vpush v3, $0x4  }
0xc1: {  	(v2sf) =	vpush v3, $0x5  }
0xc2: {  	v63 =	vmul.u32 $0x1B3, v62;
	(v2sf) =	vpush v3, $0x6  }
0xc3: {  	s5 =	smulhi.u32 $0x431BDE83, s17;
	s29 =	spop (v2sf);
	(v2sf) =	vpush v3, $0x7  }
0xc4: {  	s18 =	smulhi.u32 $0x431BDE83, s13;
	s19 =	sshra.s32 s13, $0x1F;
	s28 =	spop (v2sf);
	(v2sf) =	vpush v63, $0xD  }
0xc5: {  	s0 =	smul.u32 $0x431BDE83, s19;
	s25 =	spop (v2sf)  }
0xc6: {  	s13 =	smulhi.u32 $0x431BDE83, s30;
	(v2sf) =	vpush v63, $0xC;
	s20 =	spop (v2sf)  }
0xc7: {  	s6 =	sshra.s32 s17, $0x1F;
	[dreg:$0xd] =	wrdreg s0;
	s21 =	spop (v2sf)  }
0xc8: {  	s0 =	smul.u32 $0x431BDE83, s6;
	(v2sf) =	vpush v63, $0xE;
	s24 =	spop (v2sf)  }
0xc9: {  	[dreg:$0xc] =	wrdreg s18;
	s22 =	spop (v2sf)  }
0xca: {  	s10 =	sshra.s32 s26, $0x1F;
	[dreg:$0xf] =	wrdreg s0;
	(v2sf) =	vpush v63, $0xF;
	s23 =	spop (v2sf)  }
0xcb: {  	s0 =	smul.u32 $0x431BDE83, s10;
	s16 =	spop (v2sf)  }
0xcc: {  	s9 =	smulhi.u32 $0x431BDE83, s26;
	(v2sf) =	vpush v63, $0x9;
	s31 =	spop (v2sf)  }
0xcd: {  	s14 =	sshra.s32 s30, $0x1F;
	[dreg:$0x12] =	wrdreg s0;
	s4 =	spop (v2sf)  }
0xce: {  	s0 =	smul.u32 $0x431BDE83, s14;
	(v2sf) =	vpush v63, $0x8;
	s7 =	spop (v2sf)  }
0xcf: {  	[dreg:$0x11] =	wrdreg s13;
	s8 =	spop (v2sf)  }
0xd0: {  	[dreg:$0x13] =	wrdreg s0;
	(v2sf) =	vpush v63, $0xA;
	s11 =	spop (v2sf)  }
0xd1: {  	[smem:$0x77C] =	sst s16;
	s12 =	spop (v2sf)  }
0xd2: {  	[smem:$0x77D] =	sst s31;
	(v2sf) =	vpush v63, $0xB;
	s15 =	spop (v2sf)  }
0xd3: {  	[smem:$0x77E] =	sst s4;
	s16 =	spop (v2sf)  }
0xd4: {  	[smem:$0x77F] =	sst s7;
	(v2sf) =	vpush v63, $0x0;
	s19 =	smulhi.u32 $0x10624DD3, s16;
	s0 =	sshra.s32 s16, $0x1F  }
0xd5: {  	s17 =	spop (v2sf);
	s16 =	smul.u32 $0x10624DD3, s0  }
0xd6: {  	[smem:$0x782] =	sst s12;
	(v2sf) =	vpush v63, $0x1;
	s18 =	smulhi.u32 $0x10624DD3, s17;
	s4 =	sshra.s32 s17, $0x1F  }
0xd7: {  	s26 =	spop (v2sf);
	s14 =	smul.u32 $0x10624DD3, s4  }
0xd8: {  	[smem:$0x783] =	sst s15;
	(v2sf) =	vpush v63, $0x2;
	s15 =	smulhi.u32 $0x10624DD3, s26;
	s6 =	sshra.s32 s26, $0x1F  }
0xd9: {  	s30 =	spop (v2sf);
	s12 =	smul.u32 $0x10624DD3, s6  }
0xda: {  	[smem:$0x781] =	sst s11;
	(v2sf) =	vpush v63, $0x3;
	s13 =	smulhi.u32 $0x10624DD3, s30;
	s7 =	sshra.s32 s30, $0x1F  }
0xdb: {  	s31 =	spop (v2sf);
	s11 =	smul.u32 $0x10624DD3, s7  }
0xdc: {  	(v2sf) =	vpush v63, $0x4;
	s17 =	smulhi.u32 $0x10624DD3, s31;
	s7 =	sshra.s32 s31, $0x1F  }
0xdd: {  	s0 =	spop (v2sf);
	s26 =	smul.u32 $0x10624DD3, s7  }
0xde: {  	[dreg:$0xe] =	wrdreg s5;
	(v2sf) =	vpush v63, $0x5;
	s30 =	smulhi.u32 $0x10624DD3, s0;
	s7 =	sshra.s32 s0, $0x1F  }
0xdf: {  	s1 =	spop (v2sf);
	s31 =	smul.u32 $0x10624DD3, s7  }
0xe0: {  	[smem:$0x780] =	sst s8;
	(v2sf) =	vpush v63, $0x6;
	s10 =	smulhi.u32 $0x10624DD3, s1;
	s7 =	sshra.s32 s1, $0x1F  }
0xe1: {  	s8 =	smul.u32 $0x10624DD3, s7;
	s4 =	spop (v2sf)  }
0xe2: {  	[dreg:$0x10] =	wrdreg s9;
	(v2sf) =	vpush v63, $0x7;
	s9 =	smulhi.u32 $0x10624DD3, s4;
	s7 =	sshra.s32 s4, $0x1F  }
0xe3: {  	s7 =	smul.u32 $0x10624DD3, s7;
	s5 =	spop (v2sf)  }
0xe4: {  	s6 =	smulhi.u32 $0x10624DD3, s5;
	s0 =	sshra.s32 s5, $0x1F  }
0xe5: {  	s1 =	spop (v2sf);
	s4 =	smul.u32 $0x10624DD3, s0  }
0xe6: {  	s19 =	sadd.s32 s16, s19;
	s5 =	smulhi.u32 $0x10624DD3, s1;
	s0 =	sshra.s32 s1, $0x1F  }
0xe7: {  	s18 =	sadd.s32 s14, s18;
	s1 =	smul.u32 $0x10624DD3, s0;
	s0 =	spop (v2sf)  }
0xe8: {  	s15 =	sadd.s32 s12, s15;
	s16 =	smulhi.u32 $0x10624DD3, s0;
	s0 =	sshra.s32 s0, $0x1F  }
0xe9: {  	s11 =	sadd.s32 s11, s13;
	s14 =	spop (v2sf);
	s0 =	smul.u32 $0x10624DD3, s0  }
0xea: {  	s17 =	sadd.s32 s26, s17;
	s12 =	smulhi.u32 $0x10624DD3, s14;
	s14 =	sshra.s32 s14, $0x1F  }
0xeb: {  	s30 =	sadd.s32 s31, s30;
	s13 =	spop (v2sf);
	s14 =	smul.u32 $0x10624DD3, s14  }
0xec: {  	s8 =	sadd.s32 s8, s10;
	s26 =	smulhi.u32 $0x10624DD3, s13;
	s13 =	sshra.s32 s13, $0x1F  }
0xed: {  	s9 =	sadd.s32 s7, s9;
	s31 =	spop (v2sf);
	s13 =	smul.u32 $0x10624DD3, s13  }
0xee: {  	s6 =	sadd.s32 s4, s6;
	s10 =	smulhi.u32 $0x10624DD3, s31;
	s31 =	sshra.s32 s31, $0x1F  }
0xef: {  	s5 =	sadd.s32 s1, s5;
	s7 =	smul.u32 $0x10624DD3, s31;
	s31 =	spop (v2sf)  }
0xf0: {  	s16 =	sadd.s32 s0, s16;
	s4 =	smulhi.u32 $0x10624DD3, s31;
	s31 =	sshra.s32 s31, $0x1F  }
0xf1: {  	s14 =	sadd.s32 s14, s12;
	s31 =	smul.u32 $0x10624DD3, s31;
	s1 =	spop (v2sf)  }
0xf2: {  	s12 =	sadd.s32 s13, s26;
	s0 =	smulhi.u32 $0x10624DD3, s1;
	s1 =	sshra.s32 s1, $0x1F  }
0xf3: {  	s13 =	smul.u32 $0x10624DD3, s1;
	s1 =	sadd.s32 s7, s10;
	s10 =	sld [smem:$0x779]  }
0xf4: {  	_ = 	snop  }
0xf5: {  	s4 =	sadd.s32 s31, s4;
	s7 =	sadd.s32 s13, s0;
	s13 =	sld [smem:$0x77A]  }
0xf6: {  	s26 =	smulhi.u32 $0x431BDE83, s10;
	s10 =	sshra.s32 s10, $0x1F;
	s31 =	sshra.s32 s7, $0x1F  }
0xf7: {  	s10 =	smul.u32 $0x431BDE83, s10;
	v10 =	vmov s31;
	s31 =	sshrl.u32 s19, $0x1F  }
0xf8: {  	[dreg:$0x1d] =	wrdreg s26;
	s26 =	smulhi.u32 $0x431BDE83, s13;
	s0 =	sshra.s32 s13, $0x1F  }
0xf9: {  	s13 =	sshra.s32 s6, $0x6;
	[dreg:$0x1e] =	wrdreg s10;
	s0 =	smul.u32 $0x431BDE83, s0  }
0xfa: {  	s10 =	sshrl.u32 s18, $0x1F;
	v6 =	vsel vm3, s13, v10;
	s13 =	sshrl.u32 s15, $0x1F;
	[smem:$0x784] =	sst s26  }
0xfb: {  	v11 =	vmov s10;
	s26 =	sshrl.u32 s6, $0x1F;
	s6 =	sshra.s32 s6, $0x1F;
	s10 =	rddreg [dreg:$0x1c]  }
0xfc: {  	[dreg:$0x1f] =	wrdreg s0;
	v12 =	vmov s26;
	s0 =	sshra.s32 s19, $0x6;
	s19 =	sshra.s32 s5, $0x6  }
0xfd: {  	v7 =	vsel vm0, s31, v11;
	v6 =	vsel vm10, s6, v6;
	s26 =	sshrl.u32 s5, $0x1F;
	s5 =	sshra.s32 s5, $0x1F;
	s31 =	sshrl.u32 s11, $0x1F;
	v8 =	vnsel vm3, $0x0, v12  }
0xfe: {  	v7 =	vsel vm1, s13, v7;
	v6 =	vsel vm0, s19, v6;
	s13 =	sshrl.u32 s30, $0x1F;
	s19 =	sshrl.u32 s16, $0x1F;
	v8 =	vsel vm0, s26, v8;
	s26 =	sshra.s32 s16, $0x6  }
0xff: {  	v7 =	vsel vm2, s31, v7;
	v6 =	vsel vm11, s5, v6;
	v13 =	vmov s13;
	s31 =	sshra.s32 s16, $0x1F;
	s13 =	sshrl.u32 s17, $0x1F;
	s16 =	sshrl.u32 s14, $0x1F  }
0x100: {  	s5 =	sshra.s32 s9, $0x6;
	v8 =	vsel vm1, s19, v8;
	v6 =	vsel vm1, s26, v6;
	s19 =	sshrl.u32 s8, $0x1F;
	s26 =	sshrl.u32 s12, $0x1F  }
0x101: {  	v9 =	vsel vm0, s13, v13;
	s13 =	sshra.s32 s14, $0x1F;
	v6 =	vsel vm12, s31, v6;
	s31 =	sshra.s32 s14, $0x6;
	s14 =	sshrl.u32 s9, $0x1F  }
0x102: {  	v8 =	vsel vm2, s16, v8;
	v9 =	vsel vm1, s19, v9;
	s16 =	sshrl.u32 s1, $0x1F;
	s19 =	sshra.s32 s18, $0x6;
	s9 =	sshrl.u32 s7, $0x1F;
	v6 =	vsel vm2, s31, v6  }
0x103: {  	v8 =	vsel vm4, s26, v8;
	s26 =	sshrl.u32 s4, $0x1F;
	s31 =	sshra.s32 s12, $0x6;
	v6 =	vsel vm13, s13, v6;
	s13 =	sshra.s32 s15, $0x6  }
0x104: {  	v14 =	vmov s19;
	v8 =	vsel vm5, s16, v8;
	s15 =	sshra.s32 s12, $0x1F;
	s12 =	sshra.s32 s7, $0x6;
	s7 =	rddreg [dreg:$0x15]  }
0x105: {  	s17 =	sshra.s32 s17, $0x6;
	v9 =	vsel vm2, s14, v9;
	s14 =	sshra.s32 s30, $0x6;
	v10 =	vsel vm0, s0, v14;
	v8 =	vsel vm6, s26, v8;
	s26 =	sld [smem:$0x77B]  }
0x106: {  	v11 =	vmov s14;
	s16 =	sshra.s32 s11, $0x6;
	s11 =	smulhi.u32 $0x431BDE83, s10;
	v10 =	vsel vm1, s13, v10;
	s13 =	rddreg [dreg:$0x1b]  }
0x107: {  	v11 =	vsel vm0, s17, v11;
	s17 =	rddreg [dreg:$0xa]  }
0x108: {  	v6 =	vsel vm4, s31, v6;
	[smem:$0x787] =	sst s11  }
0x109: {  	v6 =	vsel vm14, s15, v6;
	s15 =	rddreg [dreg:$0x1a]  }
0x10a: {  	v8 =	vsel vm7, s9, v8;
	s9 =	rddreg [dreg:$0x14]  }
0x10b: {  	s18 =	sshra.s32 s1, $0x6;
	s19 =	sshra.s32 s8, $0x6;
	v16 =	vld [tilespmem:s17+$0xF];
	s17 =	rddreg [dreg:$0xa]  }
0x10c: {  	v11 =	vsel vm1, s19, v11;
	s14 =	smulhi.u32 $0x431BDE83, s13;
	v6 =	vsel vm5, s18, v6;
	s18 =	rddreg [dreg:$0x19]  }
0x10d: {  	s11 =	smulhi.u32 $0x431BDE83, s29;
	v11 =	vsel vm2, s5, v11;
	s5 =	rddreg [dreg:$0x16]  }
0x10e: {  	v10 =	vsel vm2, s16, v10;
	s16 =	smulhi.u32 $0x431BDE83, s15;
	[smem:$0x789] =	sst s14  }
0x10f: {  	s30 =	smulhi.u32 $0x431BDE83, s26;
	s31 =	sshra.s32 s26, $0x1F;
	s26 =	rddreg [dreg:$0x18]  }
0x110: {  	[smem:$0x79C] =	sst s11  }
0x111: {  	s19 =	smulhi.u32 $0x431BDE83, s18;
	[smem:$0x78C] =	sst s16  }
0x112: {  	s1 =	sshra.s32 s1, $0x1F;
	s0 =	smul.u32 $0x431BDE83, s31;
	s31 =	rddreg [dreg:$0x17]  }
0x113: {  	s6 =	sshra.s32 s4, $0x6;
	v6 =	vsel vm15, s1, v6;
	[smem:$0x785] =	sst s30  }
0x114: {  	s8 =	sshra.s32 s4, $0x1F;
	v6 =	vsel vm6, s6, v6;
	s6 =	smulhi.u32 $0x431BDE83, s5;
	[smem:$0x78E] =	sst s19  }
0x115: {  	vm9 =	vcmask $0x3734;
	v7 =	vcombine.low v9, v7;
	s30 =	smulhi.u32 $0x431BDE83, s26;
	[smem:$0x786] =	sst s0;
	s0 =	sshra.s32 s10, $0x1F  }
0x116: {  	v15 =	vcombine.low v11, v10;
	v6 =	vsel vm9, s8, v6;
	[smem:$0x795] =	sst s6;
	s0 =	smul.u32 $0x431BDE83, s0  }
0x117: {  	v7 =	vperm.xlane v7, v0;
	v8 =	vperm.xlane v8, v1;
	s4 =	smulhi.u32 $0x431BDE83, s31;
	v6 =	vsel vm7, s12, v6;
	[smem:$0x790] =	sst s30  }
0x118: {  	v9 =	vperm.xlane v15, v0;
	s8 =	smulhi.u32 $0x431BDE83, s7;
	v6 =	vperm.xlane v6, v1;
	[smem:$0x788] =	sst s0;
	s0 =	sshra.s32 s13, $0x1F  }
0x119: {  	[smem:$0x793] =	sst s4;
	s0 =	smul.u32 $0x431BDE83, s0  }
0x11a: {  	v7 =	vsel vm8, v8, v7;
	[smem:$0x797] =	sst s8;
	v6 =	vsel vm8, v6, v9  }
0x11b: {  	s10 =	smulhi.u32 $0x431BDE83, s9;
	v6 =	vadd.s32 v7, v6;
	[smem:$0x78A] =	sst s0;
	s0 =	sshra.s32 s15, $0x1F  }
0x11c: {  	s4 =	sld [smem:$0x77C];
	v6 =	vmul.u32 $0x3E8, v6;
	s0 =	smul.u32 $0x431BDE83, s0  }
0x11d: {  	s12 =	sshra.s32 s29, $0x1F;
	s29 =	sshra.s32 s22, $0x1F;
	s8 =	sld [smem:$0x77D]  }
0x11e: {  	s30 =	smul.u32 $0x431BDE83, s29;
	v5 =	vsub.s32 v63, v6;
	[smem:$0x78D] =	sst s0;
	s0 =	sshra.s32 s18, $0x1F  }
0x11f: {  	[smem:$0x79A] =	sst s10;
	vm9 =	vlt.s32 v5, $0x0;
	v6 =	vadd.s32 $0x3E8, v5;
	s0 =	smul.u32 $0x431BDE83, s0  }
0x120: {  	v4 =	vmul.u32 $0x2F9, v62;
	s14 =	sshra.s32 s28, $0x1F;
	v17 =	vmul.u32 $0x9E37, v16;
	s13 =	smulhi.u32 $0x431BDE83, s28;
	[smem:$0x7AB] =	sst s30;
	v5 =	vsel vm9, v6, v5  }
0x121: {  	s28 =	smulhi.u32 $0x431BDE83, s22;
	v5 =	vmul.u32 $0x3E8, v5;
	[smem:$0x78F] =	sst s0;
	s0 =	sshra.s32 s26, $0x1F  }
0x122: {  	v4 =	vadd.s32 v4, v17;
	s22 =	sld [smem:$0x77F];
	s0 =	smul.u32 $0x431BDE83, s0  }
0x123: {  	[smem:$0x79E] =	sst s13;
	v4 =	vadd.s32 v5, v4  }
0x124: {  	s10 =	smulhi.u32 $0x431BDE83, s8;
	(v2sf) =	vpush v4, $0xD;
	[smem:$0x791] =	sst s0;
	s0 =	sshra.s32 s31, $0x1F  }
0x125: {  	[smem:$0x7AA] =	sst s28;
	(v2sf) =	vpush v4, $0xC;
	s0 =	smul.u32 $0x431BDE83, s0  }
0x126: {  	s16 =	sshra.s32 s25, $0x1F;
	s15 =	smulhi.u32 $0x431BDE83, s25;
	[smem:$0x7B1] =	sst s10;
	(v2sf) =	vpush v4, $0xE  }
0x127: {  	s25 =	smulhi.u32 $0x431BDE83, s24;
	[smem:$0x794] =	sst s0;
	s0 =	sshra.s32 s5, $0x1F  }
0x128: {  	[smem:$0x7A1] =	sst s15;
	(v2sf) =	vpush v4, $0xF;
	s0 =	smul.u32 $0x431BDE83, s0  }
0x129: {  	s19 =	sshra.s32 s20, $0x1F;
	[smem:$0x7A8] =	sst s25;
	s18 =	smulhi.u32 $0x431BDE83, s20;
	(v2sf) =	vpush v4, $0x9  }
0x12a: {  	s20 =	smulhi.u32 $0x431BDE83, s21;
	(v2sf) =	vpush v4, $0x8;
	[smem:$0x796] =	sst s0;
	s0 =	sshra.s32 s7, $0x1F  }
0x12b: {  	[smem:$0x7A3] =	sst s18;
	(v2sf) =	vpush v4, $0xA;
	s0 =	smul.u32 $0x431BDE83, s0  }
0x12c: {  	[smem:$0x7A5] =	sst s20;
	s31 =	smulhi.u32 $0x431BDE83, s23;
	(v2sf) =	vpush v4, $0xB  }
0x12d: {  	s5 =	smulhi.u32 $0x431BDE83, s4;
	[smem:$0x798] =	sst s0;
	s0 =	sshra.s32 s9, $0x1F  }
0x12e: {  	s6 =	sshra.s32 s4, $0x1F;
	s4 =	sld [smem:$0x780];
	s0 =	smul.u32 $0x431BDE83, s0  }
0x12f: {  	[smem:$0x7AC] =	sst s31;
	(v2sf) =	vpush v4, $0x0  }
0x130: {  	[smem:$0x79B] =	sst s0;
	s0 =	smul.u32 $0x431BDE83, s12  }
0x131: {  	[smem:$0x7AF] =	sst s5;
	s5 =	smulhi.u32 $0x431BDE83, s4  }
0x132: {  	(v2sf) =	vpush v4, $0x1;
	s12 =	sshra.s32 s8, $0x1F;
	[smem:$0x79D] =	sst s0;
	s0 =	smul.u32 $0x431BDE83, s14  }
0x133: {  	s7 =	spop (v2sf);
	s14 =	smul.u32 $0x431BDE83, s12  }
0x134: {  	v18 =	vld [tilespmem:s17+$0x20];
	s9 =	spop (v2sf);
	[smem:$0x79F] =	sst s0  }
0x135: {  	(v2sf) =	vpush v4, $0x2;
	s11 =	spop (v2sf);
	[smem:$0x7B2] =	sst s14  }
0x136: {  	(v2sf) =	vpush v4, $0x3;
	s0 =	smul.u32 $0x431BDE83, s16;
	s16 =	sld [smem:$0x77E]  }
0x137: {  	(v2sf) =	vpush v4, $0x4;
	s28 =	spop (v2sf);
	s14 =	sld [smem:$0x781]  }
0x138: {  	(v2sf) =	vpush v4, $0x5;
	s29 =	spop (v2sf);
	[smem:$0x7A2] =	sst s0  }
0x139: {  	v19 =	vmul.u32 $0x1B3, v18;
	(v2sf) =	vpush v4, $0x6;
	s0 =	smul.u32 $0x431BDE83, s19;
	s30 =	spop (v2sf)  }
0x13a: {  	(v2sf) =	vpush v4, $0x7;
	s31 =	spop (v2sf);
	s17 =	smulhi.u32 $0x431BDE83, s16  }
0x13b: {  	s21 =	sshra.s32 s21, $0x1F;
	(v2sf) =	vpush v19, $0xD;
	[smem:$0x7A4] =	sst s0;
	s13 =	spop (v2sf)  }
0x13c: {  	s18 =	sshra.s32 s16, $0x1F;
	s0 =	smul.u32 $0x431BDE83, s21;
	[smem:$0x78B] =	sst s13  }
0x13d: {  	(v2sf) =	vpush v19, $0xC;
	s20 =	smul.u32 $0x431BDE83, s18;
	[smem:$0x7B3] =	sst s17  }
0x13e: {  	s16 =	sshra.s32 s14, $0x1F;
	s15 =	spop (v2sf);
	[smem:$0x7A6] =	sst s0  }
0x13f: {  	s26 =	sshra.s32 s24, $0x1F;
	(v2sf) =	vpush v19, $0xE;
	s18 =	smul.u32 $0x431BDE83, s16;
	[smem:$0x792] =	sst s15  }
0x140: {  	s0 =	smul.u32 $0x431BDE83, s26;
	[smem:$0x7B4] =	sst s20  }
0x141: {  	s24 =	sshra.s32 s22, $0x1F;
	(v2sf) =	vpush v19, $0xF;
	s19 =	spop (v2sf);
	[smem:$0x7BB] =	sst s18  }
0x142: {  	s26 =	smul.u32 $0x431BDE83, s24;
	[smem:$0x799] =	sst s19  }
0x143: {  	(v2sf) =	vpush v19, $0x9;
	s15 =	smulhi.u32 $0x431BDE83, s14;
	[smem:$0x7A9] =	sst s0;
	s0 =	sshra.s32 s23, $0x1F  }
0x144: {  	s21 =	spop (v2sf);
	s1 =	smul.u32 $0x431BDE83, s0  }
0x145: {  	(v2sf) =	vpush v19, $0x8;
	[smem:$0x7A0] =	sst s21;
	s25 =	spop (v2sf)  }
0x146: {  	[smem:$0x7AD] =	sst s1;
	s1 =	spop (v2sf)  }
0x147: {  	(v2sf) =	vpush v19, $0xA;
	s0 =	smul.u32 $0x431BDE83, s6;
	s6 =	sshra.s32 s4, $0x1F;
	s10 =	spop (v2sf)  }
0x148: {  	s12 =	smul.u32 $0x431BDE83, s6;
	s13 =	spop (v2sf)  }
0x149: {  	(v2sf) =	vpush v19, $0xB;
	s23 =	smulhi.u32 $0x431BDE83, s22;
	s17 =	spop (v2sf)  }
0x14a: {  	[smem:$0x7B9] =	sst s12;
	s19 =	spop (v2sf)  }
0x14b: {  	[smem:$0x7B5] =	sst s10;
	(v2sf) =	vpush v19, $0x0;
	s10 =	smulhi.u32 $0x10624DD3, s19;
	s8 =	sshra.s32 s19, $0x1F  }
0x14c: {  	s20 =	spop (v2sf);
	s8 =	smul.u32 $0x10624DD3, s8  }
0x14d: {  	[smem:$0x7BC] =	sst s13;
	(v2sf) =	vpush v19, $0x1;
	s13 =	smulhi.u32 $0x10624DD3, s20;
	s12 =	sshra.s32 s20, $0x1F  }
0x14e: {  	s21 =	spop (v2sf);
	s12 =	smul.u32 $0x10624DD3, s12  }
0x14f: {  	[smem:$0x7BA] =	sst s15;
	(v2sf) =	vpush v19, $0x2;
	s15 =	smulhi.u32 $0x10624DD3, s21;
	s14 =	sshra.s32 s21, $0x1F  }
0x150: {  	s22 =	spop (v2sf);
	s14 =	smul.u32 $0x10624DD3, s14  }
0x151: {  	[smem:$0x7B6] =	sst s23;
	(v2sf) =	vpush v19, $0x3;
	s18 =	smulhi.u32 $0x10624DD3, s22;
	s16 =	sshra.s32 s22, $0x1F  }
0x152: {  	s23 =	spop (v2sf);
	s16 =	smul.u32 $0x10624DD3, s16  }
0x153: {  	[smem:$0x7C1] =	sst s17;
	(v2sf) =	vpush v19, $0x4;
	s19 =	smulhi.u32 $0x10624DD3, s23;
	s17 =	sshra.s32 s23, $0x1F  }
0x154: {  	s24 =	spop (v2sf);
	s20 =	smul.u32 $0x10624DD3, s17  }
0x155: {  	[smem:$0x7A7] =	sst s25;
	(v2sf) =	vpush v19, $0x5;
	s21 =	smulhi.u32 $0x10624DD3, s24;
	s17 =	sshra.s32 s24, $0x1F  }
0x156: {  	s25 =	spop (v2sf);
	s22 =	smul.u32 $0x10624DD3, s17  }
0x157: {  	[smem:$0x7B7] =	sst s26;
	(v2sf) =	vpush v19, $0x6;
	s23 =	smulhi.u32 $0x10624DD3, s25;
	s17 =	sshra.s32 s25, $0x1F  }
0x158: {  	s26 =	spop (v2sf);
	s24 =	smul.u32 $0x10624DD3, s17  }
0x159: {  	[smem:$0x7B0] =	sst s0;
	(v2sf) =	vpush v19, $0x7;
	s25 =	smulhi.u32 $0x10624DD3, s26;
	s17 =	sshra.s32 s26, $0x1F  }
0x15a: {  	s26 =	smul.u32 $0x10624DD3, s17;
	s0 =	spop (v2sf)  }
0x15b: {  	[smem:$0x7AE] =	sst s1;
	s6 =	smulhi.u32 $0x10624DD3, s0;
	s17 =	sshra.s32 s0, $0x1F  }
0x15c: {  	s1 =	spop (v2sf);
	s4 =	smul.u32 $0x10624DD3, s17  }
0x15d: {  	[smem:$0x7B8] =	sst s5;
	s5 =	smulhi.u32 $0x10624DD3, s1;
	s17 =	sshra.s32 s1, $0x1F  }
0x15e: {  	s0 =	spop (v2sf);
	s1 =	smul.u32 $0x10624DD3, s17  }
0x15f: {  	s8 =	sadd.s32 s8, s10;
	s10 =	smulhi.u32 $0x10624DD3, s0;
	s0 =	sshra.s32 s0, $0x1F  }
0x160: {  	s17 =	sadd.s32 s12, s13;
	s13 =	spop (v2sf);
	s0 =	smul.u32 $0x10624DD3, s0  }
0x161: {  	s14 =	sadd.s32 s14, s15;
	s15 =	smulhi.u32 $0x10624DD3, s13;
	s13 =	sshra.s32 s13, $0x1F  }
0x162: {  	s12 =	sadd.s32 s16, s18;
	s18 =	spop (v2sf);
	s16 =	smul.u32 $0x10624DD3, s13  }
0x163: {  	s13 =	sadd.s32 s20, s19;
	s19 =	smulhi.u32 $0x10624DD3, s18  }
0x164: {  	s20 =	sshra.s32 s18, $0x1F;
	s18 =	sadd.s32 s22, s21;
	s21 =	spop (v2sf)  }
0x165: {  	s22 =	sadd.s32 s24, s23;
	s23 =	smulhi.u32 $0x10624DD3, s21;
	s24 =	sshra.s32 s21, $0x1F  }
0x166: {  	s21 =	sadd.s32 s26, s25;
	s26 =	spop (v2sf);
	s24 =	smul.u32 $0x10624DD3, s24  }
0x167: {  	s4 =	sadd.s32 s4, s6;
	s6 =	smulhi.u32 $0x10624DD3, s26;
	s25 =	sshra.s32 s26, $0x1F  }
0x168: {  	s1 =	sadd.s32 s1, s5;
	s5 =	smul.u32 $0x10624DD3, s25;
	s25 =	spop (v2sf)  }
0x169: {  	s0 =	sadd.s32 s0, s10;
	s26 =	smulhi.u32 $0x10624DD3, s25  }
0x16a: {  	s25 =	sshra.s32 s25, $0x1F;
	s10 =	sadd.s32 s24, s23;
	s24 =	sld [smem:$0x782]  }
0x16b: {  	s16 =	sadd.s32 s16, s15;
	s15 =	smul.u32 $0x10624DD3, s25  }
0x16c: {  	s20 =	smul.u32 $0x10624DD3, s20  }
0x16d: {  	s25 =	smulhi.u32 $0x431BDE83, s24;
	s15 =	sadd.s32 s15, s26;
	s26 =	sld [smem:$0x783]  }
0x16e: {  	s20 =	sadd.s32 s20, s19;
	s24 =	sshra.s32 s24, $0x1F  }
0x16f: {  	s19 =	sadd.s32 s5, s6;
	[smem:$0x7BD] =	sst s25;
	s25 =	smul.u32 $0x431BDE83, s24  }
0x170: {  	s6 =	sshrl.u32 s13, $0x1F;
	s24 =	sshra.s32 s15, $0x1F;
	s23 =	smulhi.u32 $0x431BDE83, s26  }
0x171: {  	s5 =	sshra.s32 s26, $0x1F;
	v20 =	vmov s24;
	s26 =	sshra.s32 s4, $0x6;
	s24 =	sshrl.u32 s8, $0x1F  }
0x172: {  	[smem:$0x7BE] =	sst s25;
	s5 =	smul.u32 $0x431BDE83, s5;
	s25 =	sshrl.u32 s17, $0x1F  }
0x173: {  	v7 =	vsel vm3, s26, v20;
	s26 =	sshra.s32 s1, $0x6;
	[smem:$0x7BF] =	sst s23;
	s23 =	sshrl.u32 s4, $0x1F  }
0x174: {  	v21 =	vmov s25;
	s4 =	sshra.s32 s4, $0x1F;
	s25 =	sshrl.u32 s14, $0x1F;
	[smem:$0x7C0] =	sst s5  }
0x175: {  	v8 =	vsel vm0, s24, v21;
	v7 =	vsel vm10, s4, v7;
	s4 =	sshra.s32 s8, $0x6;
	s8 =	sshrl.u32 s1, $0x1F;
	s1 =	sshra.s32 s1, $0x1F  }
0x176: {  	v22 =	vmov s23;
	s23 =	sshrl.u32 s12, $0x1F;
	s24 =	sshrl.u32 s18, $0x1F;
	s5 =	sshrl.u32 s21, $0x1F;
	v8 =	vsel vm1, s25, v8  }
0x177: {  	v7 =	vsel vm0, s26, v7;
	v9 =	vnsel vm3, $0x0, v22;
	s25 =	sshrl.u32 s0, $0x1F;
	s26 =	sshra.s32 s0, $0x6;
	v23 =	vmov s24;
	s0 =	sshra.s32 s0, $0x1F  }
0x178: {  	s24 =	sshrl.u32 s20, $0x1F;
	v8 =	vsel vm2, s23, v8;
	v9 =	vsel vm0, s8, v9;
	v7 =	vsel vm11, s1, v7;
	s8 =	sshrl.u32 s16, $0x1F;
	s23 =	sshrl.u32 s22, $0x1F  }
0x179: {  	v10 =	vsel vm0, s6, v23;
	s6 =	sshrl.u32 s10, $0x1F;
	v9 =	vsel vm1, s25, v9;
	v7 =	vsel vm1, s26, v7;
	s25 =	sshra.s32 s16, $0x6;
	s26 =	sshra.s32 s16, $0x1F  }
0x17a: {  	v10 =	vsel vm1, s23, v10;
	s16 =	sshrl.u32 s19, $0x1F;
	s23 =	sshra.s32 s14, $0x6;
	s14 =	sshra.s32 s10, $0x1F  }
0x17b: {  	v9 =	vsel vm2, s8, v9;
	v7 =	vsel vm12, s0, v7;
	v10 =	vsel vm2, s5, v10;
	s8 =	sshra.s32 s17, $0x6;
	s17 =	sshra.s32 s20, $0x6;
	s5 =	smulhi.u32 $0x431BDE83, s29  }
0x17c: {  	v9 =	vsel vm4, s24, v9;
	v7 =	vsel vm2, s25, v7;
	v24 =	vmov s8;
	s24 =	sshra.s32 s18, $0x6;
	s25 =	sshra.s32 s20, $0x1F;
	s8 =	sshra.s32 s13, $0x6  }
0x17d: {  	s18 =	sshra.s32 s19, $0x6;
	s20 =	sshra.s32 s19, $0x1F;
	s19 =	rddreg [dreg:$0x11]  }
0x17e: {  	s13 =	sshra.s32 s22, $0x6;
	s22 =	sshra.s32 s9, $0x1F;
	v11 =	vsel vm0, s4, v24;
	s4 =	rddreg [dreg:$0xa]  }
0x17f: {  	v7 =	vsel vm13, s26, v7;
	s26 =	sshra.s32 s12, $0x6;
	s12 =	sshra.s32 s10, $0x6;
	[smem:$0x7C6] =	sst s5  }
0x180: {  	v12 =	vmov s24;
	s24 =	smulhi.u32 $0x431BDE83, s11;
	s10 =	sshra.s32 s29, $0x1F;
	s29 =	sld [smem:$0x786]  }
0x181: {  	s5 =	sld [smem:$0x78A];
	v7 =	vsel vm4, s17, v7;
	s17 =	sshra.s32 s21, $0x6;
	s21 =	sshrl.u32 s15, $0x1F  }
0x182: {  	v11 =	vsel vm1, s23, v11;
	v12 =	vsel vm0, s8, v12;
	s8 =	smulhi.u32 $0x431BDE83, s9;
	s23 =	sshra.s32 s15, $0x6;
	s15 =	rddreg [dreg:$0x10]  }
0x183: {  	s9 =	smul.u32 $0x431BDE83, s22;
	s22 =	rddreg [dreg:$0x1e]  }
0x184: {  	v26 =	vld [tilespmem:s4+$0x1F];
	s4 =	sld [smem:$0x789]  }
0x185: {  	[smem:$0x7C2] =	sst s24  }
0x186: {  	v9 =	vsel vm5, s6, v9;
	v7 =	vsel vm14, s25, v7;
	s25 =	sshra.s32 s11, $0x1F;
	s11 =	rddreg [dreg:$0xc]  }
0x187: {  	s6 =	smulhi.u32 $0x431BDE83, s7;
	v9 =	vsel vm6, s16, v9;
	s16 =	sshra.s32 s7, $0x1F;
	v12 =	vsel vm1, s13, v12;
	s13 =	rddreg [dreg:$0xe]  }
0x188: {  	s7 =	smul.u32 $0x431BDE83, s16;
	s16 =	rddreg [dreg:$0x12]  }
0x189: {  	v9 =	vsel vm7, s21, v9;
	s21 =	rddreg [dreg:$0x1d]  }
0x18a: {  	s24 =	sld [smem:$0x784]  }
0x18b: {  	s1 =	sshra.s32 s28, $0x1F;
	v11 =	vsel vm2, s26, v11;
	s26 =	smulhi.u32 $0x431BDE83, s28;
	s28 =	sld [smem:$0x785]  }
0x18c: {  	v7 =	vsel vm5, s12, v7;
	s12 =	rddreg [dreg:$0xd]  }
0x18d: {  	[smem:$0x7C4] =	sst s26  }
0x18e: {  	s0 =	smul.u32 $0x431BDE83, s25;
	v7 =	vsel vm15, s14, v7;
	s14 =	rddreg [dreg:$0xf]  }
0x18f: {  	s25 =	smulhi.u32 $0x431BDE83, s31;
	s26 =	sshra.s32 s31, $0x1F;
	s31 =	sld [smem:$0x788]  }
0x190: {  	s9 =	sadd.s32 s9, s8;
	s6 =	sadd.s32 s7, s6;
	s7 =	sld [smem:$0x7C1]  }
0x191: {  	v12 =	vsel vm2, s17, v12;
	s17 =	smulhi.u32 $0x431BDE83, s30;
	[smem:$0x7EA] =	sst s9  }
0x192: {  	[smem:$0x7C3] =	sst s0  }
0x193: {  	[smem:$0x7C8] =	sst s17  }
0x194: {  	[smem:$0x7CA] =	sst s25  }
0x195: {  	v7 =	vsel vm6, s18, v7;
	s18 =	sshra.s32 s30, $0x1F;
	s30 =	sld [smem:$0x787]  }
0x196: {  	s17 =	sld [smem:$0x78F]  }
0x197: {  	s0 =	smul.u32 $0x431BDE83, s1;
	s1 =	sadd.s32 s12, s11;
	[smem:$0x7E9] =	sst s6  }
0x198: {  	vm9 =	vcmask $0x3734;
	[smem:$0x7CF] =	sst s1  }
0x199: {  	v7 =	vsel vm9, s20, v7;
	s20 =	rddreg [dreg:$0x13]  }
0x19a: {  	s1 =	sadd.s32 s14, s13;
	s13 =	sld [smem:$0x78C]  }
0x19b: {  	s14 =	sld [smem:$0x78D]  }
0x19c: {  	s6 =	sld [smem:$0x7C3]  }
0x19d: {  	[smem:$0x7C5] =	sst s0  }
0x19e: {  	[smem:$0x7D0] =	sst s1  }
0x19f: {  	v7 =	vsel vm7, s23, v7;
	s23 =	rddreg [dreg:$0x1f]  }
0x1a0: {  	s0 =	smul.u32 $0x431BDE83, s10;
	s10 =	sld [smem:$0x78B]  }
0x1a1: {  	s1 =	sadd.s32 s20, s19;
	s20 =	sld [smem:$0x790]  }
0x1a2: {  	[smem:$0x7D2] =	sst s1  }
0x1a3: {  	s1 =	sadd.s32 s22, s21;
	s21 =	sld [smem:$0x791]  }
0x1a4: {  	s22 =	sld [smem:$0x792]  }
0x1a5: {  	[smem:$0x7C7] =	sst s0  }
0x1a6: {  	[smem:$0x7D4] =	sst s1  }
0x1a7: {  	s0 =	sadd.s32 s16, s15;
	s15 =	sld [smem:$0x78E]  }
0x1a8: {  	s1 =	sadd.s32 s29, s28;
	s28 =	sld [smem:$0x793]  }
0x1a9: {  	s29 =	sld [smem:$0x794]  }
0x1aa: {  	s16 =	sadd.s32 s5, s4;
	s4 =	sld [smem:$0x798]  }
0x1ab: {  	s5 =	sld [smem:$0x799]  }
0x1ac: {  	s19 =	sadd.s32 s14, s13;
	s13 =	sld [smem:$0x79C]  }
0x1ad: {  	s14 =	sld [smem:$0x79D]  }
0x1ae: {  	[smem:$0x7D1] =	sst s0  }
0x1af: {  	[smem:$0x7D6] =	sst s1  }
0x1b0: {  	s1 =	sadd.s32 s31, s30;
	s30 =	sld [smem:$0x795]  }
0x1b1: {  	s31 =	sld [smem:$0x796]  }
0x1b2: {  	[smem:$0x7D7] =	sst s1  }
0x1b3: {  	s0 =	smul.u32 $0x431BDE83, s18;
	s12 =	sshra.s32 s10, $0x1F;
	s1 =	sld [smem:$0x797]  }
0x1b4: {  	s18 =	smul.u32 $0x431BDE83, s12;
	s12 =	sld [smem:$0x79B]  }
0x1b5: {  	s11 =	smulhi.u32 $0x431BDE83, s10;
	s25 =	sadd.s32 s21, s20;
	s21 =	sld [smem:$0x7A1]  }
0x1b6: {  	[smem:$0x7C9] =	sst s0  }
0x1b7: {  	[smem:$0x7CC] =	sst s11  }
0x1b8: {  	s11 =	sld [smem:$0x79A]  }
0x1b9: {  	s0 =	sadd.s32 s23, s24;
	s23 =	sadd.s32 s17, s15;
	s15 =	sld [smem:$0x79E]  }
0x1ba: {  	s29 =	sadd.s32 s29, s28;
	s17 =	sld [smem:$0x79F]  }
0x1bb: {  	s28 =	smulhi.u32 $0x431BDE83, s5;
	s10 =	sshra.s32 s5, $0x1F;
	s5 =	sld [smem:$0x7A4]  }
0x1bc: {  	[smem:$0x7D5] =	sst s0  }
0x1bd: {  	[smem:$0x7CD] =	sst s18  }
0x1be: {  	s24 =	smulhi.u32 $0x431BDE83, s22;
	s18 =	sld [smem:$0x7A0]  }
0x1bf: {  	s0 =	smul.u32 $0x431BDE83, s26;
	s31 =	sadd.s32 s31, s30;
	s30 =	sld [smem:$0x7A2]  }
0x1c0: {  	s26 =	sshra.s32 s22, $0x1F;
	s22 =	smul.u32 $0x431BDE83, s10;
	s10 =	sld [smem:$0x7A5]  }
0x1c1: {  	[smem:$0x7CE] =	sst s24  }
0x1c2: {  	[smem:$0x7CB] =	sst s0  }
0x1c3: {  	s0 =	sadd.s32 s4, s1;
	s4 =	sld [smem:$0x7A3]  }
0x1c4: {  	[smem:$0x7D8] =	sst s0  }
0x1c5: {  	s0 =	sadd.s32 s12, s11;
	s11 =	sld [smem:$0x7A6]  }
0x1c6: {  	s12 =	sld [smem:$0x7A7]  }
0x1c7: {  	[smem:$0x7D3] =	sst s0  }
0x1c8: {  	s0 =	sadd.s32 s14, s13;
	s14 =	sld [smem:$0x7A8]  }
0x1c9: {  	[smem:$0x7D9] =	sst s0  }
0x1ca: {  	s0 =	sadd.s32 s17, s15;
	s15 =	sld [smem:$0x7A9]  }
0x1cb: {  	s17 =	sld [smem:$0x7AA]  }
0x1cc: {  	[smem:$0x7DA] =	sst s0  }
0x1cd: {  	s0 =	sadd.s32 s30, s21;
	s30 =	sld [smem:$0x7AB]  }
0x1ce: {  	s21 =	smulhi.u32 $0x431BDE83, s12;
	s13 =	sshra.s32 s12, $0x1F;
	s12 =	sld [smem:$0x7AF]  }
0x1cf: {  	[smem:$0x7DB] =	sst s0  }
0x1d0: {  	s0 =	sadd.s32 s5, s4;
	s4 =	sld [smem:$0x7AC]  }
0x1d1: {  	s5 =	sld [smem:$0x7AD]  }
0x1d2: {  	[smem:$0x7DC] =	sst s0  }
0x1d3: {  	s0 =	sadd.s32 s11, s10;
	s10 =	sld [smem:$0x7AE]  }
0x1d4: {  	[smem:$0x7DE] =	sst s0  }
0x1d5: {  	s0 =	sadd.s32 s15, s14;
	s14 =	sld [smem:$0x7B1]  }
0x1d6: {  	v8 =	vcombine.low v10, v8;
	s15 =	sld [smem:$0x7B2]  }
0x1d7: {  	v25 =	vcombine.low v12, v11;
	[smem:$0x7DD] =	sst s0  }
0x1d8: {  	v8 =	vperm.xlane v8, v0;
	v9 =	vperm.xlane v9, v1;
	s0 =	sadd.s32 s30, s17;
	s17 =	smul.u32 $0x431BDE83, s13;
	s13 =	sld [smem:$0x7B0]  }
0x1d9: {  	v10 =	vperm.xlane v25, v0;
	v7 =	vperm.xlane v7, v1;
	s30 =	sld [smem:$0x7B9]  }
0x1da: {  	[smem:$0x7DF] =	sst s0  }
0x1db: {  	v8 =	vsel vm8, v9, v8;
	v7 =	vsel vm8, v7, v10;
	s0 =	sadd.s32 s5, s4;
	s4 =	sld [smem:$0x7B3]  }
0x1dc: {  	v7 =	vadd.s32 v8, v7;
	s24 =	smulhi.u32 $0x431BDE83, s18;
	s20 =	sshra.s32 s18, $0x1F;
	s5 =	sld [smem:$0x7B4]  }
0x1dd: {  	v7 =	vmul.u32 $0x3E8, v7;
	s18 =	smulhi.u32 $0x431BDE83, s10;
	s11 =	sshra.s32 s10, $0x1F;
	s10 =	sld [smem:$0x7B5]  }
0x1de: {  	[smem:$0x7E0] =	sst s0  }
0x1df: {  	v6 =	vsub.s32 v19, v7;
	s0 =	sadd.s32 s13, s12;
	s12 =	sld [smem:$0x7B7]  }
0x1e0: {  	vm9 =	vlt.s32 v6, $0x0;
	v7 =	vadd.s32 $0x3E8, v6;
	s17 =	sadd.s32 s17, s21;
	s13 =	sld [smem:$0x7B8]  }
0x1e1: {  	v5 =	vmul.u32 $0x2F9, v18;
	v27 =	vmul.u32 $0x9E37, v26;
	v6 =	vsel vm9, v7, v6;
	[smem:$0x7F2] =	sst s17  }
0x1e2: {  	v6 =	vmul.u32 $0x3E8, v6;
	[smem:$0x7E1] =	sst s0  }
0x1e3: {  	v5 =	vadd.s32 v5, v27;
	s0 =	sadd.s32 s15, s14;
	s14 =	smul.u32 $0x431BDE83, s11;
	s11 =	sld [smem:$0x7B6]  }
0x1e4: {  	v5 =	vadd.s32 v6, v5;
	[smem:$0x7E3] =	sst s0  }
0x1e5: {  	(v2sf) =	vpush v5, $0xD;
	s0 =	sadd.s32 s5, s4;
	s4 =	sld [smem:$0x7BA]  }
0x1e6: {  	s5 =	sld [smem:$0x7BB]  }
0x1e7: {  	[smem:$0x7E4] =	sst s0  }
0x1e8: {  	s15 =	smulhi.u32 $0x431BDE83, s10;
	s0 =	sshra.s32 s10, $0x1F;
	s10 =	sld [smem:$0x7BC]  }
0x1e9: {  	s14 =	sadd.s32 s14, s18;
	s1 =	sadd.s32 s12, s11;
	s11 =	sld [smem:$0x7BD]  }
0x1ea: {  	(v2sf) =	vpush v5, $0xC;
	[smem:$0x7F3] =	sst s14  }
0x1eb: {  	[smem:$0x7E5] =	sst s1  }
0x1ec: {  	s1 =	sadd.s32 s30, s13;
	s30 =	sld [smem:$0x7BE]  }
0x1ed: {  	s12 =	smul.u32 $0x431BDE83, s0;
	s0 =	sadd.s32 s5, s4;
	s4 =	sld [smem:$0x7BF]  }
0x1ee: {  	s5 =	sld [smem:$0x7C0]  }
0x1ef: {  	[smem:$0x7E7] =	sst s0;
	s13 =	smulhi.u32 $0x431BDE83, s10;
	s0 =	sshra.s32 s10, $0x1F  }
0x1f0: {  	[smem:$0x7E6] =	sst s1;
	s10 =	smul.u32 $0x431BDE83, s0;
	s0 =	sshra.s32 s7, $0x1F  }
0x1f1: {  	s1 =	sadd.s32 s30, s11;
	s11 =	smulhi.u32 $0x431BDE83, s7;
	s7 =	sld [smem:$0x7C4]  }
0x1f2: {  	[smem:$0x7E8] =	sst s1  }
0x1f3: {  	s9 =	smul.u32 $0x431BDE83, s0;
	s1 =	sadd.s32 s5, s4;
	s5 =	sld [smem:$0x7C2]  }
0x1f4: {  	s30 =	spop (v2sf);
	[smem:$0x7E2] =	sst s1  }
0x1f5: {  	s8 =	smulhi.u32 $0x431BDE83, s30;
	s0 =	sshra.s32 s30, $0x1F;
	s30 =	sld [smem:$0x7C5]  }
0x1f6: {  	s1 =	sadd.s32 s6, s5;
	s6 =	sld [smem:$0x7C6]  }
0x1f7: {  	[smem:$0x7EB] =	sst s1  }
0x1f8: {  	(v2sf) =	vpush v5, $0xE;
	s12 =	sadd.s32 s12, s15;
	s1 =	sadd.s32 s30, s7;
	s30 =	sld [smem:$0x7C7]  }
0x1f9: {  	[smem:$0x7F4] =	sst s12;
	s5 =	spop (v2sf)  }
0x1fa: {  	(v2sf) =	vpush v5, $0xF;
	s7 =	smul.u32 $0x431BDE83, s0;
	s0 =	sshra.s32 s5, $0x1F;
	[smem:$0x7EC] =	sst s1  }
0x1fb: {  	(v2sf) =	vpush v5, $0x9;
	s1 =	sadd.s32 s30, s6;
	s6 =	smulhi.u32 $0x431BDE83, s5;
	s5 =	sld [smem:$0x7C8]  }
0x1fc: {  	s30 =	sld [smem:$0x7C9]  }
0x1fd: {  	s4 =	sld [smem:$0x7CA]  }
0x1fe: {  	[smem:$0x7ED] =	sst s1  }
0x1ff: {  	(v2sf) =	vpush v5, $0x8;
	s10 =	sadd.s32 s10, s13;
	s1 =	sadd.s32 s30, s5;
	s30 =	sld [smem:$0x7CB]  }
0x200: {  	[smem:$0x7F6] =	sst s10  }
0x201: {  	[smem:$0x7EE] =	sst s1  }
0x202: {  	(v2sf) =	vpush v5, $0xA;
	s1 =	sadd.s32 s30, s4;
	s30 =	sld [smem:$0x7CD]  }
0x203: {  	[smem:$0x7F0] =	sst s1  }
0x204: {  	s26 =	smul.u32 $0x431BDE83, s26;
	s9 =	sadd.s32 s9, s11;
	s1 =	sld [smem:$0x7CC]  }
0x205: {  	s20 =	smul.u32 $0x431BDE83, s20;
	[smem:$0x7F5] =	sst s9;
	s7 =	sadd.s32 s7, s8  }
0x206: {  	[smem:$0x7F7] =	sst s7;
	s5 =	smul.u32 $0x431BDE83, s0  }
0x207: {  	s0 =	spop (v2sf);
	s1 =	sadd.s32 s30, s1;
	s30 =	sld [smem:$0x7CE]  }
0x208: {  	s4 =	smulhi.u32 $0x431BDE83, s0;
	s0 =	sshra.s32 s0, $0x1F;
	[smem:$0x7F1] =	sst s1  }
0x209: {  	s28 =	sadd.s32 s22, s28;
	s1 =	smul.u32 $0x431BDE83, s0;
	s0 =	spop (v2sf)  }
0x20a: {  	s7 =	sld [smem:$0x7CF];
	s26 =	sadd.s32 s26, s30;
	s30 =	spop (v2sf)  }
0x20b: {  	s20 =	sadd.s32 s20, s24;
	[smem:$0x7EF] =	sst s26;
	s26 =	smulhi.u32 $0x431BDE83, s0  }
0x20c: {  	s5 =	sadd.s32 s5, s6;
	s0 =	sshra.s32 s0, $0x1F;
	s24 =	smulhi.u32 $0x431BDE83, s30  }
0x20d: {  	[smem:$0x7F8] =	sst s5;
	s22 =	sshra.s32 s30, $0x1F;
	s0 =	smul.u32 $0x431BDE83, s0  }
0x20e: {  	s1 =	sadd.s32 s1, s4;
	s17 =	smul.u32 $0x431BDE83, s22;
	s22 =	spop (v2sf)  }
0x20f: {  	[smem:$0x7F9] =	sst s1;
	s14 =	smulhi.u32 $0x431BDE83, s22  }
0x210: {  	s30 =	sshra.s32 s22, $0x1F;
	s4 =	sadd.s32 s17, s24;
	s17 =	sld [smem:$0x7D2]  }
0x211: {  	s18 =	spop (v2sf);
	s0 =	sadd.s32 s0, s26;
	s24 =	sld [smem:$0x7D4]  }
0x212: {  	s12 =	smul.u32 $0x431BDE83, s30;
	[smem:$0x7FA] =	sst s0  }
0x213: {  	s21 =	smulhi.u32 $0x431BDE83, s18;
	s22 =	sshra.s32 s18, $0x1F;
	[smem:$0x7FC] =	sst s4  }
0x214: {  	s30 =	smul.u32 $0x431BDE83, s22;
	s5 =	sadd.s32 s12, s14;
	s12 =	sld [smem:$0x7D0]  }
0x215: {  	s8 =	sshrl.u32 s7, $0x1F;
	s26 =	sshra.s32 s16, $0x12;
	s14 =	sld [smem:$0x7D1]  }
0x216: {  	s4 =	sshra.s32 s7, $0x12;
	[smem:$0x7FB] =	sst s5;
	s6 =	sadd.s32 s30, s21  }
0x217: {  	s18 =	sshrl.u32 s17, $0x1F;
	s21 =	sshrl.u32 s16, $0x1F;
	s5 =	sshra.s32 s17, $0x12  }
0x218: {  	s9 =	sshrl.u32 s24, $0x1F;
	s1 =	sshra.s32 s24, $0x12;
	s30 =	sshra.s32 s16, $0x1F  }
0x219: {  	s16 =	sshrl.u32 s23, $0x1F;
	[smem:$0x7FD] =	sst s6;
	s13 =	sshrl.u32 s12, $0x1F  }
0x21a: {  	v29 =	vmov s21;
	s15 =	sshrl.u32 s14, $0x1F;
	s0 =	sshra.s32 s14, $0x12;
	s14 =	sld [smem:$0x7D3]  }
0x21b: {  	s6 =	sshra.s32 s12, $0x12;
	v7 =	vnsel vm3, $0x0, v29;
	s12 =	sshrl.u32 s19, $0x1F;
	v28 =	vmov s13;
	s13 =	sld [smem:$0x7D5]  }
0x21c: {  	s17 =	sshra.s32 s19, $0x12;
	s24 =	sshrl.u32 s29, $0x1F;
	s21 =	sld [smem:$0x7D6];
	v7 =	vsel vm0, s12, v7;
	v6 =	vsel vm0, s8, v28  }
0x21d: {  	s12 =	sshrl.u32 s31, $0x1F;
	v7 =	vsel vm1, s16, v7;
	s16 =	sld [smem:$0x7D8];
	s22 =	sshra.s32 s14, $0x1F;
	v6 =	vsel vm1, s15, v6  }
0x21e: {  	v30 =	vmov s22;
	s15 =	sshrl.u32 s13, $0x1F;
	v6 =	vsel vm2, s18, v6;
	s8 =	sshra.s32 s13, $0x12;
	s18 =	sshra.s32 s19, $0x1F  }
0x21f: {  	s19 =	sshrl.u32 s25, $0x1F;
	s22 =	sshrl.u32 s21, $0x1F;
	s13 =	sld [smem:$0x7D7];
	v8 =	vsel vm3, s26, v30;
	v31 =	vmov s15  }
0x220: {  	v7 =	vsel vm2, s19, v7;
	s26 =	sshra.s32 s23, $0x12;
	v8 =	vsel vm10, s30, v8;
	v9 =	vsel vm0, s9, v31;
	s9 =	sshra.s32 s21, $0x12;
	s30 =	sshra.s32 s23, $0x1F  }
0x221: {  	v7 =	vsel vm4, s24, v7;
	s21 =	sshra.s32 s25, $0x1F;
	s23 =	sshra.s32 s29, $0x12;
	s24 =	sshra.s32 s29, $0x1F;
	v8 =	vsel vm0, s17, v8  }
0x222: {  	s29 =	sshra.s32 s16, $0x12;
	v9 =	vsel vm1, s22, v9;
	s15 =	sshrl.u32 s13, $0x1F;
	s22 =	sshrl.u32 s14, $0x1F;
	v8 =	vsel vm11, s18, v8  }
0x223: {  	v35 =	vmov s6;
	v7 =	vsel vm5, s12, v7;
	s12 =	sld [smem:$0x7D9];
	s18 =	sshra.s32 s25, $0x12;
	s25 =	sshra.s32 s31, $0x12;
	v8 =	vsel vm1, s26, v8  }
0x224: {  	v10 =	vsel vm0, s4, v35;
	s26 =	sshra.s32 s31, $0x1F;
	s31 =	sshra.s32 s14, $0x12;
	s14 =	sld [smem:$0x7DA];
	v32 =	vsel vm12, s30, v8  }
0x225: {  	v10 =	vsel vm1, s0, v10;
	v36 =	vmov s8;
	s17 =	sshrl.u32 s16, $0x1F;
	s30 =	sshra.s32 s16, $0x1F;
	s16 =	sld [smem:$0x7DB];
	v34 =	vsel vm2, s18, v32  }
0x226: {  	v11 =	vsel vm0, s1, v36;
	v33 =	vsel vm2, s15, v9;
	s18 =	sld [smem:$0x7DC];
	v9 =	vsel vm13, s21, v34  }
0x227: {  	v38 =	vsel vm2, s5, v10;
	v39 =	vsel vm1, s9, v11;
	s15 =	sshrl.u32 s14, $0x1F;
	s21 =	sld [smem:$0x7DD];
	v9 =	vsel vm4, s23, v9  }
0x228: {  	s19 =	sshra.s32 s13, $0x12;
	v7 =	vsel vm6, s17, v7;
	s13 =	sshrl.u32 s12, $0x1F;
	v41 =	vmov s15;
	s23 =	sld [smem:$0x7DE];
	v37 =	vsel vm14, s24, v9  }
0x229: {  	v10 =	vsel vm2, s19, v39;
	s17 =	sshrl.u32 s16, $0x1F;
	s19 =	sshrl.u32 s18, $0x1F;
	v12 =	vsel vm0, s13, v41;
	v40 =	vsel vm5, s25, v37;
	s25 =	sld [smem:$0x7DF]  }
0x22a: {  	v7 =	vsel vm7, s22, v7;
	s22 =	sshrl.u32 s21, $0x1F;
	v12 =	vsel vm1, s17, v12;
	s7 =	sshra.s32 s21, $0x12;
	s21 =	sld [smem:$0x7E3]  }
0x22b: {  	s0 =	sshra.s32 s12, $0x12;
	v11 =	vsel vm15, s26, v40;
	v12 =	vsel vm2, s19, v12;
	s19 =	sld [smem:$0x7E2]  }
0x22c: {  	vm9 =	vcmask $0x3734;
	s5 =	sshra.s32 s14, $0x12;
	v13 =	vmov s22;
	s24 =	sshrl.u32 s23, $0x1F;
	v11 =	vsel vm6, s29, v11;
	s29 =	sld [smem:$0x7E0]  }
0x22d: {  	s1 =	sshra.s32 s16, $0x12;
	s4 =	sshra.s32 s18, $0x12;
	v13 =	vsel vm0, s24, v13;
	s24 =	sld [smem:$0x7E4];
	v11 =	vsel vm9, s30, v11  }
0x22e: {  	s6 =	sshra.s32 s23, $0x12;
	s26 =	sshrl.u32 s25, $0x1F;
	v11 =	vsel vm7, s31, v11;
	s31 =	sld [smem:$0x7E1]  }
0x22f: {  	s8 =	sshra.s32 s25, $0x12;
	s22 =	sshrl.u32 s21, $0x1F;
	s23 =	sshra.s32 s21, $0x12  }
0x230: {  	s16 =	sshra.s32 s19, $0x1F;
	s30 =	sshrl.u32 s29, $0x1F;
	s13 =	sshra.s32 s29, $0x12  }
0x231: {  	v15 =	vmov s16;
	s29 =	sld [smem:$0x7E5];
	s15 =	sshrl.u32 s31, $0x1F;
	s17 =	sshra.s32 s31, $0x12  }
0x232: {  	s12 =	sshra.s32 s21, $0x1F;
	s11 =	sshra.s32 s19, $0x12;
	s18 =	sshra.s32 s31, $0x1F;
	v14 =	vmov s15;
	v15 =	vsel vm3, s17, v15  }
0x233: {  	v13 =	vsel vm1, s26, v13;
	s25 =	sshrl.u32 s24, $0x1F;
	s26 =	sshra.s32 s24, $0x12;
	v14 =	vnsel vm3, $0x0, v14;
	v15 =	vsel vm10, s18, v15;
	s18 =	sld [smem:$0x7E6]  }
0x234: {  	(v2sf) =	vpush v5, $0xB;
	s14 =	sshra.s32 s24, $0x1F;
	v13 =	vsel vm2, s30, v13;
	s30 =	sshrl.u32 s29, $0x1F;
	v14 =	vsel vm0, s22, v14;
	s22 =	sld [smem:$0x7E7]  }
0x235: {  	s31 =	sshra.s32 s29, $0x12;
	s15 =	sshra.s32 s29, $0x1F;
	v15 =	vsel vm0, s23, v15;
	v14 =	vsel vm1, s25, v14;
	s25 =	sld [smem:$0x7E8]  }
0x236: {  	(v2sf) =	vpush v5, $0x0;
	s29 =	sshrl.u32 s19, $0x1F;
	v15 =	vsel vm11, s12, v15;
	v14 =	vsel vm2, s30, v14;
	s21 =	sshrl.u32 s18, $0x1F;
	s30 =	sld [smem:$0x7E9]  }
0x237: {  	s12 =	sshra.s32 s18, $0x12;
	v15 =	vsel vm1, s26, v15;
	v14 =	vsel vm4, s21, v14;
	s23 =	sshrl.u32 s22, $0x1F;
	s21 =	sld [smem:$0x7EB]  }
0x238: {  	(v2sf) =	vpush v5, $0x1;
	s24 =	sshra.s32 s22, $0x12;
	s17 =	sshra.s32 s22, $0x1F;
	v15 =	vsel vm12, s14, v15;
	s22 =	sld [smem:$0x7EC]  }
0x239: {  	s16 =	sshra.s32 s18, $0x1F;
	s26 =	sshrl.u32 s25, $0x1F;
	v15 =	vsel vm2, s31, v15;
	s31 =	sld [smem:$0x7EA]  }
0x23a: {  	(v2sf) =	vpush v5, $0x2;
	v14 =	vsel vm5, s23, v14;
	s14 =	sshra.s32 s25, $0x12;
	s18 =	sshra.s32 s25, $0x1F;
	s23 =	sld [smem:$0x7ED]  }
0x23b: {  	(v2sf) =	vpush v5, $0x3;
	v16 =	vmov s5;
	s25 =	sld [smem:$0x7EF];
	s19 =	sshrl.u32 s30, $0x1F;
	v15 =	vsel vm13, s15, v15;
	s5 =	sshra.s32 s30, $0x12  }
0x23c: {  	v17 =	vmov s7;
	v14 =	vsel vm6, s26, v14;
	s30 =	sld [smem:$0x7F1];
	v15 =	vsel vm4, s12, v15;
	s12 =	sshrl.u32 s21, $0x1F;
	s7 =	sshra.s32 s21, $0x12  }
0x23d: {  	v16 =	vsel vm0, s0, v16;
	v17 =	vsel vm0, s6, v17;
	v14 =	vsel vm7, s29, v14;
	s21 =	sshrl.u32 s22, $0x1F;
	s6 =	sshra.s32 s22, $0x12;
	s29 =	sld [smem:$0x7F0]  }
0x23e: {  	(v2sf) =	vpush v5, $0x4;
	v16 =	vsel vm1, s1, v16;
	s15 =	sshrl.u32 s31, $0x1F;
	s9 =	sshra.s32 s31, $0x12;
	v15 =	vsel vm14, s16, v15;
	s1 =	sshrl.u32 s23, $0x1F  }
0x23f: {  	(v2sf) =	vpush v5, $0x5;
	v16 =	vsel vm2, s4, v16;
	s0 =	sshra.s32 s23, $0x12;
	s26 =	sshrl.u32 s25, $0x1F;
	s31 =	sshrl.u32 s28, $0x1F;
	v15 =	vsel vm5, s24, v15  }
0x240: {  	vm9 =	vcmask $0x3734;
	v17 =	vsel vm1, s8, v17;
	s22 =	sshra.s32 s25, $0x12;
	s23 =	sshra.s32 s20, $0x12;
	s24 =	sld [smem:$0x7EE];
	v15 =	vsel vm15, s17, v15  }
0x241: {  	v17 =	vsel vm2, s13, v17;
	s4 =	sshra.s32 s30, $0x12;
	v19 =	vmov s15;
	s15 =	sshra.s32 s28, $0x1F;
	s13 =	sshrl.u32 s29, $0x1F;
	v15 =	vsel vm6, s14, v15  }
0x242: {  	v18 =	vmov s26;
	s8 =	sshra.s32 s29, $0x12;
	v19 =	vsel vm0, s19, v19;
	v15 =	vsel vm9, s18, v15;
	s18 =	sshra.s32 s28, $0x12;
	s28 =	sld [smem:$0x7F2]  }
0x243: {  	v18 =	vnsel vm3, $0x0, v18;
	s14 =	sshra.s32 s25, $0x1F;
	v19 =	vsel vm1, s12, v19;
	s12 =	spop (v2sf);
	s10 =	sshrl.u32 s24, $0x1F  }
0x244: {  	(v2sf) =	vpush v5, $0x6;
	v18 =	vsel vm0, s31, v18;
	s16 =	sshra.s32 s24, $0x12;
	s24 =	sshrl.u32 s20, $0x1F;
	v19 =	vsel vm2, s21, v19;
	s21 =	sld [smem:$0x7F5]  }
0x245: {  	(v2sf) =	vpush v5, $0x7;
	v18 =	vsel vm1, s24, v18;
	v20 =	vmov s10;
	s10 =	spop (v2sf);
	s24 =	sld [smem:$0x7F6];
	s25 =	sshrl.u32 s28, $0x1F  }
0x246: {  	v15 =	vsel vm7, s11, v15;
	s11 =	sshra.s32 s20, $0x1F;
	s20 =	smulhi.u32 $0x431BDE83, s12;
	v23 =	vmov s16;
	v18 =	vsel vm2, s25, v18;
	s25 =	sld [smem:$0x7F3]  }
0x247: {  	v6 =	vcombine.low v33, v6;
	s17 =	sshrl.u32 s30, $0x1F;
	v20 =	vsel vm0, s1, v20;
	s19 =	spop (v2sf);
	s16 =	smulhi.u32 $0x431BDE83, s10;
	v23 =	vsel vm0, s0, v23  }
0x248: {  	v22 =	vmov s9;
	s30 =	sshra.s32 s21, $0x1F;
	v20 =	vsel vm1, s13, v20;
	s9 =	sshra.s32 s28, $0x1F;
	v23 =	vsel vm1, s8, v23;
	s8 =	smulhi.u32 $0x431BDE83, s19  }
0x249: {  	v7 =	vperm.xlane v7, v1;
	v6 =	vperm.xlane v6, v0;
	v20 =	vsel vm2, s17, v20;
	s17 =	sshra.s32 s28, $0x12;
	s28 =	sld [smem:$0x7F7];
	s26 =	sshrl.u32 s25, $0x1F  }
0x24a: {  	v9 =	vcombine.low v10, v38;
	v21 =	vmov s30;
	s31 =	sshrl.u32 s24, $0x1F;
	s30 =	sshra.s32 s10, $0x1F;
	v18 =	vsel vm4, s26, v18;
	s26 =	sld [smem:$0x7F4]  }
0x24b: {  	v23 =	vsel vm2, s4, v23;
	v21 =	vsel vm3, s22, v21;
	s22 =	sshra.s32 s12, $0x1F;
	s12 =	spop (v2sf);
	s4 =	smul.u32 $0x431BDE83, s30  }
0x24c: {  	v6 =	vsel vm8, v7, v6;
	v9 =	vperm.xlane v9, v0;
	s30 =	sshra.s32 s19, $0x1F;
	s19 =	sld [smem:$0x7FD];
	s13 =	smul.u32 $0x431BDE83, s22  }
0x24d: {  	v11 =	vperm.xlane v11, v1;
	v43 =	vcombine.low v13, v12;
	v21 =	vsel vm10, s14, v21;
	s14 =	spop (v2sf);
	s22 =	sld [smem:$0x7FA];
	s29 =	sshrl.u32 s26, $0x1F  }
0x24e: {  	v22 =	vsel vm0, s5, v22;
	v21 =	vsel vm0, s18, v21;
	s1 =	spop (v2sf);
	s10 =	sshra.s32 s25, $0x12;
	s18 =	smov.u32 s25;
	v18 =	vsel vm5, s29, v18  }
0x24f: {  	v22 =	vsel vm1, s7, v22;
	s7 =	sshrl.u32 s28, $0x1F;
	s25 =	sld [smem:$0x7F9];
	v21 =	vsel vm11, s15, v21;
	s29 =	sshrl.u32 s21, $0x1F;
	v18 =	vsel vm6, s31, v18  }
0x250: {  	v22 =	vsel vm2, s6, v22;
	s0 =	spop (v2sf);
	s6 =	sadd.s32 s13, s20;
	v21 =	vsel vm1, s23, v21;
	v18 =	vsel vm7, s29, v18;
	s29 =	sld [smem:$0x7F8]  }
0x251: {  	v45 =	vcombine.low v17, v16;
	v9 =	vsel vm8, v11, v9;
	s13 =	sshrl.u32 s19, $0x1F;
	s19 =	sshra.s32 s19, $0x12;
	s23 =	sld [smem:$0x7FB];
	v21 =	vsel vm12, s11, v21  }
0x252: {  	v6 =	vadd.s32 v6, v9;
	s5 =	sshrl.u32 s22, $0x1F;
	s20 =	sshrl.u32 s6, $0x1F;
	v21 =	vsel vm2, s17, v21;
	s17 =	sld [smem:$0x7FC]  }
0x253: {  	v10 =	vperm.xlane v43, v0;
	v7 =	vperm.xlane v45, v0;
	s6 =	sshra.s32 s6, $0x12;
	v21 =	vsel vm13, s9, v21;
	s9 =	smul.u32 $0x431BDE83, s30;
	s31 =	sshrl.u32 s29, $0x1F  }
0x254: {  	v6 =	vmul.u32 $0xF4240, v6;
	s15 =	sshrl.u32 s25, $0x1F;
	s11 =	sshrl.u32 s23, $0x1F;
	v21 =	vsel vm4, s10, v21;
	s10 =	smulhi.u32 $0x431BDE83, s12;
	v24 =	vmov s31  }
0x255: {  	v47 =	vperm.xlane v14, v1;
	v25 =	vmov s11;
	s11 =	smulhi.u32 $0x431BDE83, s14;
	s14 =	sshra.s32 s14, $0x1F;
	s31 =	sshrl.u32 s17, $0x1F;
	v24 =	vsel vm0, s7, v24  }
0x256: {  	v48 =	vperm.xlane v15, v1;
	s25 =	sshra.s32 s25, $0x12;
	s30 =	sshra.s32 s12, $0x1F;
	s12 =	smul.u32 $0x431BDE83, s14;
	v25 =	vsel vm0, s31, v25;
	v24 =	vsel vm1, s15, v24  }
0x257: {  	v2 =	vsub.s32 v2, v6;
	s8 =	sadd.s32 s9, s8;
	s14 =	sshra.s32 s23, $0x12;
	v25 =	vsel vm1, s13, v25;
	v24 =	vsel vm2, s5, v24;
	s5 =	spop (v2sf)  }
0x258: {  	v10 =	vsel vm8, v47, v10;
	v7 =	vsel vm8, v48, v7;
	s31 =	smul.u32 $0x431BDE83, s30;
	s13 =	sshra.s32 s29, $0x12;
	v42 =	vsel vm2, s20, v25;
	s20 =	spop (v2sf)  }
0x259: {  	v46 =	vcombine.low v20, v19;
	v7 =	vadd.s32 v10, v7;
	s15 =	sshra.s32 s28, $0x12;
	v44 =	vmov s13;
	s28 =	smulhi.u32 $0x431BDE83, s20;
	s13 =	sshra.s32 s20, $0x1F  }
0x25a: {  	v62 =	vadd.s32 $0xF4240, v2;
	v7 =	vmul.u32 $0xF4240, v7;
	v50 =	vmov s14;
	s14 =	sshra.s32 s24, $0x12;
	s23 =	sshra.s32 s8, $0x12;
	s30 =	smul.u32 $0x431BDE83, s13  }
0x25b: {  	vm9 =	vlt.s32 v2, $0x0;
	v51 =	vperm.xlane v46, v0;
	v53 =	vperm.xlane v18, v1;
	s17 =	sshra.s32 s17, $0x12;
	s7 =	sadd.s32 s12, s11;
	s12 =	sshra.s32 s18, $0x1F  }
0x25c: {  	v2 =	vsel vm9, v62, v2;
	v56 =	vcombine.low v23, v22;
	v3 =	vsub.s32 v3, v7;
	s29 =	sadd.s32 s4, s16;
	s31 =	sadd.s32 s31, s10;
	s4 =	sadd.s32 s30, s28  }
0x25d: {  	v63 =	vadd.s32 $0xF4240, v3;
	v9 =	vsel vm8, v53, v51;
	v58 =	vsel vm14, s12, v21;
	s10 =	sshra.s32 s26, $0x12;
	s18 =	sshra.s32 s29, $0x12;
	s16 =	sshra.s32 s4, $0x1F  }
0x25e: {  	v12 =	vsel vm0, s15, v44;
	s15 =	sshrl.u32 s29, $0x1F;
	v8 =	vcombine.low v42, v24;
	s9 =	sshra.s32 s31, $0x1F;
	s12 =	smulhi.u32 $0x431BDE83, s5;
	v52 =	vmov s16  }
0x25f: {  	v12 =	vsel vm1, s25, v12;
	s20 =	sshra.s32 s29, $0x1F;
	s25 =	sshrl.u32 s31, $0x1F;
	v57 =	vmov s15;
	s13 =	sshra.s32 s22, $0x12;
	v13 =	vsel vm3, s18, v52  }
0x260: {  	v49 =	vsel vm2, s13, v12;
	s13 =	sshra.s32 s26, $0x1F;
	v12 =	vsel vm0, s17, v50;
	s26 =	smulhi.u32 $0x431BDE83, s1;
	s1 =	sshra.s32 s1, $0x1F;
	v55 =	vsel vm10, s20, v13  }
0x261: {  	s22 =	sshrl.u32 s8, $0x1F;
	s8 =	sshra.s32 s8, $0x1F;
	v11 =	vnsel vm3, $0x0, v57;
	v54 =	vsel vm1, s19, v12;
	s1 =	smul.u32 $0x431BDE83, s1;
	v12 =	vsel vm0, s23, v55  }
0x262: {  	v14 =	vsel vm5, s10, v58;
	v11 =	vsel vm0, s22, v11;
	s28 =	sshra.s32 s31, $0x12;
	s30 =	smulhi.u32 $0x431BDE83, s0;
	s0 =	sshra.s32 s0, $0x1F;
	v12 =	vsel vm11, s8, v12  }
0x263: {  	s5 =	sshra.s32 s5, $0x1F;
	s29 =	sshrl.u32 s7, $0x1F;
	v8 =	vperm.xlane v8, v0;
	v11 =	vsel vm1, s25, v11;
	s0 =	smul.u32 $0x431BDE83, s0;
	v12 =	vsel vm1, s28, v12  }
0x264: {  	s5 =	smul.u32 $0x431BDE83, s5;
	s31 =	sshra.s32 s7, $0x12;
	v14 =	vsel vm15, s13, v14;
	v10 =	vsel vm2, s6, v54;
	s1 =	sadd.s32 s1, s26;
	v12 =	vsel vm12, s9, v12  }
0x265: {  	v11 =	vsel vm2, s29, v11;
	v14 =	vsel vm6, s14, v14;
	s16 =	sshra.s32 s1, $0x12;
	s0 =	sadd.s32 s0, s30;
	s9 =	sshra.s32 s7, $0x1F;
	v12 =	vsel vm2, s31, v12  }
0x266: {  	s17 =	sshra.s32 s1, $0x1F;
	s18 =	sshra.s32 s24, $0x1F;
	s1 =	sshrl.u32 s1, $0x1F;
	v13 =	vperm.xlane v56, v0;
	vm2 =	vcmask $0x3734;
	v12 =	vsel vm13, s9, v12  }
0x267: {  	s5 =	sadd.s32 s5, s12;
	s22 =	sshra.s32 s21, $0x12;
	v11 =	vsel vm4, s1, v11;
	s20 =	sshrl.u32 s0, $0x1F;
	v14 =	vsel vm2, s18, v14;
	v12 =	vsel vm4, s16, v12  }
0x268: {  	s19 =	sshra.s32 s0, $0x12;
	v11 =	vsel vm5, s20, v11;
	s23 =	sshrl.u32 s5, $0x1F;
	v14 =	vsel vm7, s22, v14;
	v12 =	vsel vm14, s17, v12  }
0x269: {  	s25 =	sshrl.u32 s4, $0x1F;
	s0 =	sshra.s32 s0, $0x1F;
	v11 =	vsel vm6, s23, v11;
	v14 =	vperm.xlane v14, v1;
	v12 =	vsel vm5, s19, v12  }
0x26a: {  	v10 =	vcombine.low v10, v49;
	s24 =	sshra.s32 s5, $0x12;
	v11 =	vsel vm7, s25, v11;
	v12 =	vsel vm15, s0, v12  }
0x26b: {  	s26 =	sshra.s32 s5, $0x1F;
	vm2 =	vcmask $0x3734;
	v13 =	vsel vm8, v14, v13;
	v12 =	vsel vm6, s24, v12  }
0x26c: {  	s29 =	sshra.s32 s4, $0x12;
	v11 =	vperm.xlane v11, v1;
	v59 =	vadd.s32 v9, v13;
	v12 =	vsel vm2, s26, v12  }
0x26d: {  	v10 =	vperm.xlane v10, v0;
	v6 =	vmul.u32 $0xF4240, v59;
	v12 =	vsel vm7, s29, v12  }
0x26e: {  	v60 =	vsel vm8, v11, v8;
	vm2 =	vmmov vm1;
	v12 =	vperm.xlane v12, v1  }
0x26f: {  	s28 =	rddreg [dreg:$0xb];
	vm1 =	vmmov vm0;
	vm0 =	vmmov vm8;
	v4 =	vsub.s32 v4, v6  }
0x270: {  	[tilespmem:s28+$0xFFFFFFE0] =	vst v2;
	vm9 =	vlt.s32 v4, $0x0;
	v2 =	vadd.s32 $0xF4240, v4;
	v61 =	vsel vm8, v12, v10  }
0x271: {  	vm8 =	vmmov vm7;
	vm7 =	vmmov vm6;
	vm6 =	vmmov vm5  }
0x272: {  	vm5 =	vmmov vm4;
	vm4 =	vmmov vm3;
	vm3 =	vmmov vm15  }
0x273: {  	vm15 =	vmmov vm14;
	vm14 =	vmmov vm13;
	vm13 =	vmmov vm12  }
0x274: {  	vm12 =	vmmov vm11;
	vm11 =	vmmov vm10;
	vm10 =	vlt.s32 v3, $0x0  }
0x275: {  	s31 =	rddreg [dreg:$0x9];
	v2 =	vsel vm9, v2, v4;
	v7 =	vadd.s32 v60, v61;
	v3 =	vsel vm10, v63, v3  }
0x276: {  	s0 =	sadd.s32 $0x40, s31;
	vm10 =	vmmov vm11;
	vm11 =	vmmov vm12;
	vm12 =	vmmov vm13  }
0x277: {  	p1 =	slt.u32 s0, $0x3C0;
	vm13 =	vmmov vm14;
	vm14 =	vmmov vm15;
	v7 =	vmul.u32 $0xF4240, v7  }
.Ltmp0:
0x278: {  	vm15 =	vmmov vm3;
	vm3 =	vmmov vm4;
	vm4 =	vmmov vm5;
	(pc) =	sbr.rel @p1 .LBB2_2-.Ltmp0, $4  }
0x279: {  	vm5 =	vmmov vm6;
	vm6 =	vmmov vm7;
	v5 =	vsub.s32 v5, v7  }
0x27a: {  	vm7 =	vmmov vm8;
	[tilespmem:s28+$0xFFFFFFF0] =	vst v3;
	vm9 =	vlt.s32 v5, $0x0;
	v3 =	vadd.s32 $0xF4240, v5  }
0x27b: {  	s30 =	rddreg [dreg:$0xa];
	vm8 =	vmmov vm0;
	vm0 =	vmmov vm1;
	[tilespmem:s28+$0x0] =	vst v2;
	v3 =	vsel vm9, v3, v5  }
0x27c: {  	s4 =	sadd.s32 $0x40, s30;
	s1 =	simm.s32 $0x480;
	s5 =	sadd.s32 $0x40, s28;
	vm1 =	vmmov vm2;
	vm2 =	vcmask $0x1B18;
	vm9 =	vcmask $0x3734;
	[tilespmem:s28+$0x10] =	vst v3  }
0x27d: {  	v2 =	vld [tilespmem:s1+$0x0];
	_ =	sdelay $0x4  }
0x27e: {  	v2 =	vshll.u32 v2, $0x4  }
0x27f: {  	(v2sf) =	vpush v2, $0x0  }
0x280: {  	(v2sf) =	vpush v2, $0x1  }
0x281: {  	(v2sf) =	vpush v2, $0x2;
	_ =	sdelay $0x1  }
0x282: {  	(v2sf) =	vpush v2, $0x4;
	_ =	sdelay $0x1  }
0x283: {  	(v2sf) =	vpush v2, $0x3  }
0x284: {  	(v2sf) =	vpush v2, $0x5  }
0x285: {  	s4 =	simm.s32 $0x2000;
	s0 =	simm.s32 $0x0;
	(v2sf) =	vpush v2, $0x6  }
.LBB2_4:
0x286: {  	p1 =	sne.s32 s4, $0x3E000  }
0x287: {  	s14 =	sadd.s32 $0x900, s0;
	s8 =	sadd.s32 $0xE00, s0;
	s5 =	smov.u32 s4  }
0x288: {  	s4 =	sadd.s32 $0x2000, s4;
	s11 =	sadd.s32 $0xC00, s0;
	s6 =	sadd.s32 $0xE80, s0;
	(v2sf) =	vpush v2, $0x7  }
0x289: {  	s13 =	sadd.s32 $0xB00, s0;
	s10 =	sadd.s32 $0xC80, s0;
	s7 =	sadd.s32 $0xF00, s0  }
0x28a: {  	s15 =	sadd.s32 $0x880, s0;
	s16 =	sadd.s32 $0xA80, s0;
	(v2sf) =	vpush v2, $0x8  }
0x28b: {  	s17 =	sadd.s32 $0xB80, s0;
	s1 =	sadd.s32 $0x10, s1  }
0x28c: {  	s18 =	sadd.s32 $0x980, s0;
	s9 =	sadd.s32 $0xD80, s0;
	s12 =	spop (v2sf);
	(v2sf) =	vpush v2, $0x9  }
0x28d: {  	s19 =	sand.u32 $0x1FFFFFF0, s12;
	s12 =	sadd.s32 $0xD00, s0;
	s20 =	spop (v2sf)  }
0x28e: {  	s19 =	sadd.s32 s3, s19;
	s20 =	sand.u32 $0x1FFFFFF0, s20;
	s21 =	spop (v2sf);
	(v2sf) =	vpush v2, $0xA  }
0x28f: {  	[tilespmem:s15], [sflag:$0x1] =	stream.linear.gather [hbm4b:s19+s2], $0x80, $0x38;
	[tilespmem:$0x10880] =	vst v63  }
0x290: {  	s15 =	sadd.s32 s3, s20;
	s19 =	sadd.s32 $0xA00, s0;
	s20 =	spop (v2sf);
	(v2sf) =	vpush v2, $0xB  }
0x291: {  	[tilespmem:s14], [sflag:$0x1] =	stream.linear.gather [hbm4b:s15+s2], $0x80, $0x38;
	[tilespmem:$0x10880] =	vst v63  }
0x292: {  	s14 =	sand.u32 $0x1FFFFFF0, s21;
	s15 =	sand.u32 $0x1FFFFFF0, s20;
	s20 =	spop (v2sf);
	(v2sf) =	vpush v2, $0xC  }
0x293: {  	s14 =	sadd.s32 s3, s14;
	s20 =	sand.u32 $0x1FFFFFF0, s20;
	s21 =	spop (v2sf)  }
0x294: {  	[tilespmem:s18], [sflag:$0x1] =	stream.linear.gather [hbm4b:s14+s2], $0x80, $0x38;
	(v2sf) =	vpush v2, $0xD;
	[tilespmem:$0x10880] =	vst v63  }
0x295: {  	s14 =	sadd.s32 s3, s20;
	s18 =	sand.u32 $0x1FFFFFF0, s21;
	s20 =	spop (v2sf)  }
0x296: {  	[tilespmem:s19], [sflag:$0x1] =	stream.linear.gather [hbm4b:s14+s2], $0x80, $0x38;
	(v2sf) =	vpush v2, $0xE;
	[tilespmem:$0x10880] =	vst v63  }
0x297: {  	s14 =	sadd.s32 s3, s15;
	s15 =	sand.u32 $0x1FFFFFF0, s20;
	s19 =	spop (v2sf)  }
0x298: {  	[tilespmem:s16], [sflag:$0x1] =	stream.linear.gather [hbm4b:s14+s2], $0x80, $0x38;
	(v2sf) =	vpush v2, $0xF;
	[tilespmem:$0x10880] =	vst v63  }
0x299: {  	s14 =	sadd.s32 s3, s18;
	s16 =	sand.u32 $0x1FFFFFF0, s19;
	s18 =	spop (v2sf)  }
0x29a: {  	[tilespmem:s13], [sflag:$0x1] =	stream.linear.gather [hbm4b:s14+s2], $0x80, $0x38;
	[tilespmem:$0x10880] =	vst v63  }
0x29b: {  	s13 =	sadd.s32 s3, s15;
	s14 =	sand.u32 $0x1FFFFFF0, s18;
	s15 =	spop (v2sf)  }
0x29c: {  	[tilespmem:s17], [sflag:$0x1] =	stream.linear.gather [hbm4b:s13+s2], $0x80, $0x38;
	[tilespmem:$0x10880] =	vst v63  }
0x29d: {  	s13 =	sadd.s32 s3, s16;
	s15 =	sand.u32 $0x1FFFFFF0, s15;
	s16 =	spop (v2sf)  }
0x29e: {  	[tilespmem:s11], [sflag:$0x1] =	stream.linear.gather [hbm4b:s13+s2], $0x80, $0x38;
	[tilespmem:$0x10880] =	vst v63  }
0x29f: {  	s11 =	sadd.s32 s3, s14;
	s13 =	sand.u32 $0x1FFFFFF0, s16;
	s14 =	spop (v2sf)  }
0x2a0: {  	[tilespmem:s10], [sflag:$0x1] =	stream.linear.gather [hbm4b:s11+s2], $0x80, $0x38;
	[tilespmem:$0x10880] =	vst v63  }
0x2a1: {  	s10 =	sadd.s32 s3, s15;
	s11 =	sand.u32 $0x1FFFFFF0, s14;
	s14 =	spop (v2sf)  }
0x2a2: {  	[tilespmem:s12], [sflag:$0x1] =	stream.linear.gather [hbm4b:s10+s2], $0x80, $0x38;
	[tilespmem:$0x10880] =	vst v63  }
0x2a3: {  	s10 =	sadd.s32 s3, s13;
	s12 =	sand.u32 $0x1FFFFFF0, s14;
	s13 =	spop (v2sf)  }
0x2a4: {  	[tilespmem:s9], [sflag:$0x1] =	stream.linear.gather [hbm4b:s10+s2], $0x80, $0x38;
	[tilespmem:$0x10880] =	vst v63  }
0x2a5: {  	s9 =	sadd.s32 s3, s11;
	s10 =	sand.u32 $0x1FFFFFF0, s13;
	s11 =	spop (v2sf)  }
0x2a6: {  	[tilespmem:s8], [sflag:$0x1] =	stream.linear.gather [hbm4b:s9+s2], $0x80, $0x38;
	[tilespmem:$0x10880] =	vst v63  }
0x2a7: {  	s8 =	sadd.s32 s3, s12;
	s9 =	sand.u32 $0x1FFFFFF0, s11;
	s11 =	spop (v2sf)  }
0x2a8: {  	[tilespmem:s6], [sflag:$0x1] =	stream.linear.gather [hbm4b:s8+s2], $0x80, $0x38;
	[tilespmem:$0x10880] =	vst v63  }
0x2a9: {  	s6 =	sadd.s32 s3, s10;
	s8 =	sand.u32 $0x1FFFFFF0, s11  }
0x2aa: {  	[tilespmem:s7], [sflag:$0x1] =	stream.linear.gather [hbm4b:s6+s2], $0x80, $0x38;
	[tilespmem:$0x10880] =	vst v63  }
0x2ab: {  	s6 =	sadd.s32 $0xF80, s0;
	s7 =	sadd.s32 s3, s9  }
0x2ac: {  	[tilespmem:s6], [sflag:$0x1] =	stream.linear.gather [hbm4b:s7+s2], $0x80, $0x38;
	[tilespmem:$0x10880] =	vst v63  }
0x2ad: {  	s0 =	sadd.s32 $0x1000, s0;
	s6 =	sadd.s32 s3, s8  }
0x2ae: {  	[tilespmem:s0], [sflag:$0x1] =	stream.linear.gather [hbm4b:s6+s2], $0x80, $0x38;
	[tilespmem:$0x10880] =	vst v63  }
0x2af: {  	v2 =	vld [tilespmem:s1+$0x0];
	_ =	sdelay $0x4  }
0x2b0: {  	v2 =	vshll.u32 v2, $0x4  }
0x2b1: {  	(v2sf) =	vpush v2, $0x0  }
0x2b2: {  	(v2sf) =	vpush v2, $0x1  }
0x2b3: {  	(v2sf) =	vpush v2, $0x2;
	_ =	sdelay $0x1  }
0x2b4: {  	(v2sf) =	vpush v2, $0x4  }
.Ltmp1:
0x2b5: {  	(pc) =	sbr.rel @p1 .LBB2_4-.Ltmp1, $3  }
0x2b6: {  	(v2sf) =	vpush v2, $0x3  }
0x2b7: {  	(v2sf) =	vpush v2, $0x5;
	_ =	sdelay $0x1  }
0x2b8: {  	s0 =	sshra.s32 s5, $0x2;
	(v2sf) =	vpush v2, $0x6  }
0x2b9: {  	_ =	sdelay $0x1  }
0x2ba: {  	s6 =	sadd.s32 $0x900, s0;
	s5 =	sadd.s32 $0xE00, s0  }
0x2bb: {  	s7 =	sadd.s32 $0xC00, s0;
	s1 =	sadd.s32 $0xE80, s0;
	(v2sf) =	vpush v2, $0x7;
	s8 =	sadd.s32 $0xB00, s0  }
0x2bc: {  	s9 =	sadd.s32 $0xC80, s0;
	s4 =	sadd.s32 $0xF00, s0;
	s10 =	sadd.s32 $0x880, s0  }
0x2bd: {  	s11 =	sadd.s32 $0xA80, s0;
	s12 =	sadd.s32 $0xB80, s0;
	(v2sf) =	vpush v2, $0x8;
	s13 =	spop (v2sf)  }
0x2be: {  	s14 =	sadd.s32 $0x980, s0;
	s13 =	sand.u32 $0x1FFFFFF0, s13;
	s15 =	spop (v2sf)  }
0x2bf: {  	(v2sf) =	vpush v2, $0x9;
	s13 =	sadd.s32 s3, s13;
	s15 =	sand.u32 $0x1FFFFFF0, s15;
	s16 =	spop (v2sf)  }
0x2c0: {  	[tilespmem:s10], [sflag:$0x1] =	stream.linear.gather [hbm4b:s13+s2], $0x80, $0x38;
	[tilespmem:$0x10880] =	vst v63  }
0x2c1: {  	s20 =	sadd.s32 $0xD00, s0;
	(v2sf) =	vpush v2, $0xA;
	s18 =	sadd.s32 s3, s15;
	s19 =	spop (v2sf)  }
0x2c2: {  	[tilespmem:s6], [sflag:$0x1] =	stream.linear.gather [hbm4b:s18+s2], $0x80, $0x38;
	[tilespmem:$0x10880] =	vst v63  }
0x2c3: {  	s17 =	sadd.s32 $0xA00, s0;
	s21 =	sand.u32 $0x1FFFFFF0, s16;
	(v2sf) =	vpush v2, $0xB;
	s22 =	spop (v2sf)  }
0x2c4: {  	s10 =	sadd.s32 $0xD80, s0;
	s13 =	sadd.s32 s3, s21;
	s16 =	sand.u32 $0x1FFFFFF0, s22  }
0x2c5: {  	(v2sf) =	vpush v2, $0xC;
	[tilespmem:s14], [sflag:$0x1] =	stream.linear.gather [hbm4b:s13+s2], $0x80, $0x38;
	[tilespmem:$0x10880] =	vst v63  }
0x2c6: {  	s23 =	sand.u32 $0x1FFFFFF0, s19;
	s24 =	spop (v2sf);
	s25 =	sadd.s32 s3, s16  }
0x2c7: {  	(v2sf) =	vpush v2, $0xD;
	[tilespmem:s17], [sflag:$0x1] =	stream.linear.gather [hbm4b:s25+s2], $0x80, $0x38;
	[tilespmem:$0x10880] =	vst v63  }
0x2c8: {  	s13 =	sadd.s32 s3, s23;
	s14 =	sand.u32 $0x1FFFFFF0, s24;
	s26 =	spop (v2sf)  }
0x2c9: {  	(v2sf) =	vpush v2, $0xE;
	[tilespmem:s11], [sflag:$0x1] =	stream.linear.gather [hbm4b:s13+s2], $0x80, $0x38;
	[tilespmem:$0x10880] =	vst v63  }
0x2ca: {  	s14 =	sadd.s32 s3, s14;
	s28 =	sand.u32 $0x1FFFFFF0, s26;
	s29 =	spop (v2sf)  }
0x2cb: {  	(v2sf) =	vpush v2, $0xF;
	[tilespmem:s8], [sflag:$0x1] =	stream.linear.gather [hbm4b:s14+s2], $0x80, $0x38;
	[tilespmem:$0x10880] =	vst v63  }
0x2cc: {  	s30 =	sand.u32 $0x1FFFFFF0, s29;
	s31 =	spop (v2sf);
	s11 =	sadd.s32 s3, s28  }
0x2cd: {  	[tilespmem:s12], [sflag:$0x1] =	stream.linear.gather [hbm4b:s11+s2], $0x80, $0x38;
	[tilespmem:$0x10880] =	vst v63  }
0x2ce: {  	s13 =	sand.u32 $0x1FFFFFF0, s31;
	s8 =	sadd.s32 s3, s30;
	s14 =	spop (v2sf)  }
0x2cf: {  	[tilespmem:s7], [sflag:$0x1] =	stream.linear.gather [hbm4b:s8+s2], $0x80, $0x38;
	[tilespmem:$0x10880] =	vst v63  }
0x2d0: {  	s11 =	sadd.s32 s3, s13;
	s15 =	sand.u32 $0x1FFFFFF0, s14;
	s16 =	spop (v2sf)  }
0x2d1: {  	[tilespmem:s9], [sflag:$0x1] =	stream.linear.gather [hbm4b:s11+s2], $0x80, $0x38;
	[tilespmem:$0x10880] =	vst v63  }
0x2d2: {  	s8 =	sand.u32 $0x1FFFFFF0, s16;
	s7 =	sadd.s32 s3, s15;
	s17 =	spop (v2sf)  }
0x2d3: {  	[tilespmem:s20], [sflag:$0x1] =	stream.linear.gather [hbm4b:s7+s2], $0x80, $0x38;
	[tilespmem:$0x10880] =	vst v63  }
0x2d4: {  	s8 =	sadd.s32 s3, s8;
	s18 =	sand.u32 $0x1FFFFFF0, s17;
	s19 =	spop (v2sf)  }
0x2d5: {  	[tilespmem:s10], [sflag:$0x1] =	stream.linear.gather [hbm4b:s8+s2], $0x80, $0x38;
	[tilespmem:$0x10880] =	vst v63  }
0x2d6: {  	s6 =	sadd.s32 s3, s18;
	s7 =	sand.u32 $0x1FFFFFF0, s19;
	s20 =	spop (v2sf)  }
0x2d7: {  	[tilespmem:s5], [sflag:$0x1] =	stream.linear.gather [hbm4b:s6+s2], $0x80, $0x38;
	[tilespmem:$0x10880] =	vst v63  }
0x2d8: {  	s21 =	sand.u32 $0x1FFFFFF0, s20;
	s7 =	sadd.s32 s3, s7;
	s22 =	spop (v2sf)  }
0x2d9: {  	[tilespmem:s1], [sflag:$0x1] =	stream.linear.gather [hbm4b:s7+s2], $0x80, $0x38;
	[tilespmem:$0x10880] =	vst v63  }
0x2da: {  	s23 =	sand.u32 $0x1FFFFFF0, s22;
	s24 =	spop (v2sf);
	s5 =	sadd.s32 s3, s21  }
0x2db: {  	[tilespmem:s4], [sflag:$0x1] =	stream.linear.gather [hbm4b:s5+s2], $0x80, $0x38;
	[tilespmem:$0x10880] =	vst v63  }
0x2dc: {  	s26 =	sadd.s32 $0xF80, s0;
	s25 =	sand.u32 $0x1FFFFFF0, s24;
	s1 =	sadd.s32 s3, s23  }
0x2dd: {  	[tilespmem:s26], [sflag:$0x1] =	stream.linear.gather [hbm4b:s1+s2], $0x80, $0x38;
	[tilespmem:$0x10880] =	vst v63  }
0x2de: {  	s28 =	sadd.s32 $0x1000, s0;
	s29 =	sadd.s32 s3, s25;
	s23 =	simm.s32 $0x1  }
0x2df: {  	[tilespmem:s28], [sflag:$0x1] =	stream.linear.gather [hbm4b:s29+s2], $0x80, $0x38;
	[tilespmem:$0x10880] =	vst v63  }
0x2e0: {  	_ =	swait.ge [sflag:s23], $0x10000  }
0x2e1: {  	s0 =	simm.s32 $0x0;
	s22 =	simm.s32 $0x2;
	[sflag:s23] =	ssyncset.done $0x0  }
0x2e2: {  	s24 =	simm.s32 $0x880;
	s30 =	rddreg [dreg:$0x4];
	[sflag:s23] =	ssyncadd.s32 $0xFFFF0000  }
0x2e3: {  	[hbm4b:s30+s0] =	stream.linear.scatter [tilespmem:s24], [sflag:$0x2], $0x10000, $0x38;
	[tilespmem:$0x10880] =	vst v63  }
0x2e4: {  	_ =	swait.ge [sflag:s22], $0x10000  }
0x2e5: {  	[sflag:s22] =	ssyncset.done $0x0  }
0x2e6: {  	s31 =	sand.u32 $0x1F0, s0;
	[sflag:s22] =	ssyncadd.s32 $0xFFFF0000  }
0x2e7: {  	v2 =	vld [tilespmem:s31+$0x680];
	_ =	sdelay $0x4  }
0x2e8: {  	v2 =	vshll.u32 v2, $0x4  }
0x2e9: {  	(v2sf) =	vpush v2, $0x0  }
0x2ea: {  	(v2sf) =	vpush v2, $0x2  }
0x2eb: {  	(v2sf) =	vpush v2, $0x1;
	_ =	sdelay $0x1  }
0x2ec: {  	(v2sf) =	vpush v2, $0x3  }
0x2ed: {  	(v2sf) =	vpush v2, $0x4;
	_ =	sdelay $0x2  }
0x2ee: {  	s4 =	simm.s32 $0x10;
	s1 =	simm.s32 $0x2000  }
.LBB2_6:
0x2ef: {  	p1 =	sne.s32 s1, $0x3E000;
	(v2sf) =	vpush v2, $0x5;
	s6 =	smov.u32 s1;
	s1 =	sadd.s32 $0x2000, s1  }
0x2f0: {  	s5 =	sshra.s32 s0, $0x2;
	s0 =	smov.u32 s6  }
0x2f1: {  	s13 =	sadd.s32 $0x900, s5;
	(v2sf) =	vpush v2, $0x6  }
0x2f2: {  	s14 =	sadd.s32 $0x880, s5  }
0x2f3: {  	s8 =	sadd.s32 $0xE00, s5;
	s7 =	sadd.s32 $0xE80, s5;
	s6 =	sadd.s32 $0xF00, s5;
	(v2sf) =	vpush v2, $0x7  }
0x2f4: {  	s11 =	sadd.s32 $0xC80, s5;
	s10 =	sadd.s32 $0xD00, s5;
	s9 =	sadd.s32 $0xD80, s5  }
0x2f5: {  	s15 =	sadd.s32 $0xB80, s5;
	s12 =	sadd.s32 $0xC00, s5;
	s16 =	spop (v2sf);
	(v2sf) =	vpush v2, $0x8  }
0x2f6: {  	s17 =	sadd.s32 $0x980, s5;
	s16 =	sand.u32 $0x1FFFFFF0, s16;
	s18 =	spop (v2sf)  }
0x2f7: {  	s19 =	sadd.s32 $0xB00, s5;
	s16 =	sadd.s32 s3, s16;
	s20 =	spop (v2sf);
	(v2sf) =	vpush v2, $0x9  }
0x2f8: {  	[tilespmem:s14], [sflag:$0x1] =	stream.linear.gather [hbm4b:s16+s2], $0x80, $0x38;
	[tilespmem:$0x10880] =	vst v63  }
0x2f9: {  	s14 =	sand.u32 $0x1FFFFFF0, s20;
	s16 =	sand.u32 $0x1FFFFFF0, s18;
	s18 =	spop (v2sf);
	(v2sf) =	vpush v2, $0xA  }
0x2fa: {  	s20 =	sadd.s32 $0xA80, s5;
	s14 =	sadd.s32 s3, s14;
	s21 =	spop (v2sf)  }
0x2fb: {  	[tilespmem:s13], [sflag:$0x1] =	stream.linear.gather [hbm4b:s14+s2], $0x80, $0x38;
	(v2sf) =	vpush v2, $0xB;
	[tilespmem:$0x10880] =	vst v63  }
0x2fc: {  	s13 =	sadd.s32 s3, s16;
	s14 =	sand.u32 $0x1FFFFFF0, s18;
	s16 =	sand.u32 $0x1FFFFFF0, s21  }
0x2fd: {  	[tilespmem:s17], [sflag:$0x1] =	stream.linear.gather [hbm4b:s13+s2], $0x80, $0x38;
	(v2sf) =	vpush v2, $0xC;
	[tilespmem:$0x10880] =	vst v63  }
0x2fe: {  	s14 =	sadd.s32 s3, s14;
	s13 =	sadd.s32 $0xA00, s5;
	s17 =	spop (v2sf)  }
0x2ff: {  	[tilespmem:s13], [sflag:$0x1] =	stream.linear.gather [hbm4b:s14+s2], $0x80, $0x38;
	(v2sf) =	vpush v2, $0xD;
	[tilespmem:$0x10880] =	vst v63  }
0x300: {  	s13 =	sadd.s32 s3, s16;
	s14 =	sand.u32 $0x1FFFFFF0, s17;
	s16 =	spop (v2sf)  }
0x301: {  	[tilespmem:s20], [sflag:$0x1] =	stream.linear.gather [hbm4b:s13+s2], $0x80, $0x38;
	(v2sf) =	vpush v2, $0xE;
	[tilespmem:$0x10880] =	vst v63  }
0x302: {  	s13 =	sadd.s32 s3, s14;
	s14 =	sand.u32 $0x1FFFFFF0, s16;
	s16 =	spop (v2sf)  }
0x303: {  	[tilespmem:s19], [sflag:$0x1] =	stream.linear.gather [hbm4b:s13+s2], $0x80, $0x38;
	(v2sf) =	vpush v2, $0xF;
	[tilespmem:$0x10880] =	vst v63  }
0x304: {  	s13 =	sadd.s32 s3, s14;
	s14 =	sand.u32 $0x1FFFFFF0, s16;
	s16 =	spop (v2sf)  }
0x305: {  	[tilespmem:s15], [sflag:$0x1] =	stream.linear.gather [hbm4b:s13+s2], $0x80, $0x38;
	[tilespmem:$0x10880] =	vst v63  }
0x306: {  	s13 =	sadd.s32 s3, s14;
	s14 =	sand.u32 $0x1FFFFFF0, s16;
	s15 =	spop (v2sf)  }
0x307: {  	[tilespmem:s12], [sflag:$0x1] =	stream.linear.gather [hbm4b:s13+s2], $0x80, $0x38;
	[tilespmem:$0x10880] =	vst v63  }
0x308: {  	s12 =	sadd.s32 s3, s14;
	s13 =	sand.u32 $0x1FFFFFF0, s15;
	s14 =	spop (v2sf)  }
0x309: {  	[tilespmem:s11], [sflag:$0x1] =	stream.linear.gather [hbm4b:s12+s2], $0x80, $0x38;
	[tilespmem:$0x10880] =	vst v63  }
0x30a: {  	s11 =	sadd.s32 s3, s13;
	s12 =	sand.u32 $0x1FFFFFF0, s14;
	s13 =	spop (v2sf)  }
0x30b: {  	[tilespmem:s10], [sflag:$0x1] =	stream.linear.gather [hbm4b:s11+s2], $0x80, $0x38;
	[tilespmem:$0x10880] =	vst v63  }
0x30c: {  	s10 =	sadd.s32 s3, s12;
	s11 =	sand.u32 $0x1FFFFFF0, s13;
	s12 =	spop (v2sf)  }
0x30d: {  	[tilespmem:s9], [sflag:$0x1] =	stream.linear.gather [hbm4b:s10+s2], $0x80, $0x38;
	[tilespmem:$0x10880] =	vst v63  }
0x30e: {  	s9 =	sadd.s32 s3, s11;
	s10 =	sand.u32 $0x1FFFFFF0, s12;
	s11 =	spop (v2sf)  }
0x30f: {  	[tilespmem:s8], [sflag:$0x1] =	stream.linear.gather [hbm4b:s9+s2], $0x80, $0x38;
	[tilespmem:$0x10880] =	vst v63  }
0x310: {  	s8 =	sadd.s32 s3, s10;
	s9 =	sand.u32 $0x1FFFFFF0, s11;
	s10 =	spop (v2sf)  }
0x311: {  	[tilespmem:s7], [sflag:$0x1] =	stream.linear.gather [hbm4b:s8+s2], $0x80, $0x38;
	[tilespmem:$0x10880] =	vst v63  }
0x312: {  	s7 =	sadd.s32 s3, s9;
	s8 =	sand.u32 $0x1FFFFFF0, s10;
	s9 =	spop (v2sf)  }
0x313: {  	[tilespmem:s6], [sflag:$0x1] =	stream.linear.gather [hbm4b:s7+s2], $0x80, $0x38;
	[tilespmem:$0x10880] =	vst v63  }
0x314: {  	s6 =	sadd.s32 $0xF80, s5;
	s7 =	sadd.s32 s3, s8;
	s8 =	sand.u32 $0x1FFFFFF0, s9  }
0x315: {  	[tilespmem:s6], [sflag:$0x1] =	stream.linear.gather [hbm4b:s7+s2], $0x80, $0x38;
	[tilespmem:$0x10880] =	vst v63  }
0x316: {  	s5 =	sadd.s32 $0x1000, s5;
	s6 =	sand.u32 $0x1F0, s4;
	s7 =	sadd.s32 s3, s8  }
0x317: {  	[tilespmem:s5], [sflag:$0x1] =	stream.linear.gather [hbm4b:s7+s2], $0x80, $0x38;
	[tilespmem:$0x10880] =	vst v63  }
0x318: {  	v2 =	vld [tilespmem:s6+$0x680];
	_ =	sdelay $0x4  }
0x319: {  	v2 =	vshll.u32 v2, $0x4  }
0x31a: {  	(v2sf) =	vpush v2, $0x0  }
0x31b: {  	(v2sf) =	vpush v2, $0x2  }
0x31c: {  	(v2sf) =	vpush v2, $0x1;
	_ =	sdelay $0x1  }
.Ltmp2:
0x31d: {  	(v2sf) =	vpush v2, $0x3;
	(pc) =	sbr.rel @p1 .LBB2_6-.Ltmp2, $2  }
0x31e: {  	(v2sf) =	vpush v2, $0x4;
	_ =	sdelay $0x2  }
0x31f: {  	s4 =	sadd.s32 $0x10, s4  }
0x320: {  	(v2sf) =	vpush v2, $0x5;
	_ =	sdelay $0x1  }
0x321: {  	s0 =	sshra.s32 s0, $0x2;
	(v2sf) =	vpush v2, $0x6  }
0x322: {  	s6 =	sadd.s32 $0x900, s0;
	s7 =	sadd.s32 $0x880, s0  }
0x323: {  	s5 =	sadd.s32 $0xE00, s0;
	s4 =	sadd.s32 $0xE80, s0;
	s1 =	sadd.s32 $0xF00, s0;
	(v2sf) =	vpush v2, $0x7  }
0x324: {  	s8 =	sadd.s32 $0xC80, s0;
	s9 =	sadd.s32 $0xD00, s0;
	s10 =	sadd.s32 $0xD80, s0  }
0x325: {  	s11 =	sadd.s32 $0xB80, s0;
	s12 =	sadd.s32 $0xC00, s0;
	s13 =	spop (v2sf);
	(v2sf) =	vpush v2, $0x8  }
0x326: {  	s14 =	sadd.s32 $0x980, s0;
	s13 =	sand.u32 $0x1FFFFFF0, s13;
	s15 =	spop (v2sf)  }
0x327: {  	s16 =	sadd.s32 $0xB00, s0;
	s13 =	sadd.s32 s3, s13;
	s17 =	spop (v2sf);
	(v2sf) =	vpush v2, $0x9  }
0x328: {  	[tilespmem:s7], [sflag:$0x1] =	stream.linear.gather [hbm4b:s13+s2], $0x80, $0x38;
	[tilespmem:$0x10880] =	vst v63  }
0x329: {  	s19 =	sadd.s32 $0xA80, s0;
	s13 =	sand.u32 $0x1FFFFFF0, s17;
	s17 =	spop (v2sf);
	(v2sf) =	vpush v2, $0xA  }
0x32a: {  	s15 =	sand.u32 $0x1FFFFFF0, s15;
	s7 =	sadd.s32 s3, s13;
	s18 =	spop (v2sf)  }
0x32b: {  	[tilespmem:s6], [sflag:$0x1] =	stream.linear.gather [hbm4b:s7+s2], $0x80, $0x38;
	(v2sf) =	vpush v2, $0xB;
	[tilespmem:$0x10880] =	vst v63  }
0x32c: {  	s26 =	sadd.s32 $0xA00, s0;
	s20 =	sadd.s32 s3, s15;
	s21 =	sand.u32 $0x1FFFFFF0, s17  }
0x32d: {  	(v2sf) =	vpush v2, $0xC;
	[tilespmem:s14], [sflag:$0x1] =	stream.linear.gather [hbm4b:s20+s2], $0x80, $0x38;
	[tilespmem:$0x10880] =	vst v63  }
0x32e: {  	s25 =	sand.u32 $0x1FFFFFF0, s18;
	s7 =	sadd.s32 s3, s21;
	s28 =	spop (v2sf)  }
0x32f: {  	[tilespmem:s26], [sflag:$0x1] =	stream.linear.gather [hbm4b:s7+s2], $0x80, $0x38;
	(v2sf) =	vpush v2, $0xD;
	[tilespmem:$0x10880] =	vst v63  }
0x330: {  	s29 =	sadd.s32 s3, s25;
	s30 =	sand.u32 $0x1FFFFFF0, s28;
	s31 =	spop (v2sf)  }
0x331: {  	(v2sf) =	vpush v2, $0xE;
	[tilespmem:s19], [sflag:$0x1] =	stream.linear.gather [hbm4b:s29+s2], $0x80, $0x38;
	[tilespmem:$0x10880] =	vst v63  }
0x332: {  	s7 =	sadd.s32 s3, s30;
	s14 =	sand.u32 $0x1FFFFFF0, s31;
	s15 =	spop (v2sf)  }
0x333: {  	(v2sf) =	vpush v2, $0xF;
	[tilespmem:s16], [sflag:$0x1] =	stream.linear.gather [hbm4b:s7+s2], $0x80, $0x38;
	[tilespmem:$0x10880] =	vst v63  }
0x334: {  	s17 =	sand.u32 $0x1FFFFFF0, s15;
	s16 =	sadd.s32 s3, s14;
	s18 =	spop (v2sf)  }
0x335: {  	[tilespmem:s11], [sflag:$0x1] =	stream.linear.gather [hbm4b:s16+s2], $0x80, $0x38;
	[tilespmem:$0x10880] =	vst v63  }
0x336: {  	s19 =	sadd.s32 s3, s17;
	s20 =	sand.u32 $0x1FFFFFF0, s18;
	s21 =	spop (v2sf)  }
0x337: {  	[tilespmem:s12], [sflag:$0x1] =	stream.linear.gather [hbm4b:s19+s2], $0x80, $0x38;
	[tilespmem:$0x10880] =	vst v63  }
0x338: {  	s25 =	sadd.s32 s3, s20;
	s26 =	sand.u32 $0x1FFFFFF0, s21;
	s28 =	spop (v2sf)  }
0x339: {  	[tilespmem:s8], [sflag:$0x1] =	stream.linear.gather [hbm4b:s25+s2], $0x80, $0x38;
	[tilespmem:$0x10880] =	vst v63  }
0x33a: {  	s29 =	sadd.s32 s3, s26;
	s30 =	sand.u32 $0x1FFFFFF0, s28;
	s31 =	spop (v2sf)  }
0x33b: {  	[tilespmem:s9], [sflag:$0x1] =	stream.linear.gather [hbm4b:s29+s2], $0x80, $0x38;
	[tilespmem:$0x10880] =	vst v63  }
0x33c: {  	s7 =	sadd.s32 s3, s30;
	s9 =	sand.u32 $0x1FFFFFF0, s31;
	s11 =	spop (v2sf)  }
0x33d: {  	[tilespmem:s10], [sflag:$0x1] =	stream.linear.gather [hbm4b:s7+s2], $0x80, $0x38;
	[tilespmem:$0x10880] =	vst v63  }
0x33e: {  	s12 =	sadd.s32 s3, s9;
	s13 =	sand.u32 $0x1FFFFFF0, s11;
	s14 =	spop (v2sf)  }
0x33f: {  	[tilespmem:s5], [sflag:$0x1] =	stream.linear.gather [hbm4b:s12+s2], $0x80, $0x38;
	[tilespmem:$0x10880] =	vst v63  }
0x340: {  	s15 =	sadd.s32 s3, s13;
	s16 =	sand.u32 $0x1FFFFFF0, s14;
	s17 =	spop (v2sf)  }
0x341: {  	[tilespmem:s4], [sflag:$0x1] =	stream.linear.gather [hbm4b:s15+s2], $0x80, $0x38;
	[tilespmem:$0x10880] =	vst v63  }
0x342: {  	s18 =	sadd.s32 s3, s16;
	s19 =	sand.u32 $0x1FFFFFF0, s17;
	s20 =	spop (v2sf)  }
0x343: {  	[tilespmem:s1], [sflag:$0x1] =	stream.linear.gather [hbm4b:s18+s2], $0x80, $0x38;
	[tilespmem:$0x10880] =	vst v63  }
0x344: {  	s21 =	sadd.s32 $0xF80, s0;
	s25 =	sadd.s32 s3, s19;
	s26 =	sand.u32 $0x1FFFFFF0, s20  }
0x345: {  	[tilespmem:s21], [sflag:$0x1] =	stream.linear.gather [hbm4b:s25+s2], $0x80, $0x38;
	[tilespmem:$0x10880] =	vst v63  }
0x346: {  	s0 =	sadd.s32 $0x1000, s0;
	s28 =	sadd.s32 s3, s26  }
0x347: {  	[tilespmem:s0], [sflag:$0x1] =	stream.linear.gather [hbm4b:s28+s2], $0x80, $0x38;
	[tilespmem:$0x10880] =	vst v63  }
0x348: {  	_ =	swait.ge [sflag:s23], $0x10000  }
0x349: {  	[sflag:s23] =	ssyncset.done $0x0  }
0x34a: {  	s29 =	rddreg [dreg:$0x6];
	[sflag:s23] =	ssyncadd.s32 $0xFFFF0000  }
0x34b: {  	[hbm4b:s29+s2] =	stream.linear.scatter [tilespmem:s24], [sflag:$0x2], $0x10000, $0x38;
	[tilespmem:$0x10880] =	vst v63  }
0x34c: {  	_ =	swait.ge [sflag:s22], $0x10000  }
0x34d: {  	s30 =	rddreg [dreg:$0x8]  }
0x34e: {  	s31 =	rddreg [dreg:$0x7];
	s1 =	sadd.s32 $0x1, s30  }
0x34f: {  	p1 =	sne.s32 s1, s31  }
.Ltmp3:
0x350: {  	_ = 	snop;
	(pc) =	sbr.rel @p1 .LBB2_1-.Ltmp3, $3  }
0x351: {  	_ =	sdelay $0x1  }
0x352: {  	[sflag:s22] =	ssyncset.done $0x0  }
0x353: {  	[sflag:s22] =	ssyncadd.s32 $0xFFFF0000  }
0x354: {  	_ =	sfence.sel $0x180000  }
0x355: {  	[bflag:$0x0] =	sbarrier.arrive $0xFFFF  }
0x356: {  	_ =	strace $0x90000047  }
0x357: {  	s0 =	stileid.u32;
	[bflag:$0x2] =	sbarrier.arrive $0xFFFF  }
0x358: {  	p0 =	sne.s32 s0, $0x0;
	s0 =	rddreg [dreg:$0x2]  }
0x359: {  	s0 =	sadd.s32 @!p0 $0x100000, s0  }
0x35a: {  	[sflag:s0] =	ssyncadd.tile.s32 @!p0 $0x1;
	_ =	shalt  }
.Lfunc_end2:
_tile_overlayer_lowered:
.L_overlay_start_2:
0x35b: {  	(tag) =	ssettag $0x2  }
0x35c: {  	s0 =	rddreg [dreg:$0x0];
	s2 =	stileid.u32  }
0x35d: {  	s1 =	rddreg [dreg:$0x1];
	p0 =	sne.s32 s2, $0x0  }
0x35e: {  	s3 =	rddreg [dreg:$0x2];
	[bflag:$0x3] =	sbarrier.arrive $0xFFFF;
	s2 =	simm.s32 @!p0 $0x1C02  }
0x35f: {  	[timem:s3], [sflag:s2] =	dma.local @!p0 [hbm:s0], s1  }
0x360: {  	s0 =	simm.s32 @!p0 $0x2  }
0x361: {  	_ =	swait.ge @!p0 [sflag:s0], s1  }
0x362: {  	s1 =	ssub.s32 @!p0 $0x0, s1;
	[sflag:s0] =	ssyncset.done @!p0 $0x0  }
0x363: {  	[sflag:s0] =	ssyncadd.s32 @!p0 s1  }
0x364: {  	[bflag:$0x3] =	sbarrier.arrive $0xFFFF  }
0x365: {  	_ =	shalt  }

</sc_bundles>
